<compile_context>
chip_gen: v7x
topology: tpu7x:2x2x1
jax: 0.10.2.dev20260603
libtpu: 0.0.44.dev20260713+nightly
codegen_flags: <defaults>
</compile_context>

<pallas_src>
import functools

import jax
import jax.numpy as jnp
from jax import lax
from jax.experimental import pallas as pl
from jax.experimental.pallas import tpu as pltpu
from jax.experimental.pallas import tpu_sc as plsc

_B = 16384
_D = 32
_NC = 2
_NS = 16
_NW = _NC * _NS
_BPW = _B // _NW
_CH = 4
_NCHUNK = _BPW // _CH


def _sc_body(uidx_hbm, iidx_hbm, ut_hbm, it_hbm, out_hbm,
             uidx_v, iidx_v, ubuf, ibuf, out_v,
             sem0, sem1):
    wid = lax.axis_index("s") * _NC + lax.axis_index("c")

    pltpu.sync_copy(uidx_hbm.at[wid], uidx_v)
    pltpu.sync_copy(iidx_hbm.at[wid], iidx_v)

    lanes0 = lax.iota(jnp.int32, 16)

    def scalar_idx(idx_v, item):
        vec = idx_v[pl.ds((item // 16) * 16, 16)]
        return jnp.sum(jnp.where(lanes0 == (item & 15), vec, 0))

    def fire(c, pb, sem):
        for j in range(_CH):
            item = c * _CH + j
            ur = scalar_idx(uidx_v, item)
            cu = pl.multiple_of((ur >> 7) * 128, 128)
            pltpu.async_copy(ut_hbm.at[:, pl.ds(cu, 128)],
                             ubuf.at[pb, j], sem)
            ir = scalar_idx(iidx_v, item)
            ci = pl.multiple_of((ir >> 7) * 128, 128)
            pltpu.async_copy(it_hbm.at[:, pl.ds(ci, 128)],
                             ibuf.at[pb, j], sem)

    def drain(pb, sem):
        for j in range(_CH):
            pltpu.make_async_copy(ut_hbm.at[:, pl.ds(0, 128)],
                                  ubuf.at[pb, j], sem).wait()
            pltpu.make_async_copy(it_hbm.at[:, pl.ds(0, 128)],
                                  ibuf.at[pb, j], sem).wait()

    lanes = lax.iota(jnp.int32, 16)

    def compute(c, pb, acc):
        pbv = jnp.full((16,), pb, jnp.int32)
        for j in range(_CH):
            item = c * _CH + j
            jv = jnp.full((16,), j, jnp.int32)
            cu = jnp.full((16,), scalar_idx(uidx_v, item) & 127, jnp.int32)
            ci = jnp.full((16,), scalar_idx(iidx_v, item) & 127, jnp.int32)
            gu1 = plsc.load_gather(ubuf, [pbv, jv, lanes, cu])
            gu2 = plsc.load_gather(ubuf, [pbv, jv, lanes + 16, cu])
            gi1 = plsc.load_gather(ibuf, [pbv, jv, lanes, ci])
            gi2 = plsc.load_gather(ibuf, [pbv, jv, lanes + 16, ci])
            p = gu1 * gi1 + gu2 * gi2
            s = jnp.sum(p)
            acc = jnp.where(lanes == (item & 15), jnp.full((16,), s), acc)
        return acc

    fire(0, 0, sem0)

    def step(k, acc):
        c0 = 2 * k
        fire(c0 + 1, 1, sem1)
        drain(0, sem0)
        acc = compute(c0, 0, acc)

        @pl.when(c0 + 2 < _NCHUNK)
        def _():
            fire(c0 + 2, 0, sem0)

        drain(1, sem1)
        acc = compute(c0 + 1, 1, acc)

        @pl.when(k % 2 == 1)
        def _():
            out_v[pl.ds((k // 2) * 16, 16)] = acc

        return acc

    lax.fori_loop(0, _NCHUNK // 2, step, jnp.zeros((16,), jnp.float32))
    pltpu.sync_copy(out_v, out_hbm.at[wid])


@jax.jit
def _sc_call(uidx, iidx, ut, it):
    mesh = plsc.VectorSubcoreMesh(core_axis_name="c", subcore_axis_name="s")
    fn = functools.partial(
        pl.kernel,
        mesh=mesh,
        out_type=jax.ShapeDtypeStruct((_NW, _BPW), jnp.float32),
        scratch_types=[
            pltpu.VMEM((_BPW,), jnp.int32),
            pltpu.VMEM((_BPW,), jnp.int32),
            pltpu.VMEM((2, _CH, _D, 128), jnp.float32),
            pltpu.VMEM((2, _CH, _D, 128), jnp.float32),
            pltpu.VMEM((_BPW,), jnp.float32),
            pltpu.SemaphoreType.DMA,
            pltpu.SemaphoreType.DMA,
        ],
        compiler_params=pltpu.CompilerParams(needs_layout_passes=False),
    )(_sc_body)
    return fn(uidx, iidx, ut, it)


def kernel(input_tensor, user_table, item_table):
    uidx = input_tensor[:, 0].astype(jnp.int32).reshape(_NW, _BPW)
    iidx = input_tensor[:, 1].astype(jnp.int32).reshape(_NW, _BPW)
    out = _sc_call(uidx, iidx, user_table.T, item_table.T)
    return out.reshape(_B, 1)

# --- scband reference (transcript-rebuilt; emitter-appended) ---
"""Pipeline reference for scband-cfmodel-51161650430279 (READ-ONLY COPY).

The authoritative reference and input builder live on the scoring server;
editing this copy changes nothing except your own understanding.
"""

import jax, jax.numpy as jnp
import numpy as np

N_USERS = 1000000
N_ITEMS = 1000000
DIMS = 32
BATCH = 16384


def setup_inputs(seed: int = 0) -> dict:
    key = jax.random.key(seed)
    k1, k2, k3 = jax.random.split(key, 3)
    # input_tensor: batch_size x 2, column 0 = user idx, column 1 = item idx
    user_idx = jax.random.randint(k1, (BATCH, 1), 0, N_USERS, dtype=jnp.int64 if jax.config.jax_enable_x64 else jnp.int32)
    item_idx = jax.random.randint(k2, (BATCH, 1), 0, N_ITEMS, dtype=user_idx.dtype)
    input_tensor = jnp.concatenate([user_idx, item_idx], axis=1)
    # Embedding tables, RandomUniform(-0.01, 0.01) per the module's initializer
    ku, ki = jax.random.split(k3)
    user_table = jax.random.uniform(ku, (N_USERS, DIMS), minval=-0.01, maxval=0.01, dtype=jnp.float32)
    item_table = jax.random.uniform(ki, (N_ITEMS, DIMS), minval=-0.01, maxval=0.01, dtype=jnp.float32)
    return {"input_tensor": input_tensor, "user_table": user_table, "item_table": item_table}


def reference(input_tensor, user_table, item_table):
    # get_users: embedding lookup on column 0 (concrete dot-product CF model)
    user_embeds = jnp.take(user_table, input_tensor[:, 0], axis=0)   # [B, d]
    # get_items: embedding lookup on column 1 (all_pairs=False path)
    item_embeds = jnp.take(item_table, input_tensor[:, 1], axis=0)   # [B, d]
    # score: dot-product similarity, individual pairs -> [B, 1]
    predictions = jnp.sum(user_embeds * item_embeds, axis=-1, keepdims=True)
    return predictions

if __name__ == "__main__":
    import jax
    _d = setup_inputs()
    print(jax.jit(kernel)(*tuple(_d.values())))

</pallas_src>

<mosaic_0001>
#map = affine_map<(d0, d1) -> (0, 0)>
module attributes {stable_mosaic.version = 14 : i64} {
  func.func @_sc_body(%arg0: i32, %arg1: i32, %arg2: memref<32x512xi32, #tpu.memory_space<hbm>>, %arg3: memref<32x512xi32, #tpu.memory_space<hbm>>, %arg4: memref<32x1000000xf32, #tpu.memory_space<hbm>>, %arg5: memref<32x1000000xf32, #tpu.memory_space<hbm>>, %arg6: memref<32x512xf32, #tpu.memory_space<hbm>>, %arg7: memref<512xi32, #tpu.memory_space<vmem>>, %arg8: memref<512xi32, #tpu.memory_space<vmem>>, %arg9: memref<2x4x32x128xf32, #tpu.memory_space<vmem>>, %arg10: memref<2x4x32x128xf32, #tpu.memory_space<vmem>>, %arg11: memref<512xf32, #tpu.memory_space<vmem>>, %arg12: memref<!tpu.dma_semaphore, #tpu.memory_space<semaphore_mem>>, %arg13: memref<!tpu.dma_semaphore, #tpu.memory_space<semaphore_mem>>) attributes {dimension_semantics = [#tpu.dimension_semantics<core_parallel>, #tpu.dimension_semantics<subcore_parallel>], iteration_bounds = array<i64: 2, 16>, scalar_prefetch = 0 : i64, scratch_operands = 7 : i64, tpu.core_type = #tpu.core_type<sc_vector_subcore>, window_params = [{transform_indices = #map}, {transform_indices = #map}, {transform_indices = #map}, {transform_indices = #map}, {transform_indices = #map}]} {
    %mul3A = arith.constant 2 : i32
    %mul3A_0 = arith.muli %arg1, %mul3A : i32
    %add3A = arith.addi %mul3A_0, %arg0 : i32
    "tpu.region"() ({
      %run_scoped3A = tpu.sem_alloc : memref<!tpu.dma_semaphore, #tpu.memory_space<semaphore_mem>>
      %dma_start3A_248 = arith.constant 0 : i32
      %dma_start3A_249 = tpu.memref_slice %arg2[%add3A, %dma_start3A_248] : memref<32x512xi32, #tpu.memory_space<hbm>> -> memref<1x512xi32, #tpu.memory_space<hbm>>
      %dma_start3A_250 = tpu.memref_squeeze %dma_start3A_249 : memref<1x512xi32, #tpu.memory_space<hbm>> -> memref<512xi32, #tpu.memory_space<hbm>>
      %dma_start3A_251 = arith.constant 0 : i32
      %dma_start3A_252 = tpu.memref_slice %arg2[%add3A, %dma_start3A_251] : memref<32x512xi32, #tpu.memory_space<hbm>> -> memref<1x512xi32, #tpu.memory_space<hbm>>
      %dma_start3A_253 = tpu.memref_squeeze %dma_start3A_252 : memref<1x512xi32, #tpu.memory_space<hbm>> -> memref<512xi32, #tpu.memory_space<hbm>>
      tpu.enqueue_dma source(%dma_start3A_253 : memref<512xi32, #tpu.memory_space<hbm>>) target(%arg7 : memref<512xi32, #tpu.memory_space<vmem>>) target_semaphore(%run_scoped3A : memref<!tpu.dma_semaphore, #tpu.memory_space<semaphore_mem>>)
      %dma_wait3A = arith.constant 0 : i32
      %dma_wait3A_254 = tpu.memref_slice %arg2[%add3A, %dma_wait3A] : memref<32x512xi32, #tpu.memory_space<hbm>> -> memref<1x512xi32, #tpu.memory_space<hbm>>
      %dma_wait3A_255 = tpu.memref_squeeze %dma_wait3A_254 : memref<1x512xi32, #tpu.memory_space<hbm>> -> memref<512xi32, #tpu.memory_space<hbm>>
      %dma_wait3A_256 = arith.constant 0 : i32
      %dma_wait3A_257 = tpu.memref_slice %arg2[%add3A, %dma_wait3A_256] : memref<32x512xi32, #tpu.memory_space<hbm>> -> memref<1x512xi32, #tpu.memory_space<hbm>>
      %dma_wait3A_258 = tpu.memref_squeeze %dma_wait3A_257 : memref<1x512xi32, #tpu.memory_space<hbm>> -> memref<512xi32, #tpu.memory_space<hbm>>
      tpu.wait_dma2 semaphore(%run_scoped3A : memref<!tpu.dma_semaphore, #tpu.memory_space<semaphore_mem>>) src(%dma_wait3A_258 : memref<512xi32, #tpu.memory_space<hbm>>) dst(%arg7 : memref<512xi32, #tpu.memory_space<vmem>>)
      tpu.yield
    }) : () -> ()
    "tpu.region"() ({
      %run_scoped3A = tpu.sem_alloc : memref<!tpu.dma_semaphore, #tpu.memory_space<semaphore_mem>>
      %dma_start3A_248 = arith.constant 0 : i32
      %dma_start3A_249 = tpu.memref_slice %arg3[%add3A, %dma_start3A_248] : memref<32x512xi32, #tpu.memory_space<hbm>> -> memref<1x512xi32, #tpu.memory_space<hbm>>
      %dma_start3A_250 = tpu.memref_squeeze %dma_start3A_249 : memref<1x512xi32, #tpu.memory_space<hbm>> -> memref<512xi32, #tpu.memory_space<hbm>>
      %dma_start3A_251 = arith.constant 0 : i32
      %dma_start3A_252 = tpu.memref_slice %arg3[%add3A, %dma_start3A_251] : memref<32x512xi32, #tpu.memory_space<hbm>> -> memref<1x512xi32, #tpu.memory_space<hbm>>
      %dma_start3A_253 = tpu.memref_squeeze %dma_start3A_252 : memref<1x512xi32, #tpu.memory_space<hbm>> -> memref<512xi32, #tpu.memory_space<hbm>>
      tpu.enqueue_dma source(%dma_start3A_253 : memref<512xi32, #tpu.memory_space<hbm>>) target(%arg8 : memref<512xi32, #tpu.memory_space<vmem>>) target_semaphore(%run_scoped3A : memref<!tpu.dma_semaphore, #tpu.memory_space<semaphore_mem>>)
      %dma_wait3A = arith.constant 0 : i32
      %dma_wait3A_254 = tpu.memref_slice %arg3[%add3A, %dma_wait3A] : memref<32x512xi32, #tpu.memory_space<hbm>> -> memref<1x512xi32, #tpu.memory_space<hbm>>
      %dma_wait3A_255 = tpu.memref_squeeze %dma_wait3A_254 : memref<1x512xi32, #tpu.memory_space<hbm>> -> memref<512xi32, #tpu.memory_space<hbm>>
      %dma_wait3A_256 = arith.constant 0 : i32
      %dma_wait3A_257 = tpu.memref_slice %arg3[%add3A, %dma_wait3A_256] : memref<32x512xi32, #tpu.memory_space<hbm>> -> memref<1x512xi32, #tpu.memory_space<hbm>>
      %dma_wait3A_258 = tpu.memref_squeeze %dma_wait3A_257 : memref<1x512xi32, #tpu.memory_space<hbm>> -> memref<512xi32, #tpu.memory_space<hbm>>
      tpu.wait_dma2 semaphore(%run_scoped3A : memref<!tpu.dma_semaphore, #tpu.memory_space<semaphore_mem>>) src(%dma_wait3A_258 : memref<512xi32, #tpu.memory_space<hbm>>) dst(%arg8 : memref<512xi32, #tpu.memory_space<vmem>>)
      tpu.yield
    }) : () -> ()
    %iota3A = tpu.iota {dimensions = array<i32: 0>} : vector<16xi32>
    %iota3A_1 = tpu.iota {dimensions = array<i32: 0>} : vector<16xi32>
    %get3A = arith.constant 0 : index
    %get3A_2 = tpu.vector_load %arg7[%get3A] {strides = array<i32>} : memref<512xi32, #tpu.memory_space<vmem>>, vector<16xi32>,
    %eq3A = arith.constant 0 : i32
    %eq3A_3 = vector.broadcast %eq3A : i32 to vector<16xi32>
    %eq3A_4 = arith.cmpi eq, %iota3A, %eq3A_3 : vector<16xi32>
    %jit3A = arith.constant 0 : i32
    %broadcast_in_dim3A = vector.broadcast %jit3A : i32 to vector<16xi32>
    %select_n3A = arith.select %eq3A_4, %get3A_2, %broadcast_in_dim3A : vector<16xi1>, vector<16xi32>
    %reduce_sum3A = arith.constant true
    %reduce_sum3A_5 = vector.broadcast %reduce_sum3A : i1 to vector<16xi1>
    %reduce_sum3A_6 = tpu.scan <sum>, %select_n3A masked %reduce_sum3A_5 : vector<16xi32>, vector<16xi1> -> vector<16xi32>
    %reduce_sum3A_7 = vector.extract %reduce_sum3A_6[15] : i32 from vector<16xi32>
    %shift_right_arithmetic3A = arith.constant 7 : i32
    %shift_right_arithmetic3A_8 = arith.shrsi %reduce_sum3A_7, %shift_right_arithmetic3A : i32
    %mul3A_9 = arith.constant 128 : i32
    %mul3A_10 = arith.muli %shift_right_arithmetic3A_8, %mul3A_9 : i32
    %multiple_of3A = tpu.assume_multiple %mul3A_10, 128 : i32
    %dma_start3A = arith.constant 0 : i32
    %dma_start3A_11 = arith.constant 0 : i32
    %dma_start3A_12 = arith.constant 0 : i32
    %dma_start3A_13 = arith.constant 0 : i32
    %dma_start3A_14 = tpu.memref_slice %arg9[%dma_start3A, %dma_start3A_11, %dma_start3A_12, %dma_start3A_13] : memref<2x4x32x128xf32, #tpu.memory_space<vmem>> -> memref<1x1x32x128xf32, #tpu.memory_space<vmem>>
    %dma_start3A_15 = tpu.memref_squeeze %dma_start3A_14 : memref<1x1x32x128xf32, #tpu.memory_space<vmem>> -> memref<32x128xf32, #tpu.memory_space<vmem>>
    %dma_start3A_16 = arith.constant 0 : i32
    %dma_start3A_17 = tpu.memref_slice %arg4[%dma_start3A_16, %multiple_of3A] : memref<32x1000000xf32, #tpu.memory_space<hbm>> -> memref<32x128xf32, #tpu.memory_space<hbm>>
    %dma_start3A_18 = arith.constant 0 : i32
    %dma_start3A_19 = arith.constant 0 : i32
    %dma_start3A_20 = tpu.memref_slice %arg9[%dma_start3A, %dma_start3A_11, %dma_start3A_18, %dma_start3A_19] : memref<2x4x32x128xf32, #tpu.memory_space<vmem>> -> memref<1x1x32x128xf32, #tpu.memory_space<vmem>>
    %dma_start3A_21 = tpu.memref_squeeze %dma_start3A_20 : memref<1x1x32x128xf32, #tpu.memory_space<vmem>> -> memref<32x128xf32, #tpu.memory_space<vmem>>
    %dma_start3A_22 = arith.constant 0 : i32
    %dma_start3A_23 = tpu.memref_slice %arg4[%dma_start3A_22, %multiple_of3A] : memref<32x1000000xf32, #tpu.memory_space<hbm>> -> memref<32x128xf32, #tpu.memory_space<hbm>>
    tpu.enqueue_dma source(%dma_start3A_23 : memref<32x128xf32, #tpu.memory_space<hbm>>) target(%dma_start3A_21 : memref<32x128xf32, #tpu.memory_space<vmem>>) target_semaphore(%arg12 : memref<!tpu.dma_semaphore, #tpu.memory_space<semaphore_mem>>)
    %get3A_24 = arith.constant 0 : index
    %get3A_25 = tpu.vector_load %arg8[%get3A_24] {strides = array<i32>} : memref<512xi32, #tpu.memory_space<vmem>>, vector<16xi32>,
    %eq3A_26 = arith.constant 0 : i32
    %eq3A_27 = vector.broadcast %eq3A_26 : i32 to vector<16xi32>
    %eq3A_28 = arith.cmpi eq, %iota3A, %eq3A_27 : vector<16xi32>
    %jit3A_29 = arith.constant 0 : i32
    %broadcast_in_dim3A_30 = vector.broadcast %jit3A_29 : i32 to vector<16xi32>
    %select_n3A_31 = arith.select %eq3A_28, %get3A_25, %broadcast_in_dim3A_30 : vector<16xi1>, vector<16xi32>
    %reduce_sum3A_32 = arith.constant true
    %reduce_sum3A_33 = vector.broadcast %reduce_sum3A_32 : i1 to vector<16xi1>
    %reduce_sum3A_34 = tpu.scan <sum>, %select_n3A_31 masked %reduce_sum3A_33 : vector<16xi32>, vector<16xi1> -> vector<16xi32>
    %reduce_sum3A_35 = vector.extract %reduce_sum3A_34[15] : i32 from vector<16xi32>
    %shift_right_arithmetic3A_36 = arith.constant 7 : i32
    %shift_right_arithmetic3A_37 = arith.shrsi %reduce_sum3A_35, %shift_right_arithmetic3A_36 : i32
    %mul3A_38 = arith.constant 128 : i32
    %mul3A_39 = arith.muli %shift_right_arithmetic3A_37, %mul3A_38 : i32
    %multiple_of3A_40 = tpu.assume_multiple %mul3A_39, 128 : i32
    %dma_start3A_41 = arith.constant 0 : i32
    %dma_start3A_42 = arith.constant 0 : i32
    %dma_start3A_43 = arith.constant 0 : i32
    %dma_start3A_44 = arith.constant 0 : i32
    %dma_start3A_45 = tpu.memref_slice %arg10[%dma_start3A_41, %dma_start3A_42, %dma_start3A_43, %dma_start3A_44] : memref<2x4x32x128xf32, #tpu.memory_space<vmem>> -> memref<1x1x32x128xf32, #tpu.memory_space<vmem>>
    %dma_start3A_46 = tpu.memref_squeeze %dma_start3A_45 : memref<1x1x32x128xf32, #tpu.memory_space<vmem>> -> memref<32x128xf32, #tpu.memory_space<vmem>>
    %dma_start3A_47 = arith.constant 0 : i32
    %dma_start3A_48 = tpu.memref_slice %arg5[%dma_start3A_47, %multiple_of3A_40] : memref<32x1000000xf32, #tpu.memory_space<hbm>> -> memref<32x128xf32, #tpu.memory_space<hbm>>
    %dma_start3A_49 = arith.constant 0 : i32
    %dma_start3A_50 = arith.constant 0 : i32
    %dma_start3A_51 = tpu.memref_slice %arg10[%dma_start3A_41, %dma_start3A_42, %dma_start3A_49, %dma_start3A_50] : memref<2x4x32x128xf32, #tpu.memory_space<vmem>> -> memref<1x1x32x128xf32, #tpu.memory_space<vmem>>
    %dma_start3A_52 = tpu.memref_squeeze %dma_start3A_51 : memref<1x1x32x128xf32, #tpu.memory_space<vmem>> -> memref<32x128xf32, #tpu.memory_space<vmem>>
    %dma_start3A_53 = arith.constant 0 : i32
    %dma_start3A_54 = tpu.memref_slice %arg5[%dma_start3A_53, %multiple_of3A_40] : memref<32x1000000xf32, #tpu.memory_space<hbm>> -> memref<32x128xf32, #tpu.memory_space<hbm>>
    tpu.enqueue_dma source(%dma_start3A_54 : memref<32x128xf32, #tpu.memory_space<hbm>>) target(%dma_start3A_52 : memref<32x128xf32, #tpu.memory_space<vmem>>) target_semaphore(%arg12 : memref<!tpu.dma_semaphore, #tpu.memory_space<semaphore_mem>>)
    %get3A_55 = arith.constant 0 : index
    %get3A_56 = tpu.vector_load %arg7[%get3A_55] {strides = array<i32>} : memref<512xi32, #tpu.memory_space<vmem>>, vector<16xi32>,
    %eq3A_57 = arith.constant 1 : i32
    %eq3A_58 = vector.broadcast %eq3A_57 : i32 to vector<16xi32>
    %eq3A_59 = arith.cmpi eq, %iota3A, %eq3A_58 : vector<16xi32>
    %jit3A_60 = arith.constant 0 : i32
    %broadcast_in_dim3A_61 = vector.broadcast %jit3A_60 : i32 to vector<16xi32>
    %select_n3A_62 = arith.select %eq3A_59, %get3A_56, %broadcast_in_dim3A_61 : vector<16xi1>, vector<16xi32>
    %reduce_sum3A_63 = arith.constant true
    %reduce_sum3A_64 = vector.broadcast %reduce_sum3A_63 : i1 to vector<16xi1>
    %reduce_sum3A_65 = tpu.scan <sum>, %select_n3A_62 masked %reduce_sum3A_64 : vector<16xi32>, vector<16xi1> -> vector<16xi32>
    %reduce_sum3A_66 = vector.extract %reduce_sum3A_65[15] : i32 from vector<16xi32>
    %shift_right_arithmetic3A_67 = arith.constant 7 : i32
    %shift_right_arithmetic3A_68 = arith.shrsi %reduce_sum3A_66, %shift_right_arithmetic3A_67 : i32
    %mul3A_69 = arith.constant 128 : i32
    %mul3A_70 = arith.muli %shift_right_arithmetic3A_68, %mul3A_69 : i32
    %multiple_of3A_71 = tpu.assume_multiple %mul3A_70, 128 : i32
    %dma_start3A_72 = arith.constant 0 : i32
    %dma_start3A_73 = arith.constant 1 : i32
    %dma_start3A_74 = arith.constant 0 : i32
    %dma_start3A_75 = arith.constant 0 : i32
    %dma_start3A_76 = tpu.memref_slice %arg9[%dma_start3A_72, %dma_start3A_73, %dma_start3A_74, %dma_start3A_75] : memref<2x4x32x128xf32, #tpu.memory_space<vmem>> -> memref<1x1x32x128xf32, #tpu.memory_space<vmem>>
    %dma_start3A_77 = tpu.memref_squeeze %dma_start3A_76 : memref<1x1x32x128xf32, #tpu.memory_space<vmem>> -> memref<32x128xf32, #tpu.memory_space<vmem>>
    %dma_start3A_78 = arith.constant 0 : i32
    %dma_start3A_79 = tpu.memref_slice %arg4[%dma_start3A_78, %multiple_of3A_71] : memref<32x1000000xf32, #tpu.memory_space<hbm>> -> memref<32x128xf32, #tpu.memory_space<hbm>>
    %dma_start3A_80 = arith.constant 0 : i32
    %dma_start3A_81 = arith.constant 0 : i32
    %dma_start3A_82 = tpu.memref_slice %arg9[%dma_start3A_72, %dma_start3A_73, %dma_start3A_80, %dma_start3A_81] : memref<2x4x32x128xf32, #tpu.memory_space<vmem>> -> memref<1x1x32x128xf32, #tpu.memory_space<vmem>>
    %dma_start3A_83 = tpu.memref_squeeze %dma_start3A_82 : memref<1x1x32x128xf32, #tpu.memory_space<vmem>> -> memref<32x128xf32, #tpu.memory_space<vmem>>
    %dma_start3A_84 = arith.constant 0 : i32
    %dma_start3A_85 = tpu.memref_slice %arg4[%dma_start3A_84, %multiple_of3A_71] : memref<32x1000000xf32, #tpu.memory_space<hbm>> -> memref<32x128xf32, #tpu.memory_space<hbm>>
    tpu.enqueue_dma source(%dma_start3A_85 : memref<32x128xf32, #tpu.memory_space<hbm>>) target(%dma_start3A_83 : memref<32x128xf32, #tpu.memory_space<vmem>>) target_semaphore(%arg12 : memref<!tpu.dma_semaphore, #tpu.memory_space<semaphore_mem>>)
    %get3A_86 = arith.constant 0 : index
    %get3A_87 = tpu.vector_load %arg8[%get3A_86] {strides = array<i32>} : memref<512xi32, #tpu.memory_space<vmem>>, vector<16xi32>,
    %eq3A_88 = arith.constant 1 : i32
    %eq3A_89 = vector.broadcast %eq3A_88 : i32 to vector<16xi32>
    %eq3A_90 = arith.cmpi eq, %iota3A, %eq3A_89 : vector<16xi32>
    %jit3A_91 = arith.constant 0 : i32
    %broadcast_in_dim3A_92 = vector.broadcast %jit3A_91 : i32 to vector<16xi32>
    %select_n3A_93 = arith.select %eq3A_90, %get3A_87, %broadcast_in_dim3A_92 : vector<16xi1>, vector<16xi32>
    %reduce_sum3A_94 = arith.constant true
    %reduce_sum3A_95 = vector.broadcast %reduce_sum3A_94 : i1 to vector<16xi1>
    %reduce_sum3A_96 = tpu.scan <sum>, %select_n3A_93 masked %reduce_sum3A_95 : vector<16xi32>, vector<16xi1> -> vector<16xi32>
    %reduce_sum3A_97 = vector.extract %reduce_sum3A_96[15] : i32 from vector<16xi32>
    %shift_right_arithmetic3A_98 = arith.constant 7 : i32
    %shift_right_arithmetic3A_99 = arith.shrsi %reduce_sum3A_97, %shift_right_arithmetic3A_98 : i32
    %mul3A_100 = arith.constant 128 : i32
    %mul3A_101 = arith.muli %shift_right_arithmetic3A_99, %mul3A_100 : i32
    %multiple_of3A_102 = tpu.assume_multiple %mul3A_101, 128 : i32
    %dma_start3A_103 = arith.constant 0 : i32
    %dma_start3A_104 = arith.constant 1 : i32
    %dma_start3A_105 = arith.constant 0 : i32
    %dma_start3A_106 = arith.constant 0 : i32
    %dma_start3A_107 = tpu.memref_slice %arg10[%dma_start3A_103, %dma_start3A_104, %dma_start3A_105, %dma_start3A_106] : memref<2x4x32x128xf32, #tpu.memory_space<vmem>> -> memref<1x1x32x128xf32, #tpu.memory_space<vmem>>
    %dma_start3A_108 = tpu.memref_squeeze %dma_start3A_107 : memref<1x1x32x128xf32, #tpu.memory_space<vmem>> -> memref<32x128xf32, #tpu.memory_space<vmem>>
    %dma_start3A_109 = arith.constant 0 : i32
    %dma_start3A_110 = tpu.memref_slice %arg5[%dma_start3A_109, %multiple_of3A_102] : memref<32x1000000xf32, #tpu.memory_space<hbm>> -> memref<32x128xf32, #tpu.memory_space<hbm>>
    %dma_start3A_111 = arith.constant 0 : i32
    %dma_start3A_112 = arith.constant 0 : i32
    %dma_start3A_113 = tpu.memref_slice %arg10[%dma_start3A_103, %dma_start3A_104, %dma_start3A_111, %dma_start3A_112] : memref<2x4x32x128xf32, #tpu.memory_space<vmem>> -> memref<1x1x32x128xf32, #tpu.memory_space<vmem>>
    %dma_start3A_114 = tpu.memref_squeeze %dma_start3A_113 : memref<1x1x32x128xf32, #tpu.memory_space<vmem>> -> memref<32x128xf32, #tpu.memory_space<vmem>>
    %dma_start3A_115 = arith.constant 0 : i32
    %dma_start3A_116 = tpu.memref_slice %arg5[%dma_start3A_115, %multiple_of3A_102] : memref<32x1000000xf32, #tpu.memory_space<hbm>> -> memref<32x128xf32, #tpu.memory_space<hbm>>
    tpu.enqueue_dma source(%dma_start3A_116 : memref<32x128xf32, #tpu.memory_space<hbm>>) target(%dma_start3A_114 : memref<32x128xf32, #tpu.memory_space<vmem>>) target_semaphore(%arg12 : memref<!tpu.dma_semaphore, #tpu.memory_space<semaphore_mem>>)
    %get3A_117 = arith.constant 0 : index
    %get3A_118 = tpu.vector_load %arg7[%get3A_117] {strides = array<i32>} : memref<512xi32, #tpu.memory_space<vmem>>, vector<16xi32>,
    %eq3A_119 = arith.constant 2 : i32
    %eq3A_120 = vector.broadcast %eq3A_119 : i32 to vector<16xi32>
    %eq3A_121 = arith.cmpi eq, %iota3A, %eq3A_120 : vector<16xi32>
    %jit3A_122 = arith.constant 0 : i32
    %broadcast_in_dim3A_123 = vector.broadcast %jit3A_122 : i32 to vector<16xi32>
    %select_n3A_124 = arith.select %eq3A_121, %get3A_118, %broadcast_in_dim3A_123 : vector<16xi1>, vector<16xi32>
    %reduce_sum3A_125 = arith.constant true
    %reduce_sum3A_126 = vector.broadcast %reduce_sum3A_125 : i1 to vector<16xi1>
    %reduce_sum3A_127 = tpu.scan <sum>, %select_n3A_124 masked %reduce_sum3A_126 : vector<16xi32>, vector<16xi1> -> vector<16xi32>
    %reduce_sum3A_128 = vector.extract %reduce_sum3A_127[15] : i32 from vector<16xi32>
    %shift_right_arithmetic3A_129 = arith.constant 7 : i32
    %shift_right_arithmetic3A_130 = arith.shrsi %reduce_sum3A_128, %shift_right_arithmetic3A_129 : i32
    %mul3A_131 = arith.constant 128 : i32
    %mul3A_132 = arith.muli %shift_right_arithmetic3A_130, %mul3A_131 : i32
    %multiple_of3A_133 = tpu.assume_multiple %mul3A_132, 128 : i32
    %dma_start3A_134 = arith.constant 0 : i32
    %dma_start3A_135 = arith.constant 2 : i32
    %dma_start3A_136 = arith.constant 0 : i32
    %dma_start3A_137 = arith.constant 0 : i32
    %dma_start3A_138 = tpu.memref_slice %arg9[%dma_start3A_134, %dma_start3A_135, %dma_start3A_136, %dma_start3A_137] : memref<2x4x32x128xf32, #tpu.memory_space<vmem>> -> memref<1x1x32x128xf32, #tpu.memory_space<vmem>>
    %dma_start3A_139 = tpu.memref_squeeze %dma_start3A_138 : memref<1x1x32x128xf32, #tpu.memory_space<vmem>> -> memref<32x128xf32, #tpu.memory_space<vmem>>
    %dma_start3A_140 = arith.constant 0 : i32
    %dma_start3A_141 = tpu.memref_slice %arg4[%dma_start3A_140, %multiple_of3A_133] : memref<32x1000000xf32, #tpu.memory_space<hbm>> -> memref<32x128xf32, #tpu.memory_space<hbm>>
    %dma_start3A_142 = arith.constant 0 : i32
    %dma_start3A_143 = arith.constant 0 : i32
    %dma_start3A_144 = tpu.memref_slice %arg9[%dma_start3A_134, %dma_start3A_135, %dma_start3A_142, %dma_start3A_143] : memref<2x4x32x128xf32, #tpu.memory_space<vmem>> -> memref<1x1x32x128xf32, #tpu.memory_space<vmem>>
    %dma_start3A_145 = tpu.memref_squeeze %dma_start3A_144 : memref<1x1x32x128xf32, #tpu.memory_space<vmem>> -> memref<32x128xf32, #tpu.memory_space<vmem>>
    %dma_start3A_146 = arith.constant 0 : i32
    %dma_start3A_147 = tpu.memref_slice %arg4[%dma_start3A_146, %multiple_of3A_133] : memref<32x1000000xf32, #tpu.memory_space<hbm>> -> memref<32x128xf32, #tpu.memory_space<hbm>>
    tpu.enqueue_dma source(%dma_start3A_147 : memref<32x128xf32, #tpu.memory_space<hbm>>) target(%dma_start3A_145 : memref<32x128xf32, #tpu.memory_space<vmem>>) target_semaphore(%arg12 : memref<!tpu.dma_semaphore, #tpu.memory_space<semaphore_mem>>)
    %get3A_148 = arith.constant 0 : index
    %get3A_149 = tpu.vector_load %arg8[%get3A_148] {strides = array<i32>} : memref<512xi32, #tpu.memory_space<vmem>>, vector<16xi32>,
    %eq3A_150 = arith.constant 2 : i32
    %eq3A_151 = vector.broadcast %eq3A_150 : i32 to vector<16xi32>
    %eq3A_152 = arith.cmpi eq, %iota3A, %eq3A_151 : vector<16xi32>
    %jit3A_153 = arith.constant 0 : i32
    %broadcast_in_dim3A_154 = vector.broadcast %jit3A_153 : i32 to vector<16xi32>
    %select_n3A_155 = arith.select %eq3A_152, %get3A_149, %broadcast_in_dim3A_154 : vector<16xi1>, vector<16xi32>
    %reduce_sum3A_156 = arith.constant true
    %reduce_sum3A_157 = vector.broadcast %reduce_sum3A_156 : i1 to vector<16xi1>
    %reduce_sum3A_158 = tpu.scan <sum>, %select_n3A_155 masked %reduce_sum3A_157 : vector<16xi32>, vector<16xi1> -> vector<16xi32>
    %reduce_sum3A_159 = vector.extract %reduce_sum3A_158[15] : i32 from vector<16xi32>
    %shift_right_arithmetic3A_160 = arith.constant 7 : i32
    %shift_right_arithmetic3A_161 = arith.shrsi %reduce_sum3A_159, %shift_right_arithmetic3A_160 : i32
    %mul3A_162 = arith.constant 128 : i32
    %mul3A_163 = arith.muli %shift_right_arithmetic3A_161, %mul3A_162 : i32
    %multiple_of3A_164 = tpu.assume_multiple %mul3A_163, 128 : i32
    %dma_start3A_165 = arith.constant 0 : i32
    %dma_start3A_166 = arith.constant 2 : i32
    %dma_start3A_167 = arith.constant 0 : i32
    %dma_start3A_168 = arith.constant 0 : i32
    %dma_start3A_169 = tpu.memref_slice %arg10[%dma_start3A_165, %dma_start3A_166, %dma_start3A_167, %dma_start3A_168] : memref<2x4x32x128xf32, #tpu.memory_space<vmem>> -> memref<1x1x32x128xf32, #tpu.memory_space<vmem>>
    %dma_start3A_170 = tpu.memref_squeeze %dma_start3A_169 : memref<1x1x32x128xf32, #tpu.memory_space<vmem>> -> memref<32x128xf32, #tpu.memory_space<vmem>>
    %dma_start3A_171 = arith.constant 0 : i32
    %dma_start3A_172 = tpu.memref_slice %arg5[%dma_start3A_171, %multiple_of3A_164] : memref<32x1000000xf32, #tpu.memory_space<hbm>> -> memref<32x128xf32, #tpu.memory_space<hbm>>
    %dma_start3A_173 = arith.constant 0 : i32
    %dma_start3A_174 = arith.constant 0 : i32
    %dma_start3A_175 = tpu.memref_slice %arg10[%dma_start3A_165, %dma_start3A_166, %dma_start3A_173, %dma_start3A_174] : memref<2x4x32x128xf32, #tpu.memory_space<vmem>> -> memref<1x1x32x128xf32, #tpu.memory_space<vmem>>
    %dma_start3A_176 = tpu.memref_squeeze %dma_start3A_175 : memref<1x1x32x128xf32, #tpu.memory_space<vmem>> -> memref<32x128xf32, #tpu.memory_space<vmem>>
    %dma_start3A_177 = arith.constant 0 : i32
    %dma_start3A_178 = tpu.memref_slice %arg5[%dma_start3A_177, %multiple_of3A_164] : memref<32x1000000xf32, #tpu.memory_space<hbm>> -> memref<32x128xf32, #tpu.memory_space<hbm>>
    tpu.enqueue_dma source(%dma_start3A_178 : memref<32x128xf32, #tpu.memory_space<hbm>>) target(%dma_start3A_176 : memref<32x128xf32, #tpu.memory_space<vmem>>) target_semaphore(%arg12 : memref<!tpu.dma_semaphore, #tpu.memory_space<semaphore_mem>>)
    %get3A_179 = arith.constant 0 : index
    %get3A_180 = tpu.vector_load %arg7[%get3A_179] {strides = array<i32>} : memref<512xi32, #tpu.memory_space<vmem>>, vector<16xi32>,
    %eq3A_181 = arith.constant 3 : i32
    %eq3A_182 = vector.broadcast %eq3A_181 : i32 to vector<16xi32>
    %eq3A_183 = arith.cmpi eq, %iota3A, %eq3A_182 : vector<16xi32>
    %jit3A_184 = arith.constant 0 : i32
    %broadcast_in_dim3A_185 = vector.broadcast %jit3A_184 : i32 to vector<16xi32>
    %select_n3A_186 = arith.select %eq3A_183, %get3A_180, %broadcast_in_dim3A_185 : vector<16xi1>, vector<16xi32>
    %reduce_sum3A_187 = arith.constant true
    %reduce_sum3A_188 = vector.broadcast %reduce_sum3A_187 : i1 to vector<16xi1>
    %reduce_sum3A_189 = tpu.scan <sum>, %select_n3A_186 masked %reduce_sum3A_188 : vector<16xi32>, vector<16xi1> -> vector<16xi32>
    %reduce_sum3A_190 = vector.extract %reduce_sum3A_189[15] : i32 from vector<16xi32>
    %shift_right_arithmetic3A_191 = arith.constant 7 : i32
    %shift_right_arithmetic3A_192 = arith.shrsi %reduce_sum3A_190, %shift_right_arithmetic3A_191 : i32
    %mul3A_193 = arith.constant 128 : i32
    %mul3A_194 = arith.muli %shift_right_arithmetic3A_192, %mul3A_193 : i32
    %multiple_of3A_195 = tpu.assume_multiple %mul3A_194, 128 : i32
    %dma_start3A_196 = arith.constant 0 : i32
    %dma_start3A_197 = arith.constant 3 : i32
    %dma_start3A_198 = arith.constant 0 : i32
    %dma_start3A_199 = arith.constant 0 : i32
    %dma_start3A_200 = tpu.memref_slice %arg9[%dma_start3A_196, %dma_start3A_197, %dma_start3A_198, %dma_start3A_199] : memref<2x4x32x128xf32, #tpu.memory_space<vmem>> -> memref<1x1x32x128xf32, #tpu.memory_space<vmem>>
    %dma_start3A_201 = tpu.memref_squeeze %dma_start3A_200 : memref<1x1x32x128xf32, #tpu.memory_space<vmem>> -> memref<32x128xf32, #tpu.memory_space<vmem>>
    %dma_start3A_202 = arith.constant 0 : i32
    %dma_start3A_203 = tpu.memref_slice %arg4[%dma_start3A_202, %multiple_of3A_195] : memref<32x1000000xf32, #tpu.memory_space<hbm>> -> memref<32x128xf32, #tpu.memory_space<hbm>>
    %dma_start3A_204 = arith.constant 0 : i32
    %dma_start3A_205 = arith.constant 0 : i32
    %dma_start3A_206 = tpu.memref_slice %arg9[%dma_start3A_196, %dma_start3A_197, %dma_start3A_204, %dma_start3A_205] : memref<2x4x32x128xf32, #tpu.memory_space<vmem>> -> memref<1x1x32x128xf32, #tpu.memory_space<vmem>>
    %dma_start3A_207 = tpu.memref_squeeze %dma_start3A_206 : memref<1x1x32x128xf32, #tpu.memory_space<vmem>> -> memref<32x128xf32, #tpu.memory_space<vmem>>
    %dma_start3A_208 = arith.constant 0 : i32
    %dma_start3A_209 = tpu.memref_slice %arg4[%dma_start3A_208, %multiple_of3A_195] : memref<32x1000000xf32, #tpu.memory_space<hbm>> -> memref<32x128xf32, #tpu.memory_space<hbm>>
    tpu.enqueue_dma source(%dma_start3A_209 : memref<32x128xf32, #tpu.memory_space<hbm>>) target(%dma_start3A_207 : memref<32x128xf32, #tpu.memory_space<vmem>>) target_semaphore(%arg12 : memref<!tpu.dma_semaphore, #tpu.memory_space<semaphore_mem>>)
    %get3A_210 = arith.constant 0 : index
    %get3A_211 = tpu.vector_load %arg8[%get3A_210] {strides = array<i32>} : memref<512xi32, #tpu.memory_space<vmem>>, vector<16xi32>,
    %eq3A_212 = arith.constant 3 : i32
    %eq3A_213 = vector.broadcast %eq3A_212 : i32 to vector<16xi32>
    %eq3A_214 = arith.cmpi eq, %iota3A, %eq3A_213 : vector<16xi32>
    %jit3A_215 = arith.constant 0 : i32
    %broadcast_in_dim3A_216 = vector.broadcast %jit3A_215 : i32 to vector<16xi32>
    %select_n3A_217 = arith.select %eq3A_214, %get3A_211, %broadcast_in_dim3A_216 : vector<16xi1>, vector<16xi32>
    %reduce_sum3A_218 = arith.constant true
    %reduce_sum3A_219 = vector.broadcast %reduce_sum3A_218 : i1 to vector<16xi1>
    %reduce_sum3A_220 = tpu.scan <sum>, %select_n3A_217 masked %reduce_sum3A_219 : vector<16xi32>, vector<16xi1> -> vector<16xi32>
    %reduce_sum3A_221 = vector.extract %reduce_sum3A_220[15] : i32 from vector<16xi32>
    %shift_right_arithmetic3A_222 = arith.constant 7 : i32
    %shift_right_arithmetic3A_223 = arith.shrsi %reduce_sum3A_221, %shift_right_arithmetic3A_222 : i32
    %mul3A_224 = arith.constant 128 : i32
    %mul3A_225 = arith.muli %shift_right_arithmetic3A_223, %mul3A_224 : i32
    %multiple_of3A_226 = tpu.assume_multiple %mul3A_225, 128 : i32
    %dma_start3A_227 = arith.constant 0 : i32
    %dma_start3A_228 = arith.constant 3 : i32
    %dma_start3A_229 = arith.constant 0 : i32
    %dma_start3A_230 = arith.constant 0 : i32
    %dma_start3A_231 = tpu.memref_slice %arg10[%dma_start3A_227, %dma_start3A_228, %dma_start3A_229, %dma_start3A_230] : memref<2x4x32x128xf32, #tpu.memory_space<vmem>> -> memref<1x1x32x128xf32, #tpu.memory_space<vmem>>
    %dma_start3A_232 = tpu.memref_squeeze %dma_start3A_231 : memref<1x1x32x128xf32, #tpu.memory_space<vmem>> -> memref<32x128xf32, #tpu.memory_space<vmem>>
    %dma_start3A_233 = arith.constant 0 : i32
    %dma_start3A_234 = tpu.memref_slice %arg5[%dma_start3A_233, %multiple_of3A_226] : memref<32x1000000xf32, #tpu.memory_space<hbm>> -> memref<32x128xf32, #tpu.memory_space<hbm>>
    %dma_start3A_235 = arith.constant 0 : i32
    %dma_start3A_236 = arith.constant 0 : i32
    %dma_start3A_237 = tpu.memref_slice %arg10[%dma_start3A_227, %dma_start3A_228, %dma_start3A_235, %dma_start3A_236] : memref<2x4x32x128xf32, #tpu.memory_space<vmem>> -> memref<1x1x32x128xf32, #tpu.memory_space<vmem>>
    %dma_start3A_238 = tpu.memref_squeeze %dma_start3A_237 : memref<1x1x32x128xf32, #tpu.memory_space<vmem>> -> memref<32x128xf32, #tpu.memory_space<vmem>>
    %dma_start3A_239 = arith.constant 0 : i32
    %dma_start3A_240 = tpu.memref_slice %arg5[%dma_start3A_239, %multiple_of3A_226] : memref<32x1000000xf32, #tpu.memory_space<hbm>> -> memref<32x128xf32, #tpu.memory_space<hbm>>
    tpu.enqueue_dma source(%dma_start3A_240 : memref<32x128xf32, #tpu.memory_space<hbm>>) target(%dma_start3A_238 : memref<32x128xf32, #tpu.memory_space<vmem>>) target_semaphore(%arg12 : memref<!tpu.dma_semaphore, #tpu.memory_space<semaphore_mem>>)
    %broadcast_in_dim3A_241 = arith.constant 0.000000e+00 : f32
    %broadcast_in_dim3A_242 = vector.broadcast %broadcast_in_dim3A_241 : f32 to vector<16xf32>
    %scan3A = arith.constant 0 : i32
    %scan3A_243 = arith.constant 64 : i32
    %scan3A_244 = arith.addi %scan3A, %scan3A_243 : i32
    %scan3A_245 = arith.constant 1 : i32
    %scan3A_246 = scf.for %scan3A_248 = %scan3A to %scan3A_244 step %scan3A_245 iter_args(%scan3A_249 = %broadcast_in_dim3A_242) -> (vector<16xf32>)  : i32 {
      %mul3A_250 = arith.constant 2 : i32
      %mul3A_251 = arith.muli %mul3A_250, %scan3A_248 : i32
      %add3A_252 = arith.constant 1 : i32
      %add3A_253 = arith.addi %mul3A_251, %add3A_252 : i32
      %mul3A_254 = arith.constant 4 : i32
      %mul3A_255 = arith.muli %add3A_253, %mul3A_254 : i32
      %add3A_256 = arith.constant 0 : i32
      %add3A_257 = arith.addi %mul3A_255, %add3A_256 : i32
      %jit3A_258 = arith.constant 16 : i32
      %div3A = arith.divsi %add3A_257, %jit3A_258 : i32
      %sign3A = arith.constant 0 : i32
      %sign3A_259 = arith.cmpi sgt, %add3A_257, %sign3A : i32
      %sign3A_260 = arith.extui %sign3A_259 : i1 to i32
      %sign3A_261 = arith.constant 0 : i32
      %sign3A_262 = arith.cmpi slt, %add3A_257, %sign3A_261 : i32
      %sign3A_263 = arith.extui %sign3A_262 : i1 to i32
      %sign3A_264 = arith.subi %sign3A_260, %sign3A_263 : i32
      %sign3A_265 = arith.constant 0 : i32
      %sign3A_266 = arith.cmpi sgt, %jit3A_258, %sign3A_265 : i32
      %sign3A_267 = arith.extui %sign3A_266 : i1 to i32
      %sign3A_268 = arith.constant 0 : i32
      %sign3A_269 = arith.cmpi slt, %jit3A_258, %sign3A_268 : i32
      %sign3A_270 = arith.extui %sign3A_269 : i1 to i32
      %sign3A_271 = arith.subi %sign3A_267, %sign3A_270 : i32
      %ne3A = arith.cmpi ne, %sign3A_264, %sign3A_271 : i32
      %rem3A = arith.remsi %add3A_257, %jit3A_258 : i32
      %ne3A_272 = arith.constant 0 : i32
      %ne3A_273 = arith.cmpi ne, %rem3A, %ne3A_272 : i32
      %and3A = arith.andi %ne3A, %ne3A_273 : i1
      %sub3A = arith.constant 1 : i32
      %sub3A_274 = arith.subi %div3A, %sub3A : i32
      %select_n3A_275 = arith.select %and3A, %sub3A_274, %div3A : i32
      %mul3A_276 = arith.constant 16 : i32
      %mul3A_277 = arith.muli %select_n3A_275, %mul3A_276 : i32
      %get3A_278 = arith.index_cast %mul3A_277 : i32 to index
      %get3A_279 = tpu.vector_load %arg7[%get3A_278] {strides = array<i32>} : memref<512xi32, #tpu.memory_space<vmem>>, vector<16xi32>,
      %and3A_280 = arith.constant 15 : i32
      %and3A_281 = arith.andi %add3A_257, %and3A_280 : i32
      %eq3A_282 = vector.broadcast %and3A_281 : i32 to vector<16xi32>
      %eq3A_283 = arith.cmpi eq, %iota3A, %eq3A_282 : vector<16xi32>
      %jit3A_284 = arith.constant 0 : i32
      %broadcast_in_dim3A_285 = vector.broadcast %jit3A_284 : i32 to vector<16xi32>
      %select_n3A_286 = arith.select %eq3A_283, %get3A_279, %broadcast_in_dim3A_285 : vector<16xi1>, vector<16xi32>
      %reduce_sum3A_287 = arith.constant true
      %reduce_sum3A_288 = vector.broadcast %reduce_sum3A_287 : i1 to vector<16xi1>
      %reduce_sum3A_289 = tpu.scan <sum>, %select_n3A_286 masked %reduce_sum3A_288 : vector<16xi32>, vector<16xi1> -> vector<16xi32>
      %reduce_sum3A_290 = vector.extract %reduce_sum3A_289[15] : i32 from vector<16xi32>
      %shift_right_arithmetic3A_291 = arith.constant 7 : i32
      %shift_right_arithmetic3A_292 = arith.shrsi %reduce_sum3A_290, %shift_right_arithmetic3A_291 : i32
      %mul3A_293 = arith.constant 128 : i32
      %mul3A_294 = arith.muli %shift_right_arithmetic3A_292, %mul3A_293 : i32
      %multiple_of3A_295 = tpu.assume_multiple %mul3A_294, 128 : i32
      %dma_start3A_296 = arith.constant 1 : i32
      %dma_start3A_297 = arith.constant 0 : i32
      %dma_start3A_298 = arith.constant 0 : i32
      %dma_start3A_299 = arith.constant 0 : i32
      %dma_start3A_300 = tpu.memref_slice %arg9[%dma_start3A_296, %dma_start3A_297, %dma_start3A_298, %dma_start3A_299] : memref<2x4x32x128xf32, #tpu.memory_space<vmem>> -> memref<1x1x32x128xf32, #tpu.memory_space<vmem>>
      %dma_start3A_301 = tpu.memref_squeeze %dma_start3A_300 : memref<1x1x32x128xf32, #tpu.memory_space<vmem>> -> memref<32x128xf32, #tpu.memory_space<vmem>>
      %dma_start3A_302 = arith.constant 0 : i32
      %dma_start3A_303 = tpu.memref_slice %arg4[%dma_start3A_302, %multiple_of3A_295] : memref<32x1000000xf32, #tpu.memory_space<hbm>> -> memref<32x128xf32, #tpu.memory_space<hbm>>
      %dma_start3A_304 = arith.constant 0 : i32
      %dma_start3A_305 = arith.constant 0 : i32
      %dma_start3A_306 = tpu.memref_slice %arg9[%dma_start3A_296, %dma_start3A_297, %dma_start3A_304, %dma_start3A_305] : memref<2x4x32x128xf32, #tpu.memory_space<vmem>> -> memref<1x1x32x128xf32, #tpu.memory_space<vmem>>
      %dma_start3A_307 = tpu.memref_squeeze %dma_start3A_306 : memref<1x1x32x128xf32, #tpu.memory_space<vmem>> -> memref<32x128xf32, #tpu.memory_space<vmem>>
      %dma_start3A_308 = arith.constant 0 : i32
      %dma_start3A_309 = tpu.memref_slice %arg4[%dma_start3A_308, %multiple_of3A_295] : memref<32x1000000xf32, #tpu.memory_space<hbm>> -> memref<32x128xf32, #tpu.memory_space<hbm>>
      tpu.enqueue_dma source(%dma_start3A_309 : memref<32x128xf32, #tpu.memory_space<hbm>>) target(%dma_start3A_307 : memref<32x128xf32, #tpu.memory_space<vmem>>) target_semaphore(%arg13 : memref<!tpu.dma_semaphore, #tpu.memory_space<semaphore_mem>>)
      %jit3A_310 = arith.constant 16 : i32
      %div3A_311 = arith.divsi %add3A_257, %jit3A_310 : i32
      %sign3A_312 = arith.constant 0 : i32
      %sign3A_313 = arith.cmpi sgt, %add3A_257, %sign3A_312 : i32
      %sign3A_314 = arith.extui %sign3A_313 : i1 to i32
      %sign3A_315 = arith.constant 0 : i32
      %sign3A_316 = arith.cmpi slt, %add3A_257, %sign3A_315 : i32
      %sign3A_317 = arith.extui %sign3A_316 : i1 to i32
      %sign3A_318 = arith.subi %sign3A_314, %sign3A_317 : i32
      %sign3A_319 = arith.constant 0 : i32
      %sign3A_320 = arith.cmpi sgt, %jit3A_310, %sign3A_319 : i32
      %sign3A_321 = arith.extui %sign3A_320 : i1 to i32
      %sign3A_322 = arith.constant 0 : i32
      %sign3A_323 = arith.cmpi slt, %jit3A_310, %sign3A_322 : i32
      %sign3A_324 = arith.extui %sign3A_323 : i1 to i32
      %sign3A_325 = arith.subi %sign3A_321, %sign3A_324 : i32
      %ne3A_326 = arith.cmpi ne, %sign3A_318, %sign3A_325 : i32
      %rem3A_327 = arith.remsi %add3A_257, %jit3A_310 : i32
      %ne3A_328 = arith.constant 0 : i32
      %ne3A_329 = arith.cmpi ne, %rem3A_327, %ne3A_328 : i32
      %and3A_330 = arith.andi %ne3A_326, %ne3A_329 : i1
      %sub3A_331 = arith.constant 1 : i32
      %sub3A_332 = arith.subi %div3A_311, %sub3A_331 : i32
      %select_n3A_333 = arith.select %and3A_330, %sub3A_332, %div3A_311 : i32
      %mul3A_334 = arith.constant 16 : i32
      %mul3A_335 = arith.muli %select_n3A_333, %mul3A_334 : i32
      %get3A_336 = arith.index_cast %mul3A_335 : i32 to index
      %get3A_337 = tpu.vector_load %arg8[%get3A_336] {strides = array<i32>} : memref<512xi32, #tpu.memory_space<vmem>>, vector<16xi32>,
      %and3A_338 = arith.constant 15 : i32
      %and3A_339 = arith.andi %add3A_257, %and3A_338 : i32
      %eq3A_340 = vector.broadcast %and3A_339 : i32 to vector<16xi32>
      %eq3A_341 = arith.cmpi eq, %iota3A, %eq3A_340 : vector<16xi32>
      %jit3A_342 = arith.constant 0 : i32
      %broadcast_in_dim3A_343 = vector.broadcast %jit3A_342 : i32 to vector<16xi32>
      %select_n3A_344 = arith.select %eq3A_341, %get3A_337, %broadcast_in_dim3A_343 : vector<16xi1>, vector<16xi32>
      %reduce_sum3A_345 = arith.constant true
      %reduce_sum3A_346 = vector.broadcast %reduce_sum3A_345 : i1 to vector<16xi1>
      %reduce_sum3A_347 = tpu.scan <sum>, %select_n3A_344 masked %reduce_sum3A_346 : vector<16xi32>, vector<16xi1> -> vector<16xi32>
      %reduce_sum3A_348 = vector.extract %reduce_sum3A_347[15] : i32 from vector<16xi32>
      %shift_right_arithmetic3A_349 = arith.constant 7 : i32
      %shift_right_arithmetic3A_350 = arith.shrsi %reduce_sum3A_348, %shift_right_arithmetic3A_349 : i32
      %mul3A_351 = arith.constant 128 : i32
      %mul3A_352 = arith.muli %shift_right_arithmetic3A_350, %mul3A_351 : i32
      %multiple_of3A_353 = tpu.assume_multiple %mul3A_352, 128 : i32
      %dma_start3A_354 = arith.constant 1 : i32
      %dma_start3A_355 = arith.constant 0 : i32
      %dma_start3A_356 = arith.constant 0 : i32
      %dma_start3A_357 = arith.constant 0 : i32
      %dma_start3A_358 = tpu.memref_slice %arg10[%dma_start3A_354, %dma_start3A_355, %dma_start3A_356, %dma_start3A_357] : memref<2x4x32x128xf32, #tpu.memory_space<vmem>> -> memref<1x1x32x128xf32, #tpu.memory_space<vmem>>
      %dma_start3A_359 = tpu.memref_squeeze %dma_start3A_358 : memref<1x1x32x128xf32, #tpu.memory_space<vmem>> -> memref<32x128xf32, #tpu.memory_space<vmem>>
      %dma_start3A_360 = arith.constant 0 : i32
      %dma_start3A_361 = tpu.memref_slice %arg5[%dma_start3A_360, %multiple_of3A_353] : memref<32x1000000xf32, #tpu.memory_space<hbm>> -> memref<32x128xf32, #tpu.memory_space<hbm>>
      %dma_start3A_362 = arith.constant 0 : i32
      %dma_start3A_363 = arith.constant 0 : i32
      %dma_start3A_364 = tpu.memref_slice %arg10[%dma_start3A_354, %dma_start3A_355, %dma_start3A_362, %dma_start3A_363] : memref<2x4x32x128xf32, #tpu.memory_space<vmem>> -> memref<1x1x32x128xf32, #tpu.memory_space<vmem>>
      %dma_start3A_365 = tpu.memref_squeeze %dma_start3A_364 : memref<1x1x32x128xf32, #tpu.memory_space<vmem>> -> memref<32x128xf32, #tpu.memory_space<vmem>>
      %dma_start3A_366 = arith.constant 0 : i32
      %dma_start3A_367 = tpu.memref_slice %arg5[%dma_start3A_366, %multiple_of3A_353] : memref<32x1000000xf32, #tpu.memory_space<hbm>> -> memref<32x128xf32, #tpu.memory_space<hbm>>
      tpu.enqueue_dma source(%dma_start3A_367 : memref<32x128xf32, #tpu.memory_space<hbm>>) target(%dma_start3A_365 : memref<32x128xf32, #tpu.memory_space<vmem>>) target_semaphore(%arg13 : memref<!tpu.dma_semaphore, #tpu.memory_space<semaphore_mem>>)
      %mul3A_368 = arith.constant 4 : i32
      %mul3A_369 = arith.muli %add3A_253, %mul3A_368 : i32
      %add3A_370 = arith.constant 1 : i32
      %add3A_371 = arith.addi %mul3A_369, %add3A_370 : i32
      %jit3A_372 = arith.constant 16 : i32
      %div3A_373 = arith.divsi %add3A_371, %jit3A_372 : i32
      %sign3A_374 = arith.constant 0 : i32
      %sign3A_375 = arith.cmpi sgt, %add3A_371, %sign3A_374 : i32
      %sign3A_376 = arith.extui %sign3A_375 : i1 to i32
      %sign3A_377 = arith.constant 0 : i32
      %sign3A_378 = arith.cmpi slt, %add3A_371, %sign3A_377 : i32
      %sign3A_379 = arith.extui %sign3A_378 : i1 to i32
      %sign3A_380 = arith.subi %sign3A_376, %sign3A_379 : i32
      %sign3A_381 = arith.constant 0 : i32
      %sign3A_382 = arith.cmpi sgt, %jit3A_372, %sign3A_381 : i32
      %sign3A_383 = arith.extui %sign3A_382 : i1 to i32
      %sign3A_384 = arith.constant 0 : i32
      %sign3A_385 = arith.cmpi slt, %jit3A_372, %sign3A_384 : i32
      %sign3A_386 = arith.extui %sign3A_385 : i1 to i32
      %sign3A_387 = arith.subi %sign3A_383, %sign3A_386 : i32
      %ne3A_388 = arith.cmpi ne, %sign3A_380, %sign3A_387 : i32
      %rem3A_389 = arith.remsi %add3A_371, %jit3A_372 : i32
      %ne3A_390 = arith.constant 0 : i32
      %ne3A_391 = arith.cmpi ne, %rem3A_389, %ne3A_390 : i32
      %and3A_392 = arith.andi %ne3A_388, %ne3A_391 : i1
      %sub3A_393 = arith.constant 1 : i32
      %sub3A_394 = arith.subi %div3A_373, %sub3A_393 : i32
      %select_n3A_395 = arith.select %and3A_392, %sub3A_394, %div3A_373 : i32
      %mul3A_396 = arith.constant 16 : i32
      %mul3A_397 = arith.muli %select_n3A_395, %mul3A_396 : i32
      %get3A_398 = arith.index_cast %mul3A_397 : i32 to index
      %get3A_399 = tpu.vector_load %arg7[%get3A_398] {strides = array<i32>} : memref<512xi32, #tpu.memory_space<vmem>>, vector<16xi32>,
      %and3A_400 = arith.constant 15 : i32
      %and3A_401 = arith.andi %add3A_371, %and3A_400 : i32
      %eq3A_402 = vector.broadcast %and3A_401 : i32 to vector<16xi32>
      %eq3A_403 = arith.cmpi eq, %iota3A, %eq3A_402 : vector<16xi32>
      %jit3A_404 = arith.constant 0 : i32
      %broadcast_in_dim3A_405 = vector.broadcast %jit3A_404 : i32 to vector<16xi32>
      %select_n3A_406 = arith.select %eq3A_403, %get3A_399, %broadcast_in_dim3A_405 : vector<16xi1>, vector<16xi32>
      %reduce_sum3A_407 = arith.constant true
      %reduce_sum3A_408 = vector.broadcast %reduce_sum3A_407 : i1 to vector<16xi1>
      %reduce_sum3A_409 = tpu.scan <sum>, %select_n3A_406 masked %reduce_sum3A_408 : vector<16xi32>, vector<16xi1> -> vector<16xi32>
      %reduce_sum3A_410 = vector.extract %reduce_sum3A_409[15] : i32 from vector<16xi32>
      %shift_right_arithmetic3A_411 = arith.constant 7 : i32
      %shift_right_arithmetic3A_412 = arith.shrsi %reduce_sum3A_410, %shift_right_arithmetic3A_411 : i32
      %mul3A_413 = arith.constant 128 : i32
      %mul3A_414 = arith.muli %shift_right_arithmetic3A_412, %mul3A_413 : i32
      %multiple_of3A_415 = tpu.assume_multiple %mul3A_414, 128 : i32
      %dma_start3A_416 = arith.constant 1 : i32
      %dma_start3A_417 = arith.constant 1 : i32
      %dma_start3A_418 = arith.constant 0 : i32
      %dma_start3A_419 = arith.constant 0 : i32
      %dma_start3A_420 = tpu.memref_slice %arg9[%dma_start3A_416, %dma_start3A_417, %dma_start3A_418, %dma_start3A_419] : memref<2x4x32x128xf32, #tpu.memory_space<vmem>> -> memref<1x1x32x128xf32, #tpu.memory_space<vmem>>
      %dma_start3A_421 = tpu.memref_squeeze %dma_start3A_420 : memref<1x1x32x128xf32, #tpu.memory_space<vmem>> -> memref<32x128xf32, #tpu.memory_space<vmem>>
      %dma_start3A_422 = arith.constant 0 : i32
      %dma_start3A_423 = tpu.memref_slice %arg4[%dma_start3A_422, %multiple_of3A_415] : memref<32x1000000xf32, #tpu.memory_space<hbm>> -> memref<32x128xf32, #tpu.memory_space<hbm>>
      %dma_start3A_424 = arith.constant 0 : i32
      %dma_start3A_425 = arith.constant 0 : i32
      %dma_start3A_426 = tpu.memref_slice %arg9[%dma_start3A_416, %dma_start3A_417, %dma_start3A_424, %dma_start3A_425] : memref<2x4x32x128xf32, #tpu.memory_space<vmem>> -> memref<1x1x32x128xf32, #tpu.memory_space<vmem>>
      %dma_start3A_427 = tpu.memref_squeeze %dma_start3A_426 : memref<1x1x32x128xf32, #tpu.memory_space<vmem>> -> memref<32x128xf32, #tpu.memory_space<vmem>>
      %dma_start3A_428 = arith.constant 0 : i32
      %dma_start3A_429 = tpu.memref_slice %arg4[%dma_start3A_428, %multiple_of3A_415] : memref<32x1000000xf32, #tpu.memory_space<hbm>> -> memref<32x128xf32, #tpu.memory_space<hbm>>
      tpu.enqueue_dma source(%dma_start3A_429 : memref<32x128xf32, #tpu.memory_space<hbm>>) target(%dma_start3A_427 : memref<32x128xf32, #tpu.memory_space<vmem>>) target_semaphore(%arg13 : memref<!tpu.dma_semaphore, #tpu.memory_space<semaphore_mem>>)
      %jit3A_430 = arith.constant 16 : i32
      %div3A_431 = arith.divsi %add3A_371, %jit3A_430 : i32
      %sign3A_432 = arith.constant 0 : i32
      %sign3A_433 = arith.cmpi sgt, %add3A_371, %sign3A_432 : i32
      %sign3A_434 = arith.extui %sign3A_433 : i1 to i32
      %sign3A_435 = arith.constant 0 : i32
      %sign3A_436 = arith.cmpi slt, %add3A_371, %sign3A_435 : i32
      %sign3A_437 = arith.extui %sign3A_436 : i1 to i32
      %sign3A_438 = arith.subi %sign3A_434, %sign3A_437 : i32
      %sign3A_439 = arith.constant 0 : i32
      %sign3A_440 = arith.cmpi sgt, %jit3A_430, %sign3A_439 : i32
      %sign3A_441 = arith.extui %sign3A_440 : i1 to i32
      %sign3A_442 = arith.constant 0 : i32
      %sign3A_443 = arith.cmpi slt, %jit3A_430, %sign3A_442 : i32
      %sign3A_444 = arith.extui %sign3A_443 : i1 to i32
      %sign3A_445 = arith.subi %sign3A_441, %sign3A_444 : i32
      %ne3A_446 = arith.cmpi ne, %sign3A_438, %sign3A_445 : i32
      %rem3A_447 = arith.remsi %add3A_371, %jit3A_430 : i32
      %ne3A_448 = arith.constant 0 : i32
      %ne3A_449 = arith.cmpi ne, %rem3A_447, %ne3A_448 : i32
      %and3A_450 = arith.andi %ne3A_446, %ne3A_449 : i1
      %sub3A_451 = arith.constant 1 : i32
      %sub3A_452 = arith.subi %div3A_431, %sub3A_451 : i32
      %select_n3A_453 = arith.select %and3A_450, %sub3A_452, %div3A_431 : i32
      %mul3A_454 = arith.constant 16 : i32
      %mul3A_455 = arith.muli %select_n3A_453, %mul3A_454 : i32
      %get3A_456 = arith.index_cast %mul3A_455 : i32 to index
      %get3A_457 = tpu.vector_load %arg8[%get3A_456] {strides = array<i32>} : memref<512xi32, #tpu.memory_space<vmem>>, vector<16xi32>,
      %and3A_458 = arith.constant 15 : i32
      %and3A_459 = arith.andi %add3A_371, %and3A_458 : i32
      %eq3A_460 = vector.broadcast %and3A_459 : i32 to vector<16xi32>
      %eq3A_461 = arith.cmpi eq, %iota3A, %eq3A_460 : vector<16xi32>
      %jit3A_462 = arith.constant 0 : i32
      %broadcast_in_dim3A_463 = vector.broadcast %jit3A_462 : i32 to vector<16xi32>
      %select_n3A_464 = arith.select %eq3A_461, %get3A_457, %broadcast_in_dim3A_463 : vector<16xi1>, vector<16xi32>
      %reduce_sum3A_465 = arith.constant true
      %reduce_sum3A_466 = vector.broadcast %reduce_sum3A_465 : i1 to vector<16xi1>
      %reduce_sum3A_467 = tpu.scan <sum>, %select_n3A_464 masked %reduce_sum3A_466 : vector<16xi32>, vector<16xi1> -> vector<16xi32>
      %reduce_sum3A_468 = vector.extract %reduce_sum3A_467[15] : i32 from vector<16xi32>
      %shift_right_arithmetic3A_469 = arith.constant 7 : i32
      %shift_right_arithmetic3A_470 = arith.shrsi %reduce_sum3A_468, %shift_right_arithmetic3A_469 : i32
      %mul3A_471 = arith.constant 128 : i32
      %mul3A_472 = arith.muli %shift_right_arithmetic3A_470, %mul3A_471 : i32
      %multiple_of3A_473 = tpu.assume_multiple %mul3A_472, 128 : i32
      %dma_start3A_474 = arith.constant 1 : i32
      %dma_start3A_475 = arith.constant 1 : i32
      %dma_start3A_476 = arith.constant 0 : i32
      %dma_start3A_477 = arith.constant 0 : i32
      %dma_start3A_478 = tpu.memref_slice %arg10[%dma_start3A_474, %dma_start3A_475, %dma_start3A_476, %dma_start3A_477] : memref<2x4x32x128xf32, #tpu.memory_space<vmem>> -> memref<1x1x32x128xf32, #tpu.memory_space<vmem>>
      %dma_start3A_479 = tpu.memref_squeeze %dma_start3A_478 : memref<1x1x32x128xf32, #tpu.memory_space<vmem>> -> memref<32x128xf32, #tpu.memory_space<vmem>>
      %dma_start3A_480 = arith.constant 0 : i32
      %dma_start3A_481 = tpu.memref_slice %arg5[%dma_start3A_480, %multiple_of3A_473] : memref<32x1000000xf32, #tpu.memory_space<hbm>> -> memref<32x128xf32, #tpu.memory_space<hbm>>
      %dma_start3A_482 = arith.constant 0 : i32
      %dma_start3A_483 = arith.constant 0 : i32
      %dma_start3A_484 = tpu.memref_slice %arg10[%dma_start3A_474, %dma_start3A_475, %dma_start3A_482, %dma_start3A_483] : memref<2x4x32x128xf32, #tpu.memory_space<vmem>> -> memref<1x1x32x128xf32, #tpu.memory_space<vmem>>
      %dma_start3A_485 = tpu.memref_squeeze %dma_start3A_484 : memref<1x1x32x128xf32, #tpu.memory_space<vmem>> -> memref<32x128xf32, #tpu.memory_space<vmem>>
      %dma_start3A_486 = arith.constant 0 : i32
      %dma_start3A_487 = tpu.memref_slice %arg5[%dma_start3A_486, %multiple_of3A_473] : memref<32x1000000xf32, #tpu.memory_space<hbm>> -> memref<32x128xf32, #tpu.memory_space<hbm>>
      tpu.enqueue_dma source(%dma_start3A_487 : memref<32x128xf32, #tpu.memory_space<hbm>>) target(%dma_start3A_485 : memref<32x128xf32, #tpu.memory_space<vmem>>) target_semaphore(%arg13 : memref<!tpu.dma_semaphore, #tpu.memory_space<semaphore_mem>>)
      %mul3A_488 = arith.constant 4 : i32
      %mul3A_489 = arith.muli %add3A_253, %mul3A_488 : i32
      %add3A_490 = arith.constant 2 : i32
      %add3A_491 = arith.addi %mul3A_489, %add3A_490 : i32
      %jit3A_492 = arith.constant 16 : i32
      %div3A_493 = arith.divsi %add3A_491, %jit3A_492 : i32
      %sign3A_494 = arith.constant 0 : i32
      %sign3A_495 = arith.cmpi sgt, %add3A_491, %sign3A_494 : i32
      %sign3A_496 = arith.extui %sign3A_495 : i1 to i32
      %sign3A_497 = arith.constant 0 : i32
      %sign3A_498 = arith.cmpi slt, %add3A_491, %sign3A_497 : i32
      %sign3A_499 = arith.extui %sign3A_498 : i1 to i32
      %sign3A_500 = arith.subi %sign3A_496, %sign3A_499 : i32
      %sign3A_501 = arith.constant 0 : i32
      %sign3A_502 = arith.cmpi sgt, %jit3A_492, %sign3A_501 : i32
      %sign3A_503 = arith.extui %sign3A_502 : i1 to i32
      %sign3A_504 = arith.constant 0 : i32
      %sign3A_505 = arith.cmpi slt, %jit3A_492, %sign3A_504 : i32
      %sign3A_506 = arith.extui %sign3A_505 : i1 to i32
      %sign3A_507 = arith.subi %sign3A_503, %sign3A_506 : i32
      %ne3A_508 = arith.cmpi ne, %sign3A_500, %sign3A_507 : i32
      %rem3A_509 = arith.remsi %add3A_491, %jit3A_492 : i32
      %ne3A_510 = arith.constant 0 : i32
      %ne3A_511 = arith.cmpi ne, %rem3A_509, %ne3A_510 : i32
      %and3A_512 = arith.andi %ne3A_508, %ne3A_511 : i1
      %sub3A_513 = arith.constant 1 : i32
      %sub3A_514 = arith.subi %div3A_493, %sub3A_513 : i32
      %select_n3A_515 = arith.select %and3A_512, %sub3A_514, %div3A_493 : i32
      %mul3A_516 = arith.constant 16 : i32
      %mul3A_517 = arith.muli %select_n3A_515, %mul3A_516 : i32
      %get3A_518 = arith.index_cast %mul3A_517 : i32 to index
      %get3A_519 = tpu.vector_load %arg7[%get3A_518] {strides = array<i32>} : memref<512xi32, #tpu.memory_space<vmem>>, vector<16xi32>,
      %and3A_520 = arith.constant 15 : i32
      %and3A_521 = arith.andi %add3A_491, %and3A_520 : i32
      %eq3A_522 = vector.broadcast %and3A_521 : i32 to vector<16xi32>
      %eq3A_523 = arith.cmpi eq, %iota3A, %eq3A_522 : vector<16xi32>
      %jit3A_524 = arith.constant 0 : i32
      %broadcast_in_dim3A_525 = vector.broadcast %jit3A_524 : i32 to vector<16xi32>
      %select_n3A_526 = arith.select %eq3A_523, %get3A_519, %broadcast_in_dim3A_525 : vector<16xi1>, vector<16xi32>
      %reduce_sum3A_527 = arith.constant true
      %reduce_sum3A_528 = vector.broadcast %reduce_sum3A_527 : i1 to vector<16xi1>
      %reduce_sum3A_529 = tpu.scan <sum>, %select_n3A_526 masked %reduce_sum3A_528 : vector<16xi32>, vector<16xi1> -> vector<16xi32>
      %reduce_sum3A_530 = vector.extract %reduce_sum3A_529[15] : i32 from vector<16xi32>
      %shift_right_arithmetic3A_531 = arith.constant 7 : i32
      %shift_right_arithmetic3A_532 = arith.shrsi %reduce_sum3A_530, %shift_right_arithmetic3A_531 : i32
      %mul3A_533 = arith.constant 128 : i32
      %mul3A_534 = arith.muli %shift_right_arithmetic3A_532, %mul3A_533 : i32
      %multiple_of3A_535 = tpu.assume_multiple %mul3A_534, 128 : i32
      %dma_start3A_536 = arith.constant 1 : i32
      %dma_start3A_537 = arith.constant 2 : i32
      %dma_start3A_538 = arith.constant 0 : i32
      %dma_start3A_539 = arith.constant 0 : i32
      %dma_start3A_540 = tpu.memref_slice %arg9[%dma_start3A_536, %dma_start3A_537, %dma_start3A_538, %dma_start3A_539] : memref<2x4x32x128xf32, #tpu.memory_space<vmem>> -> memref<1x1x32x128xf32, #tpu.memory_space<vmem>>
      %dma_start3A_541 = tpu.memref_squeeze %dma_start3A_540 : memref<1x1x32x128xf32, #tpu.memory_space<vmem>> -> memref<32x128xf32, #tpu.memory_space<vmem>>
      %dma_start3A_542 = arith.constant 0 : i32
      %dma_start3A_543 = tpu.memref_slice %arg4[%dma_start3A_542, %multiple_of3A_535] : memref<32x1000000xf32, #tpu.memory_space<hbm>> -> memref<32x128xf32, #tpu.memory_space<hbm>>
      %dma_start3A_544 = arith.constant 0 : i32
      %dma_start3A_545 = arith.constant 0 : i32
      %dma_start3A_546 = tpu.memref_slice %arg9[%dma_start3A_536, %dma_start3A_537, %dma_start3A_544, %dma_start3A_545] : memref<2x4x32x128xf32, #tpu.memory_space<vmem>> -> memref<1x1x32x128xf32, #tpu.memory_space<vmem>>
      %dma_start3A_547 = tpu.memref_squeeze %dma_start3A_546 : memref<1x1x32x128xf32, #tpu.memory_space<vmem>> -> memref<32x128xf32, #tpu.memory_space<vmem>>
      %dma_start3A_548 = arith.constant 0 : i32
      %dma_start3A_549 = tpu.memref_slice %arg4[%dma_start3A_548, %multiple_of3A_535] : memref<32x1000000xf32, #tpu.memory_space<hbm>> -> memref<32x128xf32, #tpu.memory_space<hbm>>
      tpu.enqueue_dma source(%dma_start3A_549 : memref<32x128xf32, #tpu.memory_space<hbm>>) target(%dma_start3A_547 : memref<32x128xf32, #tpu.memory_space<vmem>>) target_semaphore(%arg13 : memref<!tpu.dma_semaphore, #tpu.memory_space<semaphore_mem>>)
      %jit3A_550 = arith.constant 16 : i32
      %div3A_551 = arith.divsi %add3A_491, %jit3A_550 : i32
      %sign3A_552 = arith.constant 0 : i32
      %sign3A_553 = arith.cmpi sgt, %add3A_491, %sign3A_552 : i32
      %sign3A_554 = arith.extui %sign3A_553 : i1 to i32
      %sign3A_555 = arith.constant 0 : i32
      %sign3A_556 = arith.cmpi slt, %add3A_491, %sign3A_555 : i32
      %sign3A_557 = arith.extui %sign3A_556 : i1 to i32
      %sign3A_558 = arith.subi %sign3A_554, %sign3A_557 : i32
      %sign3A_559 = arith.constant 0 : i32
      %sign3A_560 = arith.cmpi sgt, %jit3A_550, %sign3A_559 : i32
      %sign3A_561 = arith.extui %sign3A_560 : i1 to i32
      %sign3A_562 = arith.constant 0 : i32
      %sign3A_563 = arith.cmpi slt, %jit3A_550, %sign3A_562 : i32
      %sign3A_564 = arith.extui %sign3A_563 : i1 to i32
      %sign3A_565 = arith.subi %sign3A_561, %sign3A_564 : i32
      %ne3A_566 = arith.cmpi ne, %sign3A_558, %sign3A_565 : i32
      %rem3A_567 = arith.remsi %add3A_491, %jit3A_550 : i32
      %ne3A_568 = arith.constant 0 : i32
      %ne3A_569 = arith.cmpi ne, %rem3A_567, %ne3A_568 : i32
      %and3A_570 = arith.andi %ne3A_566, %ne3A_569 : i1
      %sub3A_571 = arith.constant 1 : i32
      %sub3A_572 = arith.subi %div3A_551, %sub3A_571 : i32
      %select_n3A_573 = arith.select %and3A_570, %sub3A_572, %div3A_551 : i32
      %mul3A_574 = arith.constant 16 : i32
      %mul3A_575 = arith.muli %select_n3A_573, %mul3A_574 : i32
      %get3A_576 = arith.index_cast %mul3A_575 : i32 to index
      %get3A_577 = tpu.vector_load %arg8[%get3A_576] {strides = array<i32>} : memref<512xi32, #tpu.memory_space<vmem>>, vector<16xi32>,
      %and3A_578 = arith.constant 15 : i32
      %and3A_579 = arith.andi %add3A_491, %and3A_578 : i32
      %eq3A_580 = vector.broadcast %and3A_579 : i32 to vector<16xi32>
      %eq3A_581 = arith.cmpi eq, %iota3A, %eq3A_580 : vector<16xi32>
      %jit3A_582 = arith.constant 0 : i32
      %broadcast_in_dim3A_583 = vector.broadcast %jit3A_582 : i32 to vector<16xi32>
      %select_n3A_584 = arith.select %eq3A_581, %get3A_577, %broadcast_in_dim3A_583 : vector<16xi1>, vector<16xi32>
      %reduce_sum3A_585 = arith.constant true
      %reduce_sum3A_586 = vector.broadcast %reduce_sum3A_585 : i1 to vector<16xi1>
      %reduce_sum3A_587 = tpu.scan <sum>, %select_n3A_584 masked %reduce_sum3A_586 : vector<16xi32>, vector<16xi1> -> vector<16xi32>
      %reduce_sum3A_588 = vector.extract %reduce_sum3A_587[15] : i32 from vector<16xi32>
      %shift_right_arithmetic3A_589 = arith.constant 7 : i32
      %shift_right_arithmetic3A_590 = arith.shrsi %reduce_sum3A_588, %shift_right_arithmetic3A_589 : i32
      %mul3A_591 = arith.constant 128 : i32
      %mul3A_592 = arith.muli %shift_right_arithmetic3A_590, %mul3A_591 : i32
      %multiple_of3A_593 = tpu.assume_multiple %mul3A_592, 128 : i32
      %dma_start3A_594 = arith.constant 1 : i32
      %dma_start3A_595 = arith.constant 2 : i32
      %dma_start3A_596 = arith.constant 0 : i32
      %dma_start3A_597 = arith.constant 0 : i32
      %dma_start3A_598 = tpu.memref_slice %arg10[%dma_start3A_594, %dma_start3A_595, %dma_start3A_596, %dma_start3A_597] : memref<2x4x32x128xf32, #tpu.memory_space<vmem>> -> memref<1x1x32x128xf32, #tpu.memory_space<vmem>>
      %dma_start3A_599 = tpu.memref_squeeze %dma_start3A_598 : memref<1x1x32x128xf32, #tpu.memory_space<vmem>> -> memref<32x128xf32, #tpu.memory_space<vmem>>
      %dma_start3A_600 = arith.constant 0 : i32
      %dma_start3A_601 = tpu.memref_slice %arg5[%dma_start3A_600, %multiple_of3A_593] : memref<32x1000000xf32, #tpu.memory_space<hbm>> -> memref<32x128xf32, #tpu.memory_space<hbm>>
      %dma_start3A_602 = arith.constant 0 : i32
      %dma_start3A_603 = arith.constant 0 : i32
      %dma_start3A_604 = tpu.memref_slice %arg10[%dma_start3A_594, %dma_start3A_595, %dma_start3A_602, %dma_start3A_603] : memref<2x4x32x128xf32, #tpu.memory_space<vmem>> -> memref<1x1x32x128xf32, #tpu.memory_space<vmem>>
      %dma_start3A_605 = tpu.memref_squeeze %dma_start3A_604 : memref<1x1x32x128xf32, #tpu.memory_space<vmem>> -> memref<32x128xf32, #tpu.memory_space<vmem>>
      %dma_start3A_606 = arith.constant 0 : i32
      %dma_start3A_607 = tpu.memref_slice %arg5[%dma_start3A_606, %multiple_of3A_593] : memref<32x1000000xf32, #tpu.memory_space<hbm>> -> memref<32x128xf32, #tpu.memory_space<hbm>>
      tpu.enqueue_dma source(%dma_start3A_607 : memref<32x128xf32, #tpu.memory_space<hbm>>) target(%dma_start3A_605 : memref<32x128xf32, #tpu.memory_space<vmem>>) target_semaphore(%arg13 : memref<!tpu.dma_semaphore, #tpu.memory_space<semaphore_mem>>)
      %mul3A_608 = arith.constant 4 : i32
      %mul3A_609 = arith.muli %add3A_253, %mul3A_608 : i32
      %add3A_610 = arith.constant 3 : i32
      %add3A_611 = arith.addi %mul3A_609, %add3A_610 : i32
      %jit3A_612 = arith.constant 16 : i32
      %div3A_613 = arith.divsi %add3A_611, %jit3A_612 : i32
      %sign3A_614 = arith.constant 0 : i32
      %sign3A_615 = arith.cmpi sgt, %add3A_611, %sign3A_614 : i32
      %sign3A_616 = arith.extui %sign3A_615 : i1 to i32
      %sign3A_617 = arith.constant 0 : i32
      %sign3A_618 = arith.cmpi slt, %add3A_611, %sign3A_617 : i32
      %sign3A_619 = arith.extui %sign3A_618 : i1 to i32
      %sign3A_620 = arith.subi %sign3A_616, %sign3A_619 : i32
      %sign3A_621 = arith.constant 0 : i32
      %sign3A_622 = arith.cmpi sgt, %jit3A_612, %sign3A_621 : i32
      %sign3A_623 = arith.extui %sign3A_622 : i1 to i32
      %sign3A_624 = arith.constant 0 : i32
      %sign3A_625 = arith.cmpi slt, %jit3A_612, %sign3A_624 : i32
      %sign3A_626 = arith.extui %sign3A_625 : i1 to i32
      %sign3A_627 = arith.subi %sign3A_623, %sign3A_626 : i32
      %ne3A_628 = arith.cmpi ne, %sign3A_620, %sign3A_627 : i32
      %rem3A_629 = arith.remsi %add3A_611, %jit3A_612 : i32
      %ne3A_630 = arith.constant 0 : i32
      %ne3A_631 = arith.cmpi ne, %rem3A_629, %ne3A_630 : i32
      %and3A_632 = arith.andi %ne3A_628, %ne3A_631 : i1
      %sub3A_633 = arith.constant 1 : i32
      %sub3A_634 = arith.subi %div3A_613, %sub3A_633 : i32
      %select_n3A_635 = arith.select %and3A_632, %sub3A_634, %div3A_613 : i32
      %mul3A_636 = arith.constant 16 : i32
      %mul3A_637 = arith.muli %select_n3A_635, %mul3A_636 : i32
      %get3A_638 = arith.index_cast %mul3A_637 : i32 to index
      %get3A_639 = tpu.vector_load %arg7[%get3A_638] {strides = array<i32>} : memref<512xi32, #tpu.memory_space<vmem>>, vector<16xi32>,
      %and3A_640 = arith.constant 15 : i32
      %and3A_641 = arith.andi %add3A_611, %and3A_640 : i32
      %eq3A_642 = vector.broadcast %and3A_641 : i32 to vector<16xi32>
      %eq3A_643 = arith.cmpi eq, %iota3A, %eq3A_642 : vector<16xi32>
      %jit3A_644 = arith.constant 0 : i32
      %broadcast_in_dim3A_645 = vector.broadcast %jit3A_644 : i32 to vector<16xi32>
      %select_n3A_646 = arith.select %eq3A_643, %get3A_639, %broadcast_in_dim3A_645 : vector<16xi1>, vector<16xi32>
      %reduce_sum3A_647 = arith.constant true
      %reduce_sum3A_648 = vector.broadcast %reduce_sum3A_647 : i1 to vector<16xi1>
      %reduce_sum3A_649 = tpu.scan <sum>, %select_n3A_646 masked %reduce_sum3A_648 : vector<16xi32>, vector<16xi1> -> vector<16xi32>
      %reduce_sum3A_650 = vector.extract %reduce_sum3A_649[15] : i32 from vector<16xi32>
      %shift_right_arithmetic3A_651 = arith.constant 7 : i32
      %shift_right_arithmetic3A_652 = arith.shrsi %reduce_sum3A_650, %shift_right_arithmetic3A_651 : i32
      %mul3A_653 = arith.constant 128 : i32
      %mul3A_654 = arith.muli %shift_right_arithmetic3A_652, %mul3A_653 : i32
      %multiple_of3A_655 = tpu.assume_multiple %mul3A_654, 128 : i32
      %dma_start3A_656 = arith.constant 1 : i32
      %dma_start3A_657 = arith.constant 3 : i32
      %dma_start3A_658 = arith.constant 0 : i32
      %dma_start3A_659 = arith.constant 0 : i32
      %dma_start3A_660 = tpu.memref_slice %arg9[%dma_start3A_656, %dma_start3A_657, %dma_start3A_658, %dma_start3A_659] : memref<2x4x32x128xf32, #tpu.memory_space<vmem>> -> memref<1x1x32x128xf32, #tpu.memory_space<vmem>>
      %dma_start3A_661 = tpu.memref_squeeze %dma_start3A_660 : memref<1x1x32x128xf32, #tpu.memory_space<vmem>> -> memref<32x128xf32, #tpu.memory_space<vmem>>
      %dma_start3A_662 = arith.constant 0 : i32
      %dma_start3A_663 = tpu.memref_slice %arg4[%dma_start3A_662, %multiple_of3A_655] : memref<32x1000000xf32, #tpu.memory_space<hbm>> -> memref<32x128xf32, #tpu.memory_space<hbm>>
      %dma_start3A_664 = arith.constant 0 : i32
      %dma_start3A_665 = arith.constant 0 : i32
      %dma_start3A_666 = tpu.memref_slice %arg9[%dma_start3A_656, %dma_start3A_657, %dma_start3A_664, %dma_start3A_665] : memref<2x4x32x128xf32, #tpu.memory_space<vmem>> -> memref<1x1x32x128xf32, #tpu.memory_space<vmem>>
      %dma_start3A_667 = tpu.memref_squeeze %dma_start3A_666 : memref<1x1x32x128xf32, #tpu.memory_space<vmem>> -> memref<32x128xf32, #tpu.memory_space<vmem>>
      %dma_start3A_668 = arith.constant 0 : i32
      %dma_start3A_669 = tpu.memref_slice %arg4[%dma_start3A_668, %multiple_of3A_655] : memref<32x1000000xf32, #tpu.memory_space<hbm>> -> memref<32x128xf32, #tpu.memory_space<hbm>>
      tpu.enqueue_dma source(%dma_start3A_669 : memref<32x128xf32, #tpu.memory_space<hbm>>) target(%dma_start3A_667 : memref<32x128xf32, #tpu.memory_space<vmem>>) target_semaphore(%arg13 : memref<!tpu.dma_semaphore, #tpu.memory_space<semaphore_mem>>)
      %jit3A_670 = arith.constant 16 : i32
      %div3A_671 = arith.divsi %add3A_611, %jit3A_670 : i32
      %sign3A_672 = arith.constant 0 : i32
      %sign3A_673 = arith.cmpi sgt, %add3A_611, %sign3A_672 : i32
      %sign3A_674 = arith.extui %sign3A_673 : i1 to i32
      %sign3A_675 = arith.constant 0 : i32
      %sign3A_676 = arith.cmpi slt, %add3A_611, %sign3A_675 : i32
      %sign3A_677 = arith.extui %sign3A_676 : i1 to i32
      %sign3A_678 = arith.subi %sign3A_674, %sign3A_677 : i32
      %sign3A_679 = arith.constant 0 : i32
      %sign3A_680 = arith.cmpi sgt, %jit3A_670, %sign3A_679 : i32
      %sign3A_681 = arith.extui %sign3A_680 : i1 to i32
      %sign3A_682 = arith.constant 0 : i32
      %sign3A_683 = arith.cmpi slt, %jit3A_670, %sign3A_682 : i32
      %sign3A_684 = arith.extui %sign3A_683 : i1 to i32
      %sign3A_685 = arith.subi %sign3A_681, %sign3A_684 : i32
      %ne3A_686 = arith.cmpi ne, %sign3A_678, %sign3A_685 : i32
      %rem3A_687 = arith.remsi %add3A_611, %jit3A_670 : i32
      %ne3A_688 = arith.constant 0 : i32
      %ne3A_689 = arith.cmpi ne, %rem3A_687, %ne3A_688 : i32
      %and3A_690 = arith.andi %ne3A_686, %ne3A_689 : i1
      %sub3A_691 = arith.constant 1 : i32
      %sub3A_692 = arith.subi %div3A_671, %sub3A_691 : i32
      %select_n3A_693 = arith.select %and3A_690, %sub3A_692, %div3A_671 : i32
      %mul3A_694 = arith.constant 16 : i32
      %mul3A_695 = arith.muli %select_n3A_693, %mul3A_694 : i32
      %get3A_696 = arith.index_cast %mul3A_695 : i32 to index
      %get3A_697 = tpu.vector_load %arg8[%get3A_696] {strides = array<i32>} : memref<512xi32, #tpu.memory_space<vmem>>, vector<16xi32>,
      %and3A_698 = arith.constant 15 : i32
      %and3A_699 = arith.andi %add3A_611, %and3A_698 : i32
      %eq3A_700 = vector.broadcast %and3A_699 : i32 to vector<16xi32>
      %eq3A_701 = arith.cmpi eq, %iota3A, %eq3A_700 : vector<16xi32>
      %jit3A_702 = arith.constant 0 : i32
      %broadcast_in_dim3A_703 = vector.broadcast %jit3A_702 : i32 to vector<16xi32>
      %select_n3A_704 = arith.select %eq3A_701, %get3A_697, %broadcast_in_dim3A_703 : vector<16xi1>, vector<16xi32>
      %reduce_sum3A_705 = arith.constant true
      %reduce_sum3A_706 = vector.broadcast %reduce_sum3A_705 : i1 to vector<16xi1>
      %reduce_sum3A_707 = tpu.scan <sum>, %select_n3A_704 masked %reduce_sum3A_706 : vector<16xi32>, vector<16xi1> -> vector<16xi32>
      %reduce_sum3A_708 = vector.extract %reduce_sum3A_707[15] : i32 from vector<16xi32>
      %shift_right_arithmetic3A_709 = arith.constant 7 : i32
      %shift_right_arithmetic3A_710 = arith.shrsi %reduce_sum3A_708, %shift_right_arithmetic3A_709 : i32
      %mul3A_711 = arith.constant 128 : i32
      %mul3A_712 = arith.muli %shift_right_arithmetic3A_710, %mul3A_711 : i32
      %multiple_of3A_713 = tpu.assume_multiple %mul3A_712, 128 : i32
      %dma_start3A_714 = arith.constant 1 : i32
      %dma_start3A_715 = arith.constant 3 : i32
      %dma_start3A_716 = arith.constant 0 : i32
      %dma_start3A_717 = arith.constant 0 : i32
      %dma_start3A_718 = tpu.memref_slice %arg10[%dma_start3A_714, %dma_start3A_715, %dma_start3A_716, %dma_start3A_717] : memref<2x4x32x128xf32, #tpu.memory_space<vmem>> -> memref<1x1x32x128xf32, #tpu.memory_space<vmem>>
      %dma_start3A_719 = tpu.memref_squeeze %dma_start3A_718 : memref<1x1x32x128xf32, #tpu.memory_space<vmem>> -> memref<32x128xf32, #tpu.memory_space<vmem>>
      %dma_start3A_720 = arith.constant 0 : i32
      %dma_start3A_721 = tpu.memref_slice %arg5[%dma_start3A_720, %multiple_of3A_713] : memref<32x1000000xf32, #tpu.memory_space<hbm>> -> memref<32x128xf32, #tpu.memory_space<hbm>>
      %dma_start3A_722 = arith.constant 0 : i32
      %dma_start3A_723 = arith.constant 0 : i32
      %dma_start3A_724 = tpu.memref_slice %arg10[%dma_start3A_714, %dma_start3A_715, %dma_start3A_722, %dma_start3A_723] : memref<2x4x32x128xf32, #tpu.memory_space<vmem>> -> memref<1x1x32x128xf32, #tpu.memory_space<vmem>>
      %dma_start3A_725 = tpu.memref_squeeze %dma_start3A_724 : memref<1x1x32x128xf32, #tpu.memory_space<vmem>> -> memref<32x128xf32, #tpu.memory_space<vmem>>
      %dma_start3A_726 = arith.constant 0 : i32
      %dma_start3A_727 = tpu.memref_slice %arg5[%dma_start3A_726, %multiple_of3A_713] : memref<32x1000000xf32, #tpu.memory_space<hbm>> -> memref<32x128xf32, #tpu.memory_space<hbm>>
      tpu.enqueue_dma source(%dma_start3A_727 : memref<32x128xf32, #tpu.memory_space<hbm>>) target(%dma_start3A_725 : memref<32x128xf32, #tpu.memory_space<vmem>>) target_semaphore(%arg13 : memref<!tpu.dma_semaphore, #tpu.memory_space<semaphore_mem>>)
      %dma_wait3A = arith.constant 0 : i32
      %dma_wait3A_728 = arith.constant 0 : i32
      %dma_wait3A_729 = arith.constant 0 : i32
      %dma_wait3A_730 = arith.constant 0 : i32
      %dma_wait3A_731 = tpu.memref_slice %arg9[%dma_wait3A, %dma_wait3A_728, %dma_wait3A_729, %dma_wait3A_730] : memref<2x4x32x128xf32, #tpu.memory_space<vmem>> -> memref<1x1x32x128xf32, #tpu.memory_space<vmem>>
      %dma_wait3A_732 = tpu.memref_squeeze %dma_wait3A_731 : memref<1x1x32x128xf32, #tpu.memory_space<vmem>> -> memref<32x128xf32, #tpu.memory_space<vmem>>
      %dma_wait3A_733 = arith.constant 0 : i32
      %dma_wait3A_734 = arith.constant 0 : i32
      %dma_wait3A_735 = tpu.memref_slice %arg4[%dma_wait3A_733, %dma_wait3A_734] : memref<32x1000000xf32, #tpu.memory_space<hbm>> -> memref<32x128xf32, #tpu.memory_space<hbm>>
      %dma_wait3A_736 = arith.constant 0 : i32
      %dma_wait3A_737 = arith.constant 0 : i32
      %dma_wait3A_738 = tpu.memref_slice %arg9[%dma_wait3A, %dma_wait3A_728, %dma_wait3A_736, %dma_wait3A_737] : memref<2x4x32x128xf32, #tpu.memory_space<vmem>> -> memref<1x1x32x128xf32, #tpu.memory_space<vmem>>
      %dma_wait3A_739 = tpu.memref_squeeze %dma_wait3A_738 : memref<1x1x32x128xf32, #tpu.memory_space<vmem>> -> memref<32x128xf32, #tpu.memory_space<vmem>>
      %dma_wait3A_740 = arith.constant 0 : i32
      %dma_wait3A_741 = arith.constant 0 : i32
      %dma_wait3A_742 = tpu.memref_slice %arg4[%dma_wait3A_740, %dma_wait3A_741] : memref<32x1000000xf32, #tpu.memory_space<hbm>> -> memref<32x128xf32, #tpu.memory_space<hbm>>
      tpu.wait_dma2 semaphore(%arg12 : memref<!tpu.dma_semaphore, #tpu.memory_space<semaphore_mem>>) src(%dma_wait3A_742 : memref<32x128xf32, #tpu.memory_space<hbm>>) dst(%dma_wait3A_739 : memref<32x128xf32, #tpu.memory_space<vmem>>)
      %dma_wait3A_743 = arith.constant 0 : i32
      %dma_wait3A_744 = arith.constant 0 : i32
      %dma_wait3A_745 = arith.constant 0 : i32
      %dma_wait3A_746 = arith.constant 0 : i32
      %dma_wait3A_747 = tpu.memref_slice %arg10[%dma_wait3A_743, %dma_wait3A_744, %dma_wait3A_745, %dma_wait3A_746] : memref<2x4x32x128xf32, #tpu.memory_space<vmem>> -> memref<1x1x32x128xf32, #tpu.memory_space<vmem>>
      %dma_wait3A_748 = tpu.memref_squeeze %dma_wait3A_747 : memref<1x1x32x128xf32, #tpu.memory_space<vmem>> -> memref<32x128xf32, #tpu.memory_space<vmem>>
      %dma_wait3A_749 = arith.constant 0 : i32
      %dma_wait3A_750 = arith.constant 0 : i32
      %dma_wait3A_751 = tpu.memref_slice %arg5[%dma_wait3A_749, %dma_wait3A_750] : memref<32x1000000xf32, #tpu.memory_space<hbm>> -> memref<32x128xf32, #tpu.memory_space<hbm>>
      %dma_wait3A_752 = arith.constant 0 : i32
      %dma_wait3A_753 = arith.constant 0 : i32
      %dma_wait3A_754 = tpu.memref_slice %arg10[%dma_wait3A_743, %dma_wait3A_744, %dma_wait3A_752, %dma_wait3A_753] : memref<2x4x32x128xf32, #tpu.memory_space<vmem>> -> memref<1x1x32x128xf32, #tpu.memory_space<vmem>>
      %dma_wait3A_755 = tpu.memref_squeeze %dma_wait3A_754 : memref<1x1x32x128xf32, #tpu.memory_space<vmem>> -> memref<32x128xf32, #tpu.memory_space<vmem>>
      %dma_wait3A_756 = arith.constant 0 : i32
      %dma_wait3A_757 = arith.constant 0 : i32
      %dma_wait3A_758 = tpu.memref_slice %arg5[%dma_wait3A_756, %dma_wait3A_757] : memref<32x1000000xf32, #tpu.memory_space<hbm>> -> memref<32x128xf32, #tpu.memory_space<hbm>>
      tpu.wait_dma2 semaphore(%arg12 : memref<!tpu.dma_semaphore, #tpu.memory_space<semaphore_mem>>) src(%dma_wait3A_758 : memref<32x128xf32, #tpu.memory_space<hbm>>) dst(%dma_wait3A_755 : memref<32x128xf32, #tpu.memory_space<vmem>>)
      %dma_wait3A_759 = arith.constant 0 : i32
      %dma_wait3A_760 = arith.constant 1 : i32
      %dma_wait3A_761 = arith.constant 0 : i32
      %dma_wait3A_762 = arith.constant 0 : i32
      %dma_wait3A_763 = tpu.memref_slice %arg9[%dma_wait3A_759, %dma_wait3A_760, %dma_wait3A_761, %dma_wait3A_762] : memref<2x4x32x128xf32, #tpu.memory_space<vmem>> -> memref<1x1x32x128xf32, #tpu.memory_space<vmem>>
      %dma_wait3A_764 = tpu.memref_squeeze %dma_wait3A_763 : memref<1x1x32x128xf32, #tpu.memory_space<vmem>> -> memref<32x128xf32, #tpu.memory_space<vmem>>
      %dma_wait3A_765 = arith.constant 0 : i32
      %dma_wait3A_766 = arith.constant 0 : i32
      %dma_wait3A_767 = tpu.memref_slice %arg4[%dma_wait3A_765, %dma_wait3A_766] : memref<32x1000000xf32, #tpu.memory_space<hbm>> -> memref<32x128xf32, #tpu.memory_space<hbm>>
      %dma_wait3A_768 = arith.constant 0 : i32
      %dma_wait3A_769 = arith.constant 0 : i32
      %dma_wait3A_770 = tpu.memref_slice %arg9[%dma_wait3A_759, %dma_wait3A_760, %dma_wait3A_768, %dma_wait3A_769] : memref<2x4x32x128xf32, #tpu.memory_space<vmem>> -> memref<1x1x32x128xf32, #tpu.memory_space<vmem>>
      %dma_wait3A_771 = tpu.memref_squeeze %dma_wait3A_770 : memref<1x1x32x128xf32, #tpu.memory_space<vmem>> -> memref<32x128xf32, #tpu.memory_space<vmem>>
      %dma_wait3A_772 = arith.constant 0 : i32
      %dma_wait3A_773 = arith.constant 0 : i32
      %dma_wait3A_774 = tpu.memref_slice %arg4[%dma_wait3A_772, %dma_wait3A_773] : memref<32x1000000xf32, #tpu.memory_space<hbm>> -> memref<32x128xf32, #tpu.memory_space<hbm>>
      tpu.wait_dma2 semaphore(%arg12 : memref<!tpu.dma_semaphore, #tpu.memory_space<semaphore_mem>>) src(%dma_wait3A_774 : memref<32x128xf32, #tpu.memory_space<hbm>>) dst(%dma_wait3A_771 : memref<32x128xf32, #tpu.memory_space<vmem>>)
      %dma_wait3A_775 = arith.constant 0 : i32
      %dma_wait3A_776 = arith.constant 1 : i32
      %dma_wait3A_777 = arith.constant 0 : i32
      %dma_wait3A_778 = arith.constant 0 : i32
      %dma_wait3A_779 = tpu.memref_slice %arg10[%dma_wait3A_775, %dma_wait3A_776, %dma_wait3A_777, %dma_wait3A_778] : memref<2x4x32x128xf32, #tpu.memory_space<vmem>> -> memref<1x1x32x128xf32, #tpu.memory_space<vmem>>
      %dma_wait3A_780 = tpu.memref_squeeze %dma_wait3A_779 : memref<1x1x32x128xf32, #tpu.memory_space<vmem>> -> memref<32x128xf32, #tpu.memory_space<vmem>>
      %dma_wait3A_781 = arith.constant 0 : i32
      %dma_wait3A_782 = arith.constant 0 : i32
      %dma_wait3A_783 = tpu.memref_slice %arg5[%dma_wait3A_781, %dma_wait3A_782] : memref<32x1000000xf32, #tpu.memory_space<hbm>> -> memref<32x128xf32, #tpu.memory_space<hbm>>
      %dma_wait3A_784 = arith.constant 0 : i32
      %dma_wait3A_785 = arith.constant 0 : i32
      %dma_wait3A_786 = tpu.memref_slice %arg10[%dma_wait3A_775, %dma_wait3A_776, %dma_wait3A_784, %dma_wait3A_785] : memref<2x4x32x128xf32, #tpu.memory_space<vmem>> -> memref<1x1x32x128xf32, #tpu.memory_space<vmem>>
      %dma_wait3A_787 = tpu.memref_squeeze %dma_wait3A_786 : memref<1x1x32x128xf32, #tpu.memory_space<vmem>> -> memref<32x128xf32, #tpu.memory_space<vmem>>
      %dma_wait3A_788 = arith.constant 0 : i32
      %dma_wait3A_789 = arith.constant 0 : i32
      %dma_wait3A_790 = tpu.memref_slice %arg5[%dma_wait3A_788, %dma_wait3A_789] : memref<32x1000000xf32, #tpu.memory_space<hbm>> -> memref<32x128xf32, #tpu.memory_space<hbm>>
      tpu.wait_dma2 semaphore(%arg12 : memref<!tpu.dma_semaphore, #tpu.memory_space<semaphore_mem>>) src(%dma_wait3A_790 : memref<32x128xf32, #tpu.memory_space<hbm>>) dst(%dma_wait3A_787 : memref<32x128xf32, #tpu.memory_space<vmem>>)
      %dma_wait3A_791 = arith.constant 0 : i32
      %dma_wait3A_792 = arith.constant 2 : i32
      %dma_wait3A_793 = arith.constant 0 : i32
      %dma_wait3A_794 = arith.constant 0 : i32
      %dma_wait3A_795 = tpu.memref_slice %arg9[%dma_wait3A_791, %dma_wait3A_792, %dma_wait3A_793, %dma_wait3A_794] : memref<2x4x32x128xf32, #tpu.memory_space<vmem>> -> memref<1x1x32x128xf32, #tpu.memory_space<vmem>>
      %dma_wait3A_796 = tpu.memref_squeeze %dma_wait3A_795 : memref<1x1x32x128xf32, #tpu.memory_space<vmem>> -> memref<32x128xf32, #tpu.memory_space<vmem>>
      %dma_wait3A_797 = arith.constant 0 : i32
      %dma_wait3A_798 = arith.constant 0 : i32
      %dma_wait3A_799 = tpu.memref_slice %arg4[%dma_wait3A_797, %dma_wait3A_798] : memref<32x1000000xf32, #tpu.memory_space<hbm>> -> memref<32x128xf32, #tpu.memory_space<hbm>>
      %dma_wait3A_800 = arith.constant 0 : i32
      %dma_wait3A_801 = arith.constant 0 : i32
      %dma_wait3A_802 = tpu.memref_slice %arg9[%dma_wait3A_791, %dma_wait3A_792, %dma_wait3A_800, %dma_wait3A_801] : memref<2x4x32x128xf32, #tpu.memory_space<vmem>> -> memref<1x1x32x128xf32, #tpu.memory_space<vmem>>
      %dma_wait3A_803 = tpu.memref_squeeze %dma_wait3A_802 : memref<1x1x32x128xf32, #tpu.memory_space<vmem>> -> memref<32x128xf32, #tpu.memory_space<vmem>>
      %dma_wait3A_804 = arith.constant 0 : i32
      %dma_wait3A_805 = arith.constant 0 : i32
      %dma_wait3A_806 = tpu.memref_slice %arg4[%dma_wait3A_804, %dma_wait3A_805] : memref<32x1000000xf32, #tpu.memory_space<hbm>> -> memref<32x128xf32, #tpu.memory_space<hbm>>
      tpu.wait_dma2 semaphore(%arg12 : memref<!tpu.dma_semaphore, #tpu.memory_space<semaphore_mem>>) src(%dma_wait3A_806 : memref<32x128xf32, #tpu.memory_space<hbm>>) dst(%dma_wait3A_803 : memref<32x128xf32, #tpu.memory_space<vmem>>)
      %dma_wait3A_807 = arith.constant 0 : i32
      %dma_wait3A_808 = arith.constant 2 : i32
      %dma_wait3A_809 = arith.constant 0 : i32
      %dma_wait3A_810 = arith.constant 0 : i32
      %dma_wait3A_811 = tpu.memref_slice %arg10[%dma_wait3A_807, %dma_wait3A_808, %dma_wait3A_809, %dma_wait3A_810] : memref<2x4x32x128xf32, #tpu.memory_space<vmem>> -> memref<1x1x32x128xf32, #tpu.memory_space<vmem>>
      %dma_wait3A_812 = tpu.memref_squeeze %dma_wait3A_811 : memref<1x1x32x128xf32, #tpu.memory_space<vmem>> -> memref<32x128xf32, #tpu.memory_space<vmem>>
      %dma_wait3A_813 = arith.constant 0 : i32
      %dma_wait3A_814 = arith.constant 0 : i32
      %dma_wait3A_815 = tpu.memref_slice %arg5[%dma_wait3A_813, %dma_wait3A_814] : memref<32x1000000xf32, #tpu.memory_space<hbm>> -> memref<32x128xf32, #tpu.memory_space<hbm>>
      %dma_wait3A_816 = arith.constant 0 : i32
      %dma_wait3A_817 = arith.constant 0 : i32
      %dma_wait3A_818 = tpu.memref_slice %arg10[%dma_wait3A_807, %dma_wait3A_808, %dma_wait3A_816, %dma_wait3A_817] : memref<2x4x32x128xf32, #tpu.memory_space<vmem>> -> memref<1x1x32x128xf32, #tpu.memory_space<vmem>>
      %dma_wait3A_819 = tpu.memref_squeeze %dma_wait3A_818 : memref<1x1x32x128xf32, #tpu.memory_space<vmem>> -> memref<32x128xf32, #tpu.memory_space<vmem>>
      %dma_wait3A_820 = arith.constant 0 : i32
      %dma_wait3A_821 = arith.constant 0 : i32
      %dma_wait3A_822 = tpu.memref_slice %arg5[%dma_wait3A_820, %dma_wait3A_821] : memref<32x1000000xf32, #tpu.memory_space<hbm>> -> memref<32x128xf32, #tpu.memory_space<hbm>>
      tpu.wait_dma2 semaphore(%arg12 : memref<!tpu.dma_semaphore, #tpu.memory_space<semaphore_mem>>) src(%dma_wait3A_822 : memref<32x128xf32, #tpu.memory_space<hbm>>) dst(%dma_wait3A_819 : memref<32x128xf32, #tpu.memory_space<vmem>>)
      %dma_wait3A_823 = arith.constant 0 : i32
      %dma_wait3A_824 = arith.constant 3 : i32
      %dma_wait3A_825 = arith.constant 0 : i32
      %dma_wait3A_826 = arith.constant 0 : i32
      %dma_wait3A_827 = tpu.memref_slice %arg9[%dma_wait3A_823, %dma_wait3A_824, %dma_wait3A_825, %dma_wait3A_826] : memref<2x4x32x128xf32, #tpu.memory_space<vmem>> -> memref<1x1x32x128xf32, #tpu.memory_space<vmem>>
      %dma_wait3A_828 = tpu.memref_squeeze %dma_wait3A_827 : memref<1x1x32x128xf32, #tpu.memory_space<vmem>> -> memref<32x128xf32, #tpu.memory_space<vmem>>
      %dma_wait3A_829 = arith.constant 0 : i32
      %dma_wait3A_830 = arith.constant 0 : i32
      %dma_wait3A_831 = tpu.memref_slice %arg4[%dma_wait3A_829, %dma_wait3A_830] : memref<32x1000000xf32, #tpu.memory_space<hbm>> -> memref<32x128xf32, #tpu.memory_space<hbm>>
      %dma_wait3A_832 = arith.constant 0 : i32
      %dma_wait3A_833 = arith.constant 0 : i32
      %dma_wait3A_834 = tpu.memref_slice %arg9[%dma_wait3A_823, %dma_wait3A_824, %dma_wait3A_832, %dma_wait3A_833] : memref<2x4x32x128xf32, #tpu.memory_space<vmem>> -> memref<1x1x32x128xf32, #tpu.memory_space<vmem>>
      %dma_wait3A_835 = tpu.memref_squeeze %dma_wait3A_834 : memref<1x1x32x128xf32, #tpu.memory_space<vmem>> -> memref<32x128xf32, #tpu.memory_space<vmem>>
      %dma_wait3A_836 = arith.constant 0 : i32
      %dma_wait3A_837 = arith.constant 0 : i32
      %dma_wait3A_838 = tpu.memref_slice %arg4[%dma_wait3A_836, %dma_wait3A_837] : memref<32x1000000xf32, #tpu.memory_space<hbm>> -> memref<32x128xf32, #tpu.memory_space<hbm>>
      tpu.wait_dma2 semaphore(%arg12 : memref<!tpu.dma_semaphore, #tpu.memory_space<semaphore_mem>>) src(%dma_wait3A_838 : memref<32x128xf32, #tpu.memory_space<hbm>>) dst(%dma_wait3A_835 : memref<32x128xf32, #tpu.memory_space<vmem>>)
      %dma_wait3A_839 = arith.constant 0 : i32
      %dma_wait3A_840 = arith.constant 3 : i32
      %dma_wait3A_841 = arith.constant 0 : i32
      %dma_wait3A_842 = arith.constant 0 : i32
      %dma_wait3A_843 = tpu.memref_slice %arg10[%dma_wait3A_839, %dma_wait3A_840, %dma_wait3A_841, %dma_wait3A_842] : memref<2x4x32x128xf32, #tpu.memory_space<vmem>> -> memref<1x1x32x128xf32, #tpu.memory_space<vmem>>
      %dma_wait3A_844 = tpu.memref_squeeze %dma_wait3A_843 : memref<1x1x32x128xf32, #tpu.memory_space<vmem>> -> memref<32x128xf32, #tpu.memory_space<vmem>>
      %dma_wait3A_845 = arith.constant 0 : i32
      %dma_wait3A_846 = arith.constant 0 : i32
      %dma_wait3A_847 = tpu.memref_slice %arg5[%dma_wait3A_845, %dma_wait3A_846] : memref<32x1000000xf32, #tpu.memory_space<hbm>> -> memref<32x128xf32, #tpu.memory_space<hbm>>
      %dma_wait3A_848 = arith.constant 0 : i32
      %dma_wait3A_849 = arith.constant 0 : i32
      %dma_wait3A_850 = tpu.memref_slice %arg10[%dma_wait3A_839, %dma_wait3A_840, %dma_wait3A_848, %dma_wait3A_849] : memref<2x4x32x128xf32, #tpu.memory_space<vmem>> -> memref<1x1x32x128xf32, #tpu.memory_space<vmem>>
      %dma_wait3A_851 = tpu.memref_squeeze %dma_wait3A_850 : memref<1x1x32x128xf32, #tpu.memory_space<vmem>> -> memref<32x128xf32, #tpu.memory_space<vmem>>
      %dma_wait3A_852 = arith.constant 0 : i32
      %dma_wait3A_853 = arith.constant 0 : i32
      %dma_wait3A_854 = tpu.memref_slice %arg5[%dma_wait3A_852, %dma_wait3A_853] : memref<32x1000000xf32, #tpu.memory_space<hbm>> -> memref<32x128xf32, #tpu.memory_space<hbm>>
      tpu.wait_dma2 semaphore(%arg12 : memref<!tpu.dma_semaphore, #tpu.memory_space<semaphore_mem>>) src(%dma_wait3A_854 : memref<32x128xf32, #tpu.memory_space<hbm>>) dst(%dma_wait3A_851 : memref<32x128xf32, #tpu.memory_space<vmem>>)
      %broadcast_in_dim3A_855 = arith.constant 0 : i32
      %broadcast_in_dim3A_856 = vector.broadcast %broadcast_in_dim3A_855 : i32 to vector<16xi32>
      %mul3A_857 = arith.constant 4 : i32
      %mul3A_858 = arith.muli %mul3A_251, %mul3A_857 : i32
      %add3A_859 = arith.constant 0 : i32
      %add3A_860 = arith.addi %mul3A_858, %add3A_859 : i32
      %broadcast_in_dim3A_861 = arith.constant 0 : i32
      %broadcast_in_dim3A_862 = vector.broadcast %broadcast_in_dim3A_861 : i32 to vector<16xi32>
      %jit3A_863 = arith.constant 16 : i32
      %div3A_864 = arith.divsi %add3A_860, %jit3A_863 : i32
      %sign3A_865 = arith.constant 0 : i32
      %sign3A_866 = arith.cmpi sgt, %add3A_860, %sign3A_865 : i32
      %sign3A_867 = arith.extui %sign3A_866 : i1 to i32
      %sign3A_868 = arith.constant 0 : i32
      %sign3A_869 = arith.cmpi slt, %add3A_860, %sign3A_868 : i32
      %sign3A_870 = arith.extui %sign3A_869 : i1 to i32
      %sign3A_871 = arith.subi %sign3A_867, %sign3A_870 : i32
      %sign3A_872 = arith.constant 0 : i32
      %sign3A_873 = arith.cmpi sgt, %jit3A_863, %sign3A_872 : i32
      %sign3A_874 = arith.extui %sign3A_873 : i1 to i32
      %sign3A_875 = arith.constant 0 : i32
      %sign3A_876 = arith.cmpi slt, %jit3A_863, %sign3A_875 : i32
      %sign3A_877 = arith.extui %sign3A_876 : i1 to i32
      %sign3A_878 = arith.subi %sign3A_874, %sign3A_877 : i32
      %ne3A_879 = arith.cmpi ne, %sign3A_871, %sign3A_878 : i32
      %rem3A_880 = arith.remsi %add3A_860, %jit3A_863 : i32
      %ne3A_881 = arith.constant 0 : i32
      %ne3A_882 = arith.cmpi ne, %rem3A_880, %ne3A_881 : i32
      %and3A_883 = arith.andi %ne3A_879, %ne3A_882 : i1
      %sub3A_884 = arith.constant 1 : i32
      %sub3A_885 = arith.subi %div3A_864, %sub3A_884 : i32
      %select_n3A_886 = arith.select %and3A_883, %sub3A_885, %div3A_864 : i32
      %mul3A_887 = arith.constant 16 : i32
      %mul3A_888 = arith.muli %select_n3A_886, %mul3A_887 : i32
      %get3A_889 = arith.index_cast %mul3A_888 : i32 to index
      %get3A_890 = tpu.vector_load %arg7[%get3A_889] {strides = array<i32>} : memref<512xi32, #tpu.memory_space<vmem>>, vector<16xi32>,
      %and3A_891 = arith.constant 15 : i32
      %and3A_892 = arith.andi %add3A_860, %and3A_891 : i32
      %eq3A_893 = vector.broadcast %and3A_892 : i32 to vector<16xi32>
      %eq3A_894 = arith.cmpi eq, %iota3A, %eq3A_893 : vector<16xi32>
      %jit3A_895 = arith.constant 0 : i32
      %broadcast_in_dim3A_896 = vector.broadcast %jit3A_895 : i32 to vector<16xi32>
      %select_n3A_897 = arith.select %eq3A_894, %get3A_890, %broadcast_in_dim3A_896 : vector<16xi1>, vector<16xi32>
      %reduce_sum3A_898 = arith.constant true
      %reduce_sum3A_899 = vector.broadcast %reduce_sum3A_898 : i1 to vector<16xi1>
      %reduce_sum3A_900 = tpu.scan <sum>, %select_n3A_897 masked %reduce_sum3A_899 : vector<16xi32>, vector<16xi1> -> vector<16xi32>
      %reduce_sum3A_901 = vector.extract %reduce_sum3A_900[15] : i32 from vector<16xi32>
      %and3A_902 = arith.constant 127 : i32
      %and3A_903 = arith.andi %reduce_sum3A_901, %and3A_902 : i32
      %broadcast_in_dim3A_904 = vector.broadcast %and3A_903 : i32 to vector<16xi32>
      %jit3A_905 = arith.constant 16 : i32
      %div3A_906 = arith.divsi %add3A_860, %jit3A_905 : i32
      %sign3A_907 = arith.constant 0 : i32
      %sign3A_908 = arith.cmpi sgt, %add3A_860, %sign3A_907 : i32
      %sign3A_909 = arith.extui %sign3A_908 : i1 to i32
      %sign3A_910 = arith.constant 0 : i32
      %sign3A_911 = arith.cmpi slt, %add3A_860, %sign3A_910 : i32
      %sign3A_912 = arith.extui %sign3A_911 : i1 to i32
      %sign3A_913 = arith.subi %sign3A_909, %sign3A_912 : i32
      %sign3A_914 = arith.constant 0 : i32
      %sign3A_915 = arith.cmpi sgt, %jit3A_905, %sign3A_914 : i32
      %sign3A_916 = arith.extui %sign3A_915 : i1 to i32
      %sign3A_917 = arith.constant 0 : i32
      %sign3A_918 = arith.cmpi slt, %jit3A_905, %sign3A_917 : i32
      %sign3A_919 = arith.extui %sign3A_918 : i1 to i32
      %sign3A_920 = arith.subi %sign3A_916, %sign3A_919 : i32
      %ne3A_921 = arith.cmpi ne, %sign3A_913, %sign3A_920 : i32
      %rem3A_922 = arith.remsi %add3A_860, %jit3A_905 : i32
      %ne3A_923 = arith.constant 0 : i32
      %ne3A_924 = arith.cmpi ne, %rem3A_922, %ne3A_923 : i32
      %and3A_925 = arith.andi %ne3A_921, %ne3A_924 : i1
      %sub3A_926 = arith.constant 1 : i32
      %sub3A_927 = arith.subi %div3A_906, %sub3A_926 : i32
      %select_n3A_928 = arith.select %and3A_925, %sub3A_927, %div3A_906 : i32
      %mul3A_929 = arith.constant 16 : i32
      %mul3A_930 = arith.muli %select_n3A_928, %mul3A_929 : i32
      %get3A_931 = arith.index_cast %mul3A_930 : i32 to index
      %get3A_932 = tpu.vector_load %arg8[%get3A_931] {strides = array<i32>} : memref<512xi32, #tpu.memory_space<vmem>>, vector<16xi32>,
      %and3A_933 = arith.constant 15 : i32
      %and3A_934 = arith.andi %add3A_860, %and3A_933 : i32
      %eq3A_935 = vector.broadcast %and3A_934 : i32 to vector<16xi32>
      %eq3A_936 = arith.cmpi eq, %iota3A, %eq3A_935 : vector<16xi32>
      %jit3A_937 = arith.constant 0 : i32
      %broadcast_in_dim3A_938 = vector.broadcast %jit3A_937 : i32 to vector<16xi32>
      %select_n3A_939 = arith.select %eq3A_936, %get3A_932, %broadcast_in_dim3A_938 : vector<16xi1>, vector<16xi32>
      %reduce_sum3A_940 = arith.constant true
      %reduce_sum3A_941 = vector.broadcast %reduce_sum3A_940 : i1 to vector<16xi1>
      %reduce_sum3A_942 = tpu.scan <sum>, %select_n3A_939 masked %reduce_sum3A_941 : vector<16xi32>, vector<16xi1> -> vector<16xi32>
      %reduce_sum3A_943 = vector.extract %reduce_sum3A_942[15] : i32 from vector<16xi32>
      %and3A_944 = arith.constant 127 : i32
      %and3A_945 = arith.andi %reduce_sum3A_943, %and3A_944 : i32
      %broadcast_in_dim3A_946 = vector.broadcast %and3A_945 : i32 to vector<16xi32>
      %gather3A = tpu.vector_load_idx %arg9[%broadcast_in_dim3A_856, %broadcast_in_dim3A_862, %iota3A_1, %broadcast_in_dim3A_904] : memref<2x4x32x128xf32, #tpu.memory_space<vmem>>[vector<16xi32>, vector<16xi32>, vector<16xi32>, vector<16xi32>], vector<16xf32>,
      %add3A_947 = arith.constant 16 : i32
      %add3A_948 = vector.broadcast %add3A_947 : i32 to vector<16xi32>
      %add3A_949 = arith.addi %iota3A_1, %add3A_948 : vector<16xi32>
      %gather3A_950 = tpu.vector_load_idx %arg9[%broadcast_in_dim3A_856, %broadcast_in_dim3A_862, %add3A_949, %broadcast_in_dim3A_904] : memref<2x4x32x128xf32, #tpu.memory_space<vmem>>[vector<16xi32>, vector<16xi32>, vector<16xi32>, vector<16xi32>], vector<16xf32>,
      %gather3A_951 = tpu.vector_load_idx %arg10[%broadcast_in_dim3A_856, %broadcast_in_dim3A_862, %iota3A_1, %broadcast_in_dim3A_946] : memref<2x4x32x128xf32, #tpu.memory_space<vmem>>[vector<16xi32>, vector<16xi32>, vector<16xi32>, vector<16xi32>], vector<16xf32>,
      %add3A_952 = arith.constant 16 : i32
      %add3A_953 = vector.broadcast %add3A_952 : i32 to vector<16xi32>
      %add3A_954 = arith.addi %iota3A_1, %add3A_953 : vector<16xi32>
      %gather3A_955 = tpu.vector_load_idx %arg10[%broadcast_in_dim3A_856, %broadcast_in_dim3A_862, %add3A_954, %broadcast_in_dim3A_946] : memref<2x4x32x128xf32, #tpu.memory_space<vmem>>[vector<16xi32>, vector<16xi32>, vector<16xi32>, vector<16xi32>], vector<16xf32>,
      %mul3A_956 = arith.mulf %gather3A, %gather3A_951 : vector<16xf32>
      %mul3A_957 = arith.mulf %gather3A_950, %gather3A_955 : vector<16xf32>
      %add3A_958 = arith.addf %mul3A_956, %mul3A_957 : vector<16xf32>
      %reduce_sum3A_959 = arith.constant true
      %reduce_sum3A_960 = vector.broadcast %reduce_sum3A_959 : i1 to vector<16xi1>
      %reduce_sum3A_961 = tpu.scan <sum>, %add3A_958 masked %reduce_sum3A_960 : vector<16xf32>, vector<16xi1> -> vector<16xf32>
      %reduce_sum3A_962 = vector.extract %reduce_sum3A_961[15] : f32 from vector<16xf32>
      %and3A_963 = arith.constant 15 : i32
      %and3A_964 = arith.andi %add3A_860, %and3A_963 : i32
      %eq3A_965 = vector.broadcast %and3A_964 : i32 to vector<16xi32>
      %eq3A_966 = arith.cmpi eq, %iota3A_1, %eq3A_965 : vector<16xi32>
      %broadcast_in_dim3A_967 = vector.broadcast %reduce_sum3A_962 : f32 to vector<16xf32>
      %select_n3A_968 = arith.select %eq3A_966, %broadcast_in_dim3A_967, %scan3A_249 : vector<16xi1>, vector<16xf32>
      %mul3A_969 = arith.constant 4 : i32
      %mul3A_970 = arith.muli %mul3A_251, %mul3A_969 : i32
      %add3A_971 = arith.constant 1 : i32
      %add3A_972 = arith.addi %mul3A_970, %add3A_971 : i32
      %broadcast_in_dim3A_973 = arith.constant 1 : i32
      %broadcast_in_dim3A_974 = vector.broadcast %broadcast_in_dim3A_973 : i32 to vector<16xi32>
      %jit3A_975 = arith.constant 16 : i32
      %div3A_976 = arith.divsi %add3A_972, %jit3A_975 : i32
      %sign3A_977 = arith.constant 0 : i32
      %sign3A_978 = arith.cmpi sgt, %add3A_972, %sign3A_977 : i32
      %sign3A_979 = arith.extui %sign3A_978 : i1 to i32
      %sign3A_980 = arith.constant 0 : i32
      %sign3A_981 = arith.cmpi slt, %add3A_972, %sign3A_980 : i32
      %sign3A_982 = arith.extui %sign3A_981 : i1 to i32
      %sign3A_983 = arith.subi %sign3A_979, %sign3A_982 : i32
      %sign3A_984 = arith.constant 0 : i32
      %sign3A_985 = arith.cmpi sgt, %jit3A_975, %sign3A_984 : i32
      %sign3A_986 = arith.extui %sign3A_985 : i1 to i32
      %sign3A_987 = arith.constant 0 : i32
      %sign3A_988 = arith.cmpi slt, %jit3A_975, %sign3A_987 : i32
      %sign3A_989 = arith.extui %sign3A_988 : i1 to i32
      %sign3A_990 = arith.subi %sign3A_986, %sign3A_989 : i32
      %ne3A_991 = arith.cmpi ne, %sign3A_983, %sign3A_990 : i32
      %rem3A_992 = arith.remsi %add3A_972, %jit3A_975 : i32
      %ne3A_993 = arith.constant 0 : i32
      %ne3A_994 = arith.cmpi ne, %rem3A_992, %ne3A_993 : i32
      %and3A_995 = arith.andi %ne3A_991, %ne3A_994 : i1
      %sub3A_996 = arith.constant 1 : i32
      %sub3A_997 = arith.subi %div3A_976, %sub3A_996 : i32
      %select_n3A_998 = arith.select %and3A_995, %sub3A_997, %div3A_976 : i32
      %mul3A_999 = arith.constant 16 : i32
      %mul3A_1000 = arith.muli %select_n3A_998, %mul3A_999 : i32
      %get3A_1001 = arith.index_cast %mul3A_1000 : i32 to index
      %get3A_1002 = tpu.vector_load %arg7[%get3A_1001] {strides = array<i32>} : memref<512xi32, #tpu.memory_space<vmem>>, vector<16xi32>,
      %and3A_1003 = arith.constant 15 : i32
      %and3A_1004 = arith.andi %add3A_972, %and3A_1003 : i32
      %eq3A_1005 = vector.broadcast %and3A_1004 : i32 to vector<16xi32>
      %eq3A_1006 = arith.cmpi eq, %iota3A, %eq3A_1005 : vector<16xi32>
      %jit3A_1007 = arith.constant 0 : i32
      %broadcast_in_dim3A_1008 = vector.broadcast %jit3A_1007 : i32 to vector<16xi32>
      %select_n3A_1009 = arith.select %eq3A_1006, %get3A_1002, %broadcast_in_dim3A_1008 : vector<16xi1>, vector<16xi32>
      %reduce_sum3A_1010 = arith.constant true
      %reduce_sum3A_1011 = vector.broadcast %reduce_sum3A_1010 : i1 to vector<16xi1>
      %reduce_sum3A_1012 = tpu.scan <sum>, %select_n3A_1009 masked %reduce_sum3A_1011 : vector<16xi32>, vector<16xi1> -> vector<16xi32>
      %reduce_sum3A_1013 = vector.extract %reduce_sum3A_1012[15] : i32 from vector<16xi32>
      %and3A_1014 = arith.constant 127 : i32
      %and3A_1015 = arith.andi %reduce_sum3A_1013, %and3A_1014 : i32
      %broadcast_in_dim3A_1016 = vector.broadcast %and3A_1015 : i32 to vector<16xi32>
      %jit3A_1017 = arith.constant 16 : i32
      %div3A_1018 = arith.divsi %add3A_972, %jit3A_1017 : i32
      %sign3A_1019 = arith.constant 0 : i32
      %sign3A_1020 = arith.cmpi sgt, %add3A_972, %sign3A_1019 : i32
      %sign3A_1021 = arith.extui %sign3A_1020 : i1 to i32
      %sign3A_1022 = arith.constant 0 : i32
      %sign3A_1023 = arith.cmpi slt, %add3A_972, %sign3A_1022 : i32
      %sign3A_1024 = arith.extui %sign3A_1023 : i1 to i32
      %sign3A_1025 = arith.subi %sign3A_1021, %sign3A_1024 : i32
      %sign3A_1026 = arith.constant 0 : i32
      %sign3A_1027 = arith.cmpi sgt, %jit3A_1017, %sign3A_1026 : i32
      %sign3A_1028 = arith.extui %sign3A_1027 : i1 to i32
      %sign3A_1029 = arith.constant 0 : i32
      %sign3A_1030 = arith.cmpi slt, %jit3A_1017, %sign3A_1029 : i32
      %sign3A_1031 = arith.extui %sign3A_1030 : i1 to i32
      %sign3A_1032 = arith.subi %sign3A_1028, %sign3A_1031 : i32
      %ne3A_1033 = arith.cmpi ne, %sign3A_1025, %sign3A_1032 : i32
      %rem3A_1034 = arith.remsi %add3A_972, %jit3A_1017 : i32
      %ne3A_1035 = arith.constant 0 : i32
      %ne3A_1036 = arith.cmpi ne, %rem3A_1034, %ne3A_1035 : i32
      %and3A_1037 = arith.andi %ne3A_1033, %ne3A_1036 : i1
      %sub3A_1038 = arith.constant 1 : i32
      %sub3A_1039 = arith.subi %div3A_1018, %sub3A_1038 : i32
      %select_n3A_1040 = arith.select %and3A_1037, %sub3A_1039, %div3A_1018 : i32
      %mul3A_1041 = arith.constant 16 : i32
      %mul3A_1042 = arith.muli %select_n3A_1040, %mul3A_1041 : i32
      %get3A_1043 = arith.index_cast %mul3A_1042 : i32 to index
      %get3A_1044 = tpu.vector_load %arg8[%get3A_1043] {strides = array<i32>} : memref<512xi32, #tpu.memory_space<vmem>>, vector<16xi32>,
      %and3A_1045 = arith.constant 15 : i32
      %and3A_1046 = arith.andi %add3A_972, %and3A_1045 : i32
      %eq3A_1047 = vector.broadcast %and3A_1046 : i32 to vector<16xi32>
      %eq3A_1048 = arith.cmpi eq, %iota3A, %eq3A_1047 : vector<16xi32>
      %jit3A_1049 = arith.constant 0 : i32
      %broadcast_in_dim3A_1050 = vector.broadcast %jit3A_1049 : i32 to vector<16xi32>
      %select_n3A_1051 = arith.select %eq3A_1048, %get3A_1044, %broadcast_in_dim3A_1050 : vector<16xi1>, vector<16xi32>
      %reduce_sum3A_1052 = arith.constant true
      %reduce_sum3A_1053 = vector.broadcast %reduce_sum3A_1052 : i1 to vector<16xi1>
      %reduce_sum3A_1054 = tpu.scan <sum>, %select_n3A_1051 masked %reduce_sum3A_1053 : vector<16xi32>, vector<16xi1> -> vector<16xi32>
      %reduce_sum3A_1055 = vector.extract %reduce_sum3A_1054[15] : i32 from vector<16xi32>
      %and3A_1056 = arith.constant 127 : i32
      %and3A_1057 = arith.andi %reduce_sum3A_1055, %and3A_1056 : i32
      %broadcast_in_dim3A_1058 = vector.broadcast %and3A_1057 : i32 to vector<16xi32>
      %gather3A_1059 = tpu.vector_load_idx %arg9[%broadcast_in_dim3A_856, %broadcast_in_dim3A_974, %iota3A_1, %broadcast_in_dim3A_1016] : memref<2x4x32x128xf32, #tpu.memory_space<vmem>>[vector<16xi32>, vector<16xi32>, vector<16xi32>, vector<16xi32>], vector<16xf32>,
      %add3A_1060 = arith.constant 16 : i32
      %add3A_1061 = vector.broadcast %add3A_1060 : i32 to vector<16xi32>
      %add3A_1062 = arith.addi %iota3A_1, %add3A_1061 : vector<16xi32>
      %gather3A_1063 = tpu.vector_load_idx %arg9[%broadcast_in_dim3A_856, %broadcast_in_dim3A_974, %add3A_1062, %broadcast_in_dim3A_1016] : memref<2x4x32x128xf32, #tpu.memory_space<vmem>>[vector<16xi32>, vector<16xi32>, vector<16xi32>, vector<16xi32>], vector<16xf32>,
      %gather3A_1064 = tpu.vector_load_idx %arg10[%broadcast_in_dim3A_856, %broadcast_in_dim3A_974, %iota3A_1, %broadcast_in_dim3A_1058] : memref<2x4x32x128xf32, #tpu.memory_space<vmem>>[vector<16xi32>, vector<16xi32>, vector<16xi32>, vector<16xi32>], vector<16xf32>,
      %add3A_1065 = arith.constant 16 : i32
      %add3A_1066 = vector.broadcast %add3A_1065 : i32 to vector<16xi32>
      %add3A_1067 = arith.addi %iota3A_1, %add3A_1066 : vector<16xi32>
      %gather3A_1068 = tpu.vector_load_idx %arg10[%broadcast_in_dim3A_856, %broadcast_in_dim3A_974, %add3A_1067, %broadcast_in_dim3A_1058] : memref<2x4x32x128xf32, #tpu.memory_space<vmem>>[vector<16xi32>, vector<16xi32>, vector<16xi32>, vector<16xi32>], vector<16xf32>,
      %mul3A_1069 = arith.mulf %gather3A_1059, %gather3A_1064 : vector<16xf32>
      %mul3A_1070 = arith.mulf %gather3A_1063, %gather3A_1068 : vector<16xf32>
      %add3A_1071 = arith.addf %mul3A_1069, %mul3A_1070 : vector<16xf32>
      %reduce_sum3A_1072 = arith.constant true
      %reduce_sum3A_1073 = vector.broadcast %reduce_sum3A_1072 : i1 to vector<16xi1>
      %reduce_sum3A_1074 = tpu.scan <sum>, %add3A_1071 masked %reduce_sum3A_1073 : vector<16xf32>, vector<16xi1> -> vector<16xf32>
      %reduce_sum3A_1075 = vector.extract %reduce_sum3A_1074[15] : f32 from vector<16xf32>
      %and3A_1076 = arith.constant 15 : i32
      %and3A_1077 = arith.andi %add3A_972, %and3A_1076 : i32
      %eq3A_1078 = vector.broadcast %and3A_1077 : i32 to vector<16xi32>
      %eq3A_1079 = arith.cmpi eq, %iota3A_1, %eq3A_1078 : vector<16xi32>
      %broadcast_in_dim3A_1080 = vector.broadcast %reduce_sum3A_1075 : f32 to vector<16xf32>
      %select_n3A_1081 = arith.select %eq3A_1079, %broadcast_in_dim3A_1080, %select_n3A_968 : vector<16xi1>, vector<16xf32>
      %mul3A_1082 = arith.constant 4 : i32
      %mul3A_1083 = arith.muli %mul3A_251, %mul3A_1082 : i32
      %add3A_1084 = arith.constant 2 : i32
      %add3A_1085 = arith.addi %mul3A_1083, %add3A_1084 : i32
      %broadcast_in_dim3A_1086 = arith.constant 2 : i32
      %broadcast_in_dim3A_1087 = vector.broadcast %broadcast_in_dim3A_1086 : i32 to vector<16xi32>
      %jit3A_1088 = arith.constant 16 : i32
      %div3A_1089 = arith.divsi %add3A_1085, %jit3A_1088 : i32
      %sign3A_1090 = arith.constant 0 : i32
      %sign3A_1091 = arith.cmpi sgt, %add3A_1085, %sign3A_1090 : i32
      %sign3A_1092 = arith.extui %sign3A_1091 : i1 to i32
      %sign3A_1093 = arith.constant 0 : i32
      %sign3A_1094 = arith.cmpi slt, %add3A_1085, %sign3A_1093 : i32
      %sign3A_1095 = arith.extui %sign3A_1094 : i1 to i32
      %sign3A_1096 = arith.subi %sign3A_1092, %sign3A_1095 : i32
      %sign3A_1097 = arith.constant 0 : i32
      %sign3A_1098 = arith.cmpi sgt, %jit3A_1088, %sign3A_1097 : i32
      %sign3A_1099 = arith.extui %sign3A_1098 : i1 to i32
      %sign3A_1100 = arith.constant 0 : i32
      %sign3A_1101 = arith.cmpi slt, %jit3A_1088, %sign3A_1100 : i32
      %sign3A_1102 = arith.extui %sign3A_1101 : i1 to i32
      %sign3A_1103 = arith.subi %sign3A_1099, %sign3A_1102 : i32
      %ne3A_1104 = arith.cmpi ne, %sign3A_1096, %sign3A_1103 : i32
      %rem3A_1105 = arith.remsi %add3A_1085, %jit3A_1088 : i32
      %ne3A_1106 = arith.constant 0 : i32
      %ne3A_1107 = arith.cmpi ne, %rem3A_1105, %ne3A_1106 : i32
      %and3A_1108 = arith.andi %ne3A_1104, %ne3A_1107 : i1
      %sub3A_1109 = arith.constant 1 : i32
      %sub3A_1110 = arith.subi %div3A_1089, %sub3A_1109 : i32
      %select_n3A_1111 = arith.select %and3A_1108, %sub3A_1110, %div3A_1089 : i32
      %mul3A_1112 = arith.constant 16 : i32
      %mul3A_1113 = arith.muli %select_n3A_1111, %mul3A_1112 : i32
      %get3A_1114 = arith.index_cast %mul3A_1113 : i32 to index
      %get3A_1115 = tpu.vector_load %arg7[%get3A_1114] {strides = array<i32>} : memref<512xi32, #tpu.memory_space<vmem>>, vector<16xi32>,
      %and3A_1116 = arith.constant 15 : i32
      %and3A_1117 = arith.andi %add3A_1085, %and3A_1116 : i32
      %eq3A_1118 = vector.broadcast %and3A_1117 : i32 to vector<16xi32>
      %eq3A_1119 = arith.cmpi eq, %iota3A, %eq3A_1118 : vector<16xi32>
      %jit3A_1120 = arith.constant 0 : i32
      %broadcast_in_dim3A_1121 = vector.broadcast %jit3A_1120 : i32 to vector<16xi32>
      %select_n3A_1122 = arith.select %eq3A_1119, %get3A_1115, %broadcast_in_dim3A_1121 : vector<16xi1>, vector<16xi32>
      %reduce_sum3A_1123 = arith.constant true
      %reduce_sum3A_1124 = vector.broadcast %reduce_sum3A_1123 : i1 to vector<16xi1>
      %reduce_sum3A_1125 = tpu.scan <sum>, %select_n3A_1122 masked %reduce_sum3A_1124 : vector<16xi32>, vector<16xi1> -> vector<16xi32>
      %reduce_sum3A_1126 = vector.extract %reduce_sum3A_1125[15] : i32 from vector<16xi32>
      %and3A_1127 = arith.constant 127 : i32
      %and3A_1128 = arith.andi %reduce_sum3A_1126, %and3A_1127 : i32
      %broadcast_in_dim3A_1129 = vector.broadcast %and3A_1128 : i32 to vector<16xi32>
      %jit3A_1130 = arith.constant 16 : i32
      %div3A_1131 = arith.divsi %add3A_1085, %jit3A_1130 : i32
      %sign3A_1132 = arith.constant 0 : i32
      %sign3A_1133 = arith.cmpi sgt, %add3A_1085, %sign3A_1132 : i32
      %sign3A_1134 = arith.extui %sign3A_1133 : i1 to i32
      %sign3A_1135 = arith.constant 0 : i32
      %sign3A_1136 = arith.cmpi slt, %add3A_1085, %sign3A_1135 : i32
      %sign3A_1137 = arith.extui %sign3A_1136 : i1 to i32
      %sign3A_1138 = arith.subi %sign3A_1134, %sign3A_1137 : i32
      %sign3A_1139 = arith.constant 0 : i32
      %sign3A_1140 = arith.cmpi sgt, %jit3A_1130, %sign3A_1139 : i32
      %sign3A_1141 = arith.extui %sign3A_1140 : i1 to i32
      %sign3A_1142 = arith.constant 0 : i32
      %sign3A_1143 = arith.cmpi slt, %jit3A_1130, %sign3A_1142 : i32
      %sign3A_1144 = arith.extui %sign3A_1143 : i1 to i32
      %sign3A_1145 = arith.subi %sign3A_1141, %sign3A_1144 : i32
      %ne3A_1146 = arith.cmpi ne, %sign3A_1138, %sign3A_1145 : i32
      %rem3A_1147 = arith.remsi %add3A_1085, %jit3A_1130 : i32
      %ne3A_1148 = arith.constant 0 : i32
      %ne3A_1149 = arith.cmpi ne, %rem3A_1147, %ne3A_1148 : i32
      %and3A_1150 = arith.andi %ne3A_1146, %ne3A_1149 : i1
      %sub3A_1151 = arith.constant 1 : i32
      %sub3A_1152 = arith.subi %div3A_1131, %sub3A_1151 : i32
      %select_n3A_1153 = arith.select %and3A_1150, %sub3A_1152, %div3A_1131 : i32
      %mul3A_1154 = arith.constant 16 : i32
      %mul3A_1155 = arith.muli %select_n3A_1153, %mul3A_1154 : i32
      %get3A_1156 = arith.index_cast %mul3A_1155 : i32 to index
      %get3A_1157 = tpu.vector_load %arg8[%get3A_1156] {strides = array<i32>} : memref<512xi32, #tpu.memory_space<vmem>>, vector<16xi32>,
      %and3A_1158 = arith.constant 15 : i32
      %and3A_1159 = arith.andi %add3A_1085, %and3A_1158 : i32
      %eq3A_1160 = vector.broadcast %and3A_1159 : i32 to vector<16xi32>
      %eq3A_1161 = arith.cmpi eq, %iota3A, %eq3A_1160 : vector<16xi32>
      %jit3A_1162 = arith.constant 0 : i32
      %broadcast_in_dim3A_1163 = vector.broadcast %jit3A_1162 : i32 to vector<16xi32>
      %select_n3A_1164 = arith.select %eq3A_1161, %get3A_1157, %broadcast_in_dim3A_1163 : vector<16xi1>, vector<16xi32>
      %reduce_sum3A_1165 = arith.constant true
      %reduce_sum3A_1166 = vector.broadcast %reduce_sum3A_1165 : i1 to vector<16xi1>
      %reduce_sum3A_1167 = tpu.scan <sum>, %select_n3A_1164 masked %reduce_sum3A_1166 : vector<16xi32>, vector<16xi1> -> vector<16xi32>
      %reduce_sum3A_1168 = vector.extract %reduce_sum3A_1167[15] : i32 from vector<16xi32>
      %and3A_1169 = arith.constant 127 : i32
      %and3A_1170 = arith.andi %reduce_sum3A_1168, %and3A_1169 : i32
      %broadcast_in_dim3A_1171 = vector.broadcast %and3A_1170 : i32 to vector<16xi32>
      %gather3A_1172 = tpu.vector_load_idx %arg9[%broadcast_in_dim3A_856, %broadcast_in_dim3A_1087, %iota3A_1, %broadcast_in_dim3A_1129] : memref<2x4x32x128xf32, #tpu.memory_space<vmem>>[vector<16xi32>, vector<16xi32>, vector<16xi32>, vector<16xi32>], vector<16xf32>,
      %add3A_1173 = arith.constant 16 : i32
      %add3A_1174 = vector.broadcast %add3A_1173 : i32 to vector<16xi32>
      %add3A_1175 = arith.addi %iota3A_1, %add3A_1174 : vector<16xi32>
      %gather3A_1176 = tpu.vector_load_idx %arg9[%broadcast_in_dim3A_856, %broadcast_in_dim3A_1087, %add3A_1175, %broadcast_in_dim3A_1129] : memref<2x4x32x128xf32, #tpu.memory_space<vmem>>[vector<16xi32>, vector<16xi32>, vector<16xi32>, vector<16xi32>], vector<16xf32>,
      %gather3A_1177 = tpu.vector_load_idx %arg10[%broadcast_in_dim3A_856, %broadcast_in_dim3A_1087, %iota3A_1, %broadcast_in_dim3A_1171] : memref<2x4x32x128xf32, #tpu.memory_space<vmem>>[vector<16xi32>, vector<16xi32>, vector<16xi32>, vector<16xi32>], vector<16xf32>,
      %add3A_1178 = arith.constant 16 : i32
      %add3A_1179 = vector.broadcast %add3A_1178 : i32 to vector<16xi32>
      %add3A_1180 = arith.addi %iota3A_1, %add3A_1179 : vector<16xi32>
      %gather3A_1181 = tpu.vector_load_idx %arg10[%broadcast_in_dim3A_856, %broadcast_in_dim3A_1087, %add3A_1180, %broadcast_in_dim3A_1171] : memref<2x4x32x128xf32, #tpu.memory_space<vmem>>[vector<16xi32>, vector<16xi32>, vector<16xi32>, vector<16xi32>], vector<16xf32>,
      %mul3A_1182 = arith.mulf %gather3A_1172, %gather3A_1177 : vector<16xf32>
      %mul3A_1183 = arith.mulf %gather3A_1176, %gather3A_1181 : vector<16xf32>
      %add3A_1184 = arith.addf %mul3A_1182, %mul3A_1183 : vector<16xf32>
      %reduce_sum3A_1185 = arith.constant true
      %reduce_sum3A_1186 = vector.broadcast %reduce_sum3A_1185 : i1 to vector<16xi1>
      %reduce_sum3A_1187 = tpu.scan <sum>, %add3A_1184 masked %reduce_sum3A_1186 : vector<16xf32>, vector<16xi1> -> vector<16xf32>
      %reduce_sum3A_1188 = vector.extract %reduce_sum3A_1187[15] : f32 from vector<16xf32>
      %and3A_1189 = arith.constant 15 : i32
      %and3A_1190 = arith.andi %add3A_1085, %and3A_1189 : i32
      %eq3A_1191 = vector.broadcast %and3A_1190 : i32 to vector<16xi32>
      %eq3A_1192 = arith.cmpi eq, %iota3A_1, %eq3A_1191 : vector<16xi32>
      %broadcast_in_dim3A_1193 = vector.broadcast %reduce_sum3A_1188 : f32 to vector<16xf32>
      %select_n3A_1194 = arith.select %eq3A_1192, %broadcast_in_dim3A_1193, %select_n3A_1081 : vector<16xi1>, vector<16xf32>
      %mul3A_1195 = arith.constant 4 : i32
      %mul3A_1196 = arith.muli %mul3A_251, %mul3A_1195 : i32
      %add3A_1197 = arith.constant 3 : i32
      %add3A_1198 = arith.addi %mul3A_1196, %add3A_1197 : i32
      %broadcast_in_dim3A_1199 = arith.constant 3 : i32
      %broadcast_in_dim3A_1200 = vector.broadcast %broadcast_in_dim3A_1199 : i32 to vector<16xi32>
      %jit3A_1201 = arith.constant 16 : i32
      %div3A_1202 = arith.divsi %add3A_1198, %jit3A_1201 : i32
      %sign3A_1203 = arith.constant 0 : i32
      %sign3A_1204 = arith.cmpi sgt, %add3A_1198, %sign3A_1203 : i32
      %sign3A_1205 = arith.extui %sign3A_1204 : i1 to i32
      %sign3A_1206 = arith.constant 0 : i32
      %sign3A_1207 = arith.cmpi slt, %add3A_1198, %sign3A_1206 : i32
      %sign3A_1208 = arith.extui %sign3A_1207 : i1 to i32
      %sign3A_1209 = arith.subi %sign3A_1205, %sign3A_1208 : i32
      %sign3A_1210 = arith.constant 0 : i32
      %sign3A_1211 = arith.cmpi sgt, %jit3A_1201, %sign3A_1210 : i32
      %sign3A_1212 = arith.extui %sign3A_1211 : i1 to i32
      %sign3A_1213 = arith.constant 0 : i32
      %sign3A_1214 = arith.cmpi slt, %jit3A_1201, %sign3A_1213 : i32
      %sign3A_1215 = arith.extui %sign3A_1214 : i1 to i32
      %sign3A_1216 = arith.subi %sign3A_1212, %sign3A_1215 : i32
      %ne3A_1217 = arith.cmpi ne, %sign3A_1209, %sign3A_1216 : i32
      %rem3A_1218 = arith.remsi %add3A_1198, %jit3A_1201 : i32
      %ne3A_1219 = arith.constant 0 : i32
      %ne3A_1220 = arith.cmpi ne, %rem3A_1218, %ne3A_1219 : i32
      %and3A_1221 = arith.andi %ne3A_1217, %ne3A_1220 : i1
      %sub3A_1222 = arith.constant 1 : i32
      %sub3A_1223 = arith.subi %div3A_1202, %sub3A_1222 : i32
      %select_n3A_1224 = arith.select %and3A_1221, %sub3A_1223, %div3A_1202 : i32
      %mul3A_1225 = arith.constant 16 : i32
      %mul3A_1226 = arith.muli %select_n3A_1224, %mul3A_1225 : i32
      %get3A_1227 = arith.index_cast %mul3A_1226 : i32 to index
      %get3A_1228 = tpu.vector_load %arg7[%get3A_1227] {strides = array<i32>} : memref<512xi32, #tpu.memory_space<vmem>>, vector<16xi32>,
      %and3A_1229 = arith.constant 15 : i32
      %and3A_1230 = arith.andi %add3A_1198, %and3A_1229 : i32
      %eq3A_1231 = vector.broadcast %and3A_1230 : i32 to vector<16xi32>
      %eq3A_1232 = arith.cmpi eq, %iota3A, %eq3A_1231 : vector<16xi32>
      %jit3A_1233 = arith.constant 0 : i32
      %broadcast_in_dim3A_1234 = vector.broadcast %jit3A_1233 : i32 to vector<16xi32>
      %select_n3A_1235 = arith.select %eq3A_1232, %get3A_1228, %broadcast_in_dim3A_1234 : vector<16xi1>, vector<16xi32>
      %reduce_sum3A_1236 = arith.constant true
      %reduce_sum3A_1237 = vector.broadcast %reduce_sum3A_1236 : i1 to vector<16xi1>
      %reduce_sum3A_1238 = tpu.scan <sum>, %select_n3A_1235 masked %reduce_sum3A_1237 : vector<16xi32>, vector<16xi1> -> vector<16xi32>
      %reduce_sum3A_1239 = vector.extract %reduce_sum3A_1238[15] : i32 from vector<16xi32>
      %and3A_1240 = arith.constant 127 : i32
      %and3A_1241 = arith.andi %reduce_sum3A_1239, %and3A_1240 : i32
      %broadcast_in_dim3A_1242 = vector.broadcast %and3A_1241 : i32 to vector<16xi32>
      %jit3A_1243 = arith.constant 16 : i32
      %div3A_1244 = arith.divsi %add3A_1198, %jit3A_1243 : i32
      %sign3A_1245 = arith.constant 0 : i32
      %sign3A_1246 = arith.cmpi sgt, %add3A_1198, %sign3A_1245 : i32
      %sign3A_1247 = arith.extui %sign3A_1246 : i1 to i32
      %sign3A_1248 = arith.constant 0 : i32
      %sign3A_1249 = arith.cmpi slt, %add3A_1198, %sign3A_1248 : i32
      %sign3A_1250 = arith.extui %sign3A_1249 : i1 to i32
      %sign3A_1251 = arith.subi %sign3A_1247, %sign3A_1250 : i32
      %sign3A_1252 = arith.constant 0 : i32
      %sign3A_1253 = arith.cmpi sgt, %jit3A_1243, %sign3A_1252 : i32
      %sign3A_1254 = arith.extui %sign3A_1253 : i1 to i32
      %sign3A_1255 = arith.constant 0 : i32
      %sign3A_1256 = arith.cmpi slt, %jit3A_1243, %sign3A_1255 : i32
      %sign3A_1257 = arith.extui %sign3A_1256 : i1 to i32
      %sign3A_1258 = arith.subi %sign3A_1254, %sign3A_1257 : i32
      %ne3A_1259 = arith.cmpi ne, %sign3A_1251, %sign3A_1258 : i32
      %rem3A_1260 = arith.remsi %add3A_1198, %jit3A_1243 : i32
      %ne3A_1261 = arith.constant 0 : i32
      %ne3A_1262 = arith.cmpi ne, %rem3A_1260, %ne3A_1261 : i32
      %and3A_1263 = arith.andi %ne3A_1259, %ne3A_1262 : i1
      %sub3A_1264 = arith.constant 1 : i32
      %sub3A_1265 = arith.subi %div3A_1244, %sub3A_1264 : i32
      %select_n3A_1266 = arith.select %and3A_1263, %sub3A_1265, %div3A_1244 : i32
      %mul3A_1267 = arith.constant 16 : i32
      %mul3A_1268 = arith.muli %select_n3A_1266, %mul3A_1267 : i32
      %get3A_1269 = arith.index_cast %mul3A_1268 : i32 to index
      %get3A_1270 = tpu.vector_load %arg8[%get3A_1269] {strides = array<i32>} : memref<512xi32, #tpu.memory_space<vmem>>, vector<16xi32>,
      %and3A_1271 = arith.constant 15 : i32
      %and3A_1272 = arith.andi %add3A_1198, %and3A_1271 : i32
      %eq3A_1273 = vector.broadcast %and3A_1272 : i32 to vector<16xi32>
      %eq3A_1274 = arith.cmpi eq, %iota3A, %eq3A_1273 : vector<16xi32>
      %jit3A_1275 = arith.constant 0 : i32
      %broadcast_in_dim3A_1276 = vector.broadcast %jit3A_1275 : i32 to vector<16xi32>
      %select_n3A_1277 = arith.select %eq3A_1274, %get3A_1270, %broadcast_in_dim3A_1276 : vector<16xi1>, vector<16xi32>
      %reduce_sum3A_1278 = arith.constant true
      %reduce_sum3A_1279 = vector.broadcast %reduce_sum3A_1278 : i1 to vector<16xi1>
      %reduce_sum3A_1280 = tpu.scan <sum>, %select_n3A_1277 masked %reduce_sum3A_1279 : vector<16xi32>, vector<16xi1> -> vector<16xi32>
      %reduce_sum3A_1281 = vector.extract %reduce_sum3A_1280[15] : i32 from vector<16xi32>
      %and3A_1282 = arith.constant 127 : i32
      %and3A_1283 = arith.andi %reduce_sum3A_1281, %and3A_1282 : i32
      %broadcast_in_dim3A_1284 = vector.broadcast %and3A_1283 : i32 to vector<16xi32>
      %gather3A_1285 = tpu.vector_load_idx %arg9[%broadcast_in_dim3A_856, %broadcast_in_dim3A_1200, %iota3A_1, %broadcast_in_dim3A_1242] : memref<2x4x32x128xf32, #tpu.memory_space<vmem>>[vector<16xi32>, vector<16xi32>, vector<16xi32>, vector<16xi32>], vector<16xf32>,
      %add3A_1286 = arith.constant 16 : i32
      %add3A_1287 = vector.broadcast %add3A_1286 : i32 to vector<16xi32>
      %add3A_1288 = arith.addi %iota3A_1, %add3A_1287 : vector<16xi32>
      %gather3A_1289 = tpu.vector_load_idx %arg9[%broadcast_in_dim3A_856, %broadcast_in_dim3A_1200, %add3A_1288, %broadcast_in_dim3A_1242] : memref<2x4x32x128xf32, #tpu.memory_space<vmem>>[vector<16xi32>, vector<16xi32>, vector<16xi32>, vector<16xi32>], vector<16xf32>,
      %gather3A_1290 = tpu.vector_load_idx %arg10[%broadcast_in_dim3A_856, %broadcast_in_dim3A_1200, %iota3A_1, %broadcast_in_dim3A_1284] : memref<2x4x32x128xf32, #tpu.memory_space<vmem>>[vector<16xi32>, vector<16xi32>, vector<16xi32>, vector<16xi32>], vector<16xf32>,
      %add3A_1291 = arith.constant 16 : i32
      %add3A_1292 = vector.broadcast %add3A_1291 : i32 to vector<16xi32>
      %add3A_1293 = arith.addi %iota3A_1, %add3A_1292 : vector<16xi32>
      %gather3A_1294 = tpu.vector_load_idx %arg10[%broadcast_in_dim3A_856, %broadcast_in_dim3A_1200, %add3A_1293, %broadcast_in_dim3A_1284] : memref<2x4x32x128xf32, #tpu.memory_space<vmem>>[vector<16xi32>, vector<16xi32>, vector<16xi32>, vector<16xi32>], vector<16xf32>,
      %mul3A_1295 = arith.mulf %gather3A_1285, %gather3A_1290 : vector<16xf32>
      %mul3A_1296 = arith.mulf %gather3A_1289, %gather3A_1294 : vector<16xf32>
      %add3A_1297 = arith.addf %mul3A_1295, %mul3A_1296 : vector<16xf32>
      %reduce_sum3A_1298 = arith.constant true
      %reduce_sum3A_1299 = vector.broadcast %reduce_sum3A_1298 : i1 to vector<16xi1>
      %reduce_sum3A_1300 = tpu.scan <sum>, %add3A_1297 masked %reduce_sum3A_1299 : vector<16xf32>, vector<16xi1> -> vector<16xf32>
      %reduce_sum3A_1301 = vector.extract %reduce_sum3A_1300[15] : f32 from vector<16xf32>
      %and3A_1302 = arith.constant 15 : i32
      %and3A_1303 = arith.andi %add3A_1198, %and3A_1302 : i32
      %eq3A_1304 = vector.broadcast %and3A_1303 : i32 to vector<16xi32>
      %eq3A_1305 = arith.cmpi eq, %iota3A_1, %eq3A_1304 : vector<16xi32>
      %broadcast_in_dim3A_1306 = vector.broadcast %reduce_sum3A_1301 : f32 to vector<16xf32>
      %select_n3A_1307 = arith.select %eq3A_1305, %broadcast_in_dim3A_1306, %select_n3A_1194 : vector<16xi1>, vector<16xf32>
      %add3A_1308 = arith.constant 2 : i32
      %add3A_1309 = arith.addi %mul3A_251, %add3A_1308 : i32
      %lt3A = arith.constant 128 : i32
      %lt3A_1310 = arith.cmpi slt, %add3A_1309, %lt3A : i32
      %convert_element_type3A = arith.extui %lt3A_1310 : i1 to i32
      %cond3A = arith.constant 0 : i32
      %cond3A_1311 = arith.cmpi ne, %convert_element_type3A, %cond3A : i32
      scf.if %cond3A_1311 {
        %add3A_1917 = arith.constant 2 : i32
        %add3A_1918 = arith.addi %mul3A_251, %add3A_1917 : i32
        %mul3A_1919 = arith.constant 4 : i32
        %mul3A_1920 = arith.muli %add3A_1918, %mul3A_1919 : i32
        %add3A_1921 = arith.constant 0 : i32
        %add3A_1922 = arith.addi %mul3A_1920, %add3A_1921 : i32
        %jit3A_1923 = arith.constant 16 : i32
        %div3A_1924 = arith.divsi %add3A_1922, %jit3A_1923 : i32
        %sign3A_1925 = arith.constant 0 : i32
        %sign3A_1926 = arith.cmpi sgt, %add3A_1922, %sign3A_1925 : i32
        %sign3A_1927 = arith.extui %sign3A_1926 : i1 to i32
        %sign3A_1928 = arith.constant 0 : i32
        %sign3A_1929 = arith.cmpi slt, %add3A_1922, %sign3A_1928 : i32
        %sign3A_1930 = arith.extui %sign3A_1929 : i1 to i32
        %sign3A_1931 = arith.subi %sign3A_1927, %sign3A_1930 : i32
        %sign3A_1932 = arith.constant 0 : i32
        %sign3A_1933 = arith.cmpi sgt, %jit3A_1923, %sign3A_1932 : i32
        %sign3A_1934 = arith.extui %sign3A_1933 : i1 to i32
        %sign3A_1935 = arith.constant 0 : i32
        %sign3A_1936 = arith.cmpi slt, %jit3A_1923, %sign3A_1935 : i32
        %sign3A_1937 = arith.extui %sign3A_1936 : i1 to i32
        %sign3A_1938 = arith.subi %sign3A_1934, %sign3A_1937 : i32
        %ne3A_1939 = arith.cmpi ne, %sign3A_1931, %sign3A_1938 : i32
        %rem3A_1940 = arith.remsi %add3A_1922, %jit3A_1923 : i32
        %ne3A_1941 = arith.constant 0 : i32
        %ne3A_1942 = arith.cmpi ne, %rem3A_1940, %ne3A_1941 : i32
        %and3A_1943 = arith.andi %ne3A_1939, %ne3A_1942 : i1
        %sub3A_1944 = arith.constant 1 : i32
        %sub3A_1945 = arith.subi %div3A_1924, %sub3A_1944 : i32
        %select_n3A_1946 = arith.select %and3A_1943, %sub3A_1945, %div3A_1924 : i32
        %mul3A_1947 = arith.constant 16 : i32
        %mul3A_1948 = arith.muli %select_n3A_1946, %mul3A_1947 : i32
        %get3A_1949 = arith.index_cast %mul3A_1948 : i32 to index
        %get3A_1950 = tpu.vector_load %arg7[%get3A_1949] {strides = array<i32>} : memref<512xi32, #tpu.memory_space<vmem>>, vector<16xi32>,
        %and3A_1951 = arith.constant 15 : i32
        %and3A_1952 = arith.andi %add3A_1922, %and3A_1951 : i32
        %eq3A_1953 = vector.broadcast %and3A_1952 : i32 to vector<16xi32>
        %eq3A_1954 = arith.cmpi eq, %iota3A, %eq3A_1953 : vector<16xi32>
        %jit3A_1955 = arith.constant 0 : i32
        %broadcast_in_dim3A_1956 = vector.broadcast %jit3A_1955 : i32 to vector<16xi32>
        %select_n3A_1957 = arith.select %eq3A_1954, %get3A_1950, %broadcast_in_dim3A_1956 : vector<16xi1>, vector<16xi32>
        %reduce_sum3A_1958 = arith.constant true
        %reduce_sum3A_1959 = vector.broadcast %reduce_sum3A_1958 : i1 to vector<16xi1>
        %reduce_sum3A_1960 = tpu.scan <sum>, %select_n3A_1957 masked %reduce_sum3A_1959 : vector<16xi32>, vector<16xi1> -> vector<16xi32>
        %reduce_sum3A_1961 = vector.extract %reduce_sum3A_1960[15] : i32 from vector<16xi32>
        %shift_right_arithmetic3A_1962 = arith.constant 7 : i32
        %shift_right_arithmetic3A_1963 = arith.shrsi %reduce_sum3A_1961, %shift_right_arithmetic3A_1962 : i32
        %mul3A_1964 = arith.constant 128 : i32
        %mul3A_1965 = arith.muli %shift_right_arithmetic3A_1963, %mul3A_1964 : i32
        %multiple_of3A_1966 = tpu.assume_multiple %mul3A_1965, 128 : i32
        %dma_start3A_1967 = arith.constant 0 : i32
        %dma_start3A_1968 = arith.constant 0 : i32
        %dma_start3A_1969 = arith.constant 0 : i32
        %dma_start3A_1970 = arith.constant 0 : i32
        %dma_start3A_1971 = tpu.memref_slice %arg9[%dma_start3A_1967, %dma_start3A_1968, %dma_start3A_1969, %dma_start3A_1970] : memref<2x4x32x128xf32, #tpu.memory_space<vmem>> -> memref<1x1x32x128xf32, #tpu.memory_space<vmem>>
        %dma_start3A_1972 = tpu.memref_squeeze %dma_start3A_1971 : memref<1x1x32x128xf32, #tpu.memory_space<vmem>> -> memref<32x128xf32, #tpu.memory_space<vmem>>
        %dma_start3A_1973 = arith.constant 0 : i32
        %dma_start3A_1974 = tpu.memref_slice %arg4[%dma_start3A_1973, %multiple_of3A_1966] : memref<32x1000000xf32, #tpu.memory_space<hbm>> -> memref<32x128xf32, #tpu.memory_space<hbm>>
        %dma_start3A_1975 = arith.constant 0 : i32
        %dma_start3A_1976 = arith.constant 0 : i32
        %dma_start3A_1977 = tpu.memref_slice %arg9[%dma_start3A_1967, %dma_start3A_1968, %dma_start3A_1975, %dma_start3A_1976] : memref<2x4x32x128xf32, #tpu.memory_space<vmem>> -> memref<1x1x32x128xf32, #tpu.memory_space<vmem>>
        %dma_start3A_1978 = tpu.memref_squeeze %dma_start3A_1977 : memref<1x1x32x128xf32, #tpu.memory_space<vmem>> -> memref<32x128xf32, #tpu.memory_space<vmem>>
        %dma_start3A_1979 = arith.constant 0 : i32
        %dma_start3A_1980 = tpu.memref_slice %arg4[%dma_start3A_1979, %multiple_of3A_1966] : memref<32x1000000xf32, #tpu.memory_space<hbm>> -> memref<32x128xf32, #tpu.memory_space<hbm>>
        tpu.enqueue_dma source(%dma_start3A_1980 : memref<32x128xf32, #tpu.memory_space<hbm>>) target(%dma_start3A_1978 : memref<32x128xf32, #tpu.memory_space<vmem>>) target_semaphore(%arg12 : memref<!tpu.dma_semaphore, #tpu.memory_space<semaphore_mem>>)
        %jit3A_1981 = arith.constant 16 : i32
        %div3A_1982 = arith.divsi %add3A_1922, %jit3A_1981 : i32
        %sign3A_1983 = arith.constant 0 : i32
        %sign3A_1984 = arith.cmpi sgt, %add3A_1922, %sign3A_1983 : i32
        %sign3A_1985 = arith.extui %sign3A_1984 : i1 to i32
        %sign3A_1986 = arith.constant 0 : i32
        %sign3A_1987 = arith.cmpi slt, %add3A_1922, %sign3A_1986 : i32
        %sign3A_1988 = arith.extui %sign3A_1987 : i1 to i32
        %sign3A_1989 = arith.subi %sign3A_1985, %sign3A_1988 : i32
        %sign3A_1990 = arith.constant 0 : i32
        %sign3A_1991 = arith.cmpi sgt, %jit3A_1981, %sign3A_1990 : i32
        %sign3A_1992 = arith.extui %sign3A_1991 : i1 to i32
        %sign3A_1993 = arith.constant 0 : i32
        %sign3A_1994 = arith.cmpi slt, %jit3A_1981, %sign3A_1993 : i32
        %sign3A_1995 = arith.extui %sign3A_1994 : i1 to i32
        %sign3A_1996 = arith.subi %sign3A_1992, %sign3A_1995 : i32
        %ne3A_1997 = arith.cmpi ne, %sign3A_1989, %sign3A_1996 : i32
        %rem3A_1998 = arith.remsi %add3A_1922, %jit3A_1981 : i32
        %ne3A_1999 = arith.constant 0 : i32
        %ne3A_2000 = arith.cmpi ne, %rem3A_1998, %ne3A_1999 : i32
        %and3A_2001 = arith.andi %ne3A_1997, %ne3A_2000 : i1
        %sub3A_2002 = arith.constant 1 : i32
        %sub3A_2003 = arith.subi %div3A_1982, %sub3A_2002 : i32
        %select_n3A_2004 = arith.select %and3A_2001, %sub3A_2003, %div3A_1982 : i32
        %mul3A_2005 = arith.constant 16 : i32
        %mul3A_2006 = arith.muli %select_n3A_2004, %mul3A_2005 : i32
        %get3A_2007 = arith.index_cast %mul3A_2006 : i32 to index
        %get3A_2008 = tpu.vector_load %arg8[%get3A_2007] {strides = array<i32>} : memref<512xi32, #tpu.memory_space<vmem>>, vector<16xi32>,
        %and3A_2009 = arith.constant 15 : i32
        %and3A_2010 = arith.andi %add3A_1922, %and3A_2009 : i32
        %eq3A_2011 = vector.broadcast %and3A_2010 : i32 to vector<16xi32>
        %eq3A_2012 = arith.cmpi eq, %iota3A, %eq3A_2011 : vector<16xi32>
        %jit3A_2013 = arith.constant 0 : i32
        %broadcast_in_dim3A_2014 = vector.broadcast %jit3A_2013 : i32 to vector<16xi32>
        %select_n3A_2015 = arith.select %eq3A_2012, %get3A_2008, %broadcast_in_dim3A_2014 : vector<16xi1>, vector<16xi32>
        %reduce_sum3A_2016 = arith.constant true
        %reduce_sum3A_2017 = vector.broadcast %reduce_sum3A_2016 : i1 to vector<16xi1>
        %reduce_sum3A_2018 = tpu.scan <sum>, %select_n3A_2015 masked %reduce_sum3A_2017 : vector<16xi32>, vector<16xi1> -> vector<16xi32>
        %reduce_sum3A_2019 = vector.extract %reduce_sum3A_2018[15] : i32 from vector<16xi32>
        %shift_right_arithmetic3A_2020 = arith.constant 7 : i32
        %shift_right_arithmetic3A_2021 = arith.shrsi %reduce_sum3A_2019, %shift_right_arithmetic3A_2020 : i32
        %mul3A_2022 = arith.constant 128 : i32
        %mul3A_2023 = arith.muli %shift_right_arithmetic3A_2021, %mul3A_2022 : i32
        %multiple_of3A_2024 = tpu.assume_multiple %mul3A_2023, 128 : i32
        %dma_start3A_2025 = arith.constant 0 : i32
        %dma_start3A_2026 = arith.constant 0 : i32
        %dma_start3A_2027 = arith.constant 0 : i32
        %dma_start3A_2028 = arith.constant 0 : i32
        %dma_start3A_2029 = tpu.memref_slice %arg10[%dma_start3A_2025, %dma_start3A_2026, %dma_start3A_2027, %dma_start3A_2028] : memref<2x4x32x128xf32, #tpu.memory_space<vmem>> -> memref<1x1x32x128xf32, #tpu.memory_space<vmem>>
        %dma_start3A_2030 = tpu.memref_squeeze %dma_start3A_2029 : memref<1x1x32x128xf32, #tpu.memory_space<vmem>> -> memref<32x128xf32, #tpu.memory_space<vmem>>
        %dma_start3A_2031 = arith.constant 0 : i32
        %dma_start3A_2032 = tpu.memref_slice %arg5[%dma_start3A_2031, %multiple_of3A_2024] : memref<32x1000000xf32, #tpu.memory_space<hbm>> -> memref<32x128xf32, #tpu.memory_space<hbm>>
        %dma_start3A_2033 = arith.constant 0 : i32
        %dma_start3A_2034 = arith.constant 0 : i32
        %dma_start3A_2035 = tpu.memref_slice %arg10[%dma_start3A_2025, %dma_start3A_2026, %dma_start3A_2033, %dma_start3A_2034] : memref<2x4x32x128xf32, #tpu.memory_space<vmem>> -> memref<1x1x32x128xf32, #tpu.memory_space<vmem>>
        %dma_start3A_2036 = tpu.memref_squeeze %dma_start3A_2035 : memref<1x1x32x128xf32, #tpu.memory_space<vmem>> -> memref<32x128xf32, #tpu.memory_space<vmem>>
        %dma_start3A_2037 = arith.constant 0 : i32
        %dma_start3A_2038 = tpu.memref_slice %arg5[%dma_start3A_2037, %multiple_of3A_2024] : memref<32x1000000xf32, #tpu.memory_space<hbm>> -> memref<32x128xf32, #tpu.memory_space<hbm>>
        tpu.enqueue_dma source(%dma_start3A_2038 : memref<32x128xf32, #tpu.memory_space<hbm>>) target(%dma_start3A_2036 : memref<32x128xf32, #tpu.memory_space<vmem>>) target_semaphore(%arg12 : memref<!tpu.dma_semaphore, #tpu.memory_space<semaphore_mem>>)
        %mul3A_2039 = arith.constant 4 : i32
        %mul3A_2040 = arith.muli %add3A_1918, %mul3A_2039 : i32
        %add3A_2041 = arith.constant 1 : i32
        %add3A_2042 = arith.addi %mul3A_2040, %add3A_2041 : i32
        %jit3A_2043 = arith.constant 16 : i32
        %div3A_2044 = arith.divsi %add3A_2042, %jit3A_2043 : i32
        %sign3A_2045 = arith.constant 0 : i32
        %sign3A_2046 = arith.cmpi sgt, %add3A_2042, %sign3A_2045 : i32
        %sign3A_2047 = arith.extui %sign3A_2046 : i1 to i32
        %sign3A_2048 = arith.constant 0 : i32
        %sign3A_2049 = arith.cmpi slt, %add3A_2042, %sign3A_2048 : i32
        %sign3A_2050 = arith.extui %sign3A_2049 : i1 to i32
        %sign3A_2051 = arith.subi %sign3A_2047, %sign3A_2050 : i32
        %sign3A_2052 = arith.constant 0 : i32
        %sign3A_2053 = arith.cmpi sgt, %jit3A_2043, %sign3A_2052 : i32
        %sign3A_2054 = arith.extui %sign3A_2053 : i1 to i32
        %sign3A_2055 = arith.constant 0 : i32
        %sign3A_2056 = arith.cmpi slt, %jit3A_2043, %sign3A_2055 : i32
        %sign3A_2057 = arith.extui %sign3A_2056 : i1 to i32
        %sign3A_2058 = arith.subi %sign3A_2054, %sign3A_2057 : i32
        %ne3A_2059 = arith.cmpi ne, %sign3A_2051, %sign3A_2058 : i32
        %rem3A_2060 = arith.remsi %add3A_2042, %jit3A_2043 : i32
        %ne3A_2061 = arith.constant 0 : i32
        %ne3A_2062 = arith.cmpi ne, %rem3A_2060, %ne3A_2061 : i32
        %and3A_2063 = arith.andi %ne3A_2059, %ne3A_2062 : i1
        %sub3A_2064 = arith.constant 1 : i32
        %sub3A_2065 = arith.subi %div3A_2044, %sub3A_2064 : i32
        %select_n3A_2066 = arith.select %and3A_2063, %sub3A_2065, %div3A_2044 : i32
        %mul3A_2067 = arith.constant 16 : i32
        %mul3A_2068 = arith.muli %select_n3A_2066, %mul3A_2067 : i32
        %get3A_2069 = arith.index_cast %mul3A_2068 : i32 to index
        %get3A_2070 = tpu.vector_load %arg7[%get3A_2069] {strides = array<i32>} : memref<512xi32, #tpu.memory_space<vmem>>, vector<16xi32>,
        %and3A_2071 = arith.constant 15 : i32
        %and3A_2072 = arith.andi %add3A_2042, %and3A_2071 : i32
        %eq3A_2073 = vector.broadcast %and3A_2072 : i32 to vector<16xi32>
        %eq3A_2074 = arith.cmpi eq, %iota3A, %eq3A_2073 : vector<16xi32>
        %jit3A_2075 = arith.constant 0 : i32
        %broadcast_in_dim3A_2076 = vector.broadcast %jit3A_2075 : i32 to vector<16xi32>
        %select_n3A_2077 = arith.select %eq3A_2074, %get3A_2070, %broadcast_in_dim3A_2076 : vector<16xi1>, vector<16xi32>
        %reduce_sum3A_2078 = arith.constant true
        %reduce_sum3A_2079 = vector.broadcast %reduce_sum3A_2078 : i1 to vector<16xi1>
        %reduce_sum3A_2080 = tpu.scan <sum>, %select_n3A_2077 masked %reduce_sum3A_2079 : vector<16xi32>, vector<16xi1> -> vector<16xi32>
        %reduce_sum3A_2081 = vector.extract %reduce_sum3A_2080[15] : i32 from vector<16xi32>
        %shift_right_arithmetic3A_2082 = arith.constant 7 : i32
        %shift_right_arithmetic3A_2083 = arith.shrsi %reduce_sum3A_2081, %shift_right_arithmetic3A_2082 : i32
        %mul3A_2084 = arith.constant 128 : i32
        %mul3A_2085 = arith.muli %shift_right_arithmetic3A_2083, %mul3A_2084 : i32
        %multiple_of3A_2086 = tpu.assume_multiple %mul3A_2085, 128 : i32
        %dma_start3A_2087 = arith.constant 0 : i32
        %dma_start3A_2088 = arith.constant 1 : i32
        %dma_start3A_2089 = arith.constant 0 : i32
        %dma_start3A_2090 = arith.constant 0 : i32
        %dma_start3A_2091 = tpu.memref_slice %arg9[%dma_start3A_2087, %dma_start3A_2088, %dma_start3A_2089, %dma_start3A_2090] : memref<2x4x32x128xf32, #tpu.memory_space<vmem>> -> memref<1x1x32x128xf32, #tpu.memory_space<vmem>>
        %dma_start3A_2092 = tpu.memref_squeeze %dma_start3A_2091 : memref<1x1x32x128xf32, #tpu.memory_space<vmem>> -> memref<32x128xf32, #tpu.memory_space<vmem>>
        %dma_start3A_2093 = arith.constant 0 : i32
        %dma_start3A_2094 = tpu.memref_slice %arg4[%dma_start3A_2093, %multiple_of3A_2086] : memref<32x1000000xf32, #tpu.memory_space<hbm>> -> memref<32x128xf32, #tpu.memory_space<hbm>>
        %dma_start3A_2095 = arith.constant 0 : i32
        %dma_start3A_2096 = arith.constant 0 : i32
        %dma_start3A_2097 = tpu.memref_slice %arg9[%dma_start3A_2087, %dma_start3A_2088, %dma_start3A_2095, %dma_start3A_2096] : memref<2x4x32x128xf32, #tpu.memory_space<vmem>> -> memref<1x1x32x128xf32, #tpu.memory_space<vmem>>
        %dma_start3A_2098 = tpu.memref_squeeze %dma_start3A_2097 : memref<1x1x32x128xf32, #tpu.memory_space<vmem>> -> memref<32x128xf32, #tpu.memory_space<vmem>>
        %dma_start3A_2099 = arith.constant 0 : i32
        %dma_start3A_2100 = tpu.memref_slice %arg4[%dma_start3A_2099, %multiple_of3A_2086] : memref<32x1000000xf32, #tpu.memory_space<hbm>> -> memref<32x128xf32, #tpu.memory_space<hbm>>
        tpu.enqueue_dma source(%dma_start3A_2100 : memref<32x128xf32, #tpu.memory_space<hbm>>) target(%dma_start3A_2098 : memref<32x128xf32, #tpu.memory_space<vmem>>) target_semaphore(%arg12 : memref<!tpu.dma_semaphore, #tpu.memory_space<semaphore_mem>>)
        %jit3A_2101 = arith.constant 16 : i32
        %div3A_2102 = arith.divsi %add3A_2042, %jit3A_2101 : i32
        %sign3A_2103 = arith.constant 0 : i32
        %sign3A_2104 = arith.cmpi sgt, %add3A_2042, %sign3A_2103 : i32
        %sign3A_2105 = arith.extui %sign3A_2104 : i1 to i32
        %sign3A_2106 = arith.constant 0 : i32
        %sign3A_2107 = arith.cmpi slt, %add3A_2042, %sign3A_2106 : i32
        %sign3A_2108 = arith.extui %sign3A_2107 : i1 to i32
        %sign3A_2109 = arith.subi %sign3A_2105, %sign3A_2108 : i32
        %sign3A_2110 = arith.constant 0 : i32
        %sign3A_2111 = arith.cmpi sgt, %jit3A_2101, %sign3A_2110 : i32
        %sign3A_2112 = arith.extui %sign3A_2111 : i1 to i32
        %sign3A_2113 = arith.constant 0 : i32
        %sign3A_2114 = arith.cmpi slt, %jit3A_2101, %sign3A_2113 : i32
        %sign3A_2115 = arith.extui %sign3A_2114 : i1 to i32
        %sign3A_2116 = arith.subi %sign3A_2112, %sign3A_2115 : i32
        %ne3A_2117 = arith.cmpi ne, %sign3A_2109, %sign3A_2116 : i32
        %rem3A_2118 = arith.remsi %add3A_2042, %jit3A_2101 : i32
        %ne3A_2119 = arith.constant 0 : i32
        %ne3A_2120 = arith.cmpi ne, %rem3A_2118, %ne3A_2119 : i32
        %and3A_2121 = arith.andi %ne3A_2117, %ne3A_2120 : i1
        %sub3A_2122 = arith.constant 1 : i32
        %sub3A_2123 = arith.subi %div3A_2102, %sub3A_2122 : i32
        %select_n3A_2124 = arith.select %and3A_2121, %sub3A_2123, %div3A_2102 : i32
        %mul3A_2125 = arith.constant 16 : i32
        %mul3A_2126 = arith.muli %select_n3A_2124, %mul3A_2125 : i32
        %get3A_2127 = arith.index_cast %mul3A_2126 : i32 to index
        %get3A_2128 = tpu.vector_load %arg8[%get3A_2127] {strides = array<i32>} : memref<512xi32, #tpu.memory_space<vmem>>, vector<16xi32>,
        %and3A_2129 = arith.constant 15 : i32
        %and3A_2130 = arith.andi %add3A_2042, %and3A_2129 : i32
        %eq3A_2131 = vector.broadcast %and3A_2130 : i32 to vector<16xi32>
        %eq3A_2132 = arith.cmpi eq, %iota3A, %eq3A_2131 : vector<16xi32>
        %jit3A_2133 = arith.constant 0 : i32
        %broadcast_in_dim3A_2134 = vector.broadcast %jit3A_2133 : i32 to vector<16xi32>
        %select_n3A_2135 = arith.select %eq3A_2132, %get3A_2128, %broadcast_in_dim3A_2134 : vector<16xi1>, vector<16xi32>
        %reduce_sum3A_2136 = arith.constant true
        %reduce_sum3A_2137 = vector.broadcast %reduce_sum3A_2136 : i1 to vector<16xi1>
        %reduce_sum3A_2138 = tpu.scan <sum>, %select_n3A_2135 masked %reduce_sum3A_2137 : vector<16xi32>, vector<16xi1> -> vector<16xi32>
        %reduce_sum3A_2139 = vector.extract %reduce_sum3A_2138[15] : i32 from vector<16xi32>
        %shift_right_arithmetic3A_2140 = arith.constant 7 : i32
        %shift_right_arithmetic3A_2141 = arith.shrsi %reduce_sum3A_2139, %shift_right_arithmetic3A_2140 : i32
        %mul3A_2142 = arith.constant 128 : i32
        %mul3A_2143 = arith.muli %shift_right_arithmetic3A_2141, %mul3A_2142 : i32
        %multiple_of3A_2144 = tpu.assume_multiple %mul3A_2143, 128 : i32
        %dma_start3A_2145 = arith.constant 0 : i32
        %dma_start3A_2146 = arith.constant 1 : i32
        %dma_start3A_2147 = arith.constant 0 : i32
        %dma_start3A_2148 = arith.constant 0 : i32
        %dma_start3A_2149 = tpu.memref_slice %arg10[%dma_start3A_2145, %dma_start3A_2146, %dma_start3A_2147, %dma_start3A_2148] : memref<2x4x32x128xf32, #tpu.memory_space<vmem>> -> memref<1x1x32x128xf32, #tpu.memory_space<vmem>>
        %dma_start3A_2150 = tpu.memref_squeeze %dma_start3A_2149 : memref<1x1x32x128xf32, #tpu.memory_space<vmem>> -> memref<32x128xf32, #tpu.memory_space<vmem>>
        %dma_start3A_2151 = arith.constant 0 : i32
        %dma_start3A_2152 = tpu.memref_slice %arg5[%dma_start3A_2151, %multiple_of3A_2144] : memref<32x1000000xf32, #tpu.memory_space<hbm>> -> memref<32x128xf32, #tpu.memory_space<hbm>>
        %dma_start3A_2153 = arith.constant 0 : i32
        %dma_start3A_2154 = arith.constant 0 : i32
        %dma_start3A_2155 = tpu.memref_slice %arg10[%dma_start3A_2145, %dma_start3A_2146, %dma_start3A_2153, %dma_start3A_2154] : memref<2x4x32x128xf32, #tpu.memory_space<vmem>> -> memref<1x1x32x128xf32, #tpu.memory_space<vmem>>
        %dma_start3A_2156 = tpu.memref_squeeze %dma_start3A_2155 : memref<1x1x32x128xf32, #tpu.memory_space<vmem>> -> memref<32x128xf32, #tpu.memory_space<vmem>>
        %dma_start3A_2157 = arith.constant 0 : i32
        %dma_start3A_2158 = tpu.memref_slice %arg5[%dma_start3A_2157, %multiple_of3A_2144] : memref<32x1000000xf32, #tpu.memory_space<hbm>> -> memref<32x128xf32, #tpu.memory_space<hbm>>
        tpu.enqueue_dma source(%dma_start3A_2158 : memref<32x128xf32, #tpu.memory_space<hbm>>) target(%dma_start3A_2156 : memref<32x128xf32, #tpu.memory_space<vmem>>) target_semaphore(%arg12 : memref<!tpu.dma_semaphore, #tpu.memory_space<semaphore_mem>>)
        %mul3A_2159 = arith.constant 4 : i32
        %mul3A_2160 = arith.muli %add3A_1918, %mul3A_2159 : i32
        %add3A_2161 = arith.constant 2 : i32
        %add3A_2162 = arith.addi %mul3A_2160, %add3A_2161 : i32
        %jit3A_2163 = arith.constant 16 : i32
        %div3A_2164 = arith.divsi %add3A_2162, %jit3A_2163 : i32
        %sign3A_2165 = arith.constant 0 : i32
        %sign3A_2166 = arith.cmpi sgt, %add3A_2162, %sign3A_2165 : i32
        %sign3A_2167 = arith.extui %sign3A_2166 : i1 to i32
        %sign3A_2168 = arith.constant 0 : i32
        %sign3A_2169 = arith.cmpi slt, %add3A_2162, %sign3A_2168 : i32
        %sign3A_2170 = arith.extui %sign3A_2169 : i1 to i32
        %sign3A_2171 = arith.subi %sign3A_2167, %sign3A_2170 : i32
        %sign3A_2172 = arith.constant 0 : i32
        %sign3A_2173 = arith.cmpi sgt, %jit3A_2163, %sign3A_2172 : i32
        %sign3A_2174 = arith.extui %sign3A_2173 : i1 to i32
        %sign3A_2175 = arith.constant 0 : i32
        %sign3A_2176 = arith.cmpi slt, %jit3A_2163, %sign3A_2175 : i32
        %sign3A_2177 = arith.extui %sign3A_2176 : i1 to i32
        %sign3A_2178 = arith.subi %sign3A_2174, %sign3A_2177 : i32
        %ne3A_2179 = arith.cmpi ne, %sign3A_2171, %sign3A_2178 : i32
        %rem3A_2180 = arith.remsi %add3A_2162, %jit3A_2163 : i32
        %ne3A_2181 = arith.constant 0 : i32
        %ne3A_2182 = arith.cmpi ne, %rem3A_2180, %ne3A_2181 : i32
        %and3A_2183 = arith.andi %ne3A_2179, %ne3A_2182 : i1
        %sub3A_2184 = arith.constant 1 : i32
        %sub3A_2185 = arith.subi %div3A_2164, %sub3A_2184 : i32
        %select_n3A_2186 = arith.select %and3A_2183, %sub3A_2185, %div3A_2164 : i32
        %mul3A_2187 = arith.constant 16 : i32
        %mul3A_2188 = arith.muli %select_n3A_2186, %mul3A_2187 : i32
        %get3A_2189 = arith.index_cast %mul3A_2188 : i32 to index
        %get3A_2190 = tpu.vector_load %arg7[%get3A_2189] {strides = array<i32>} : memref<512xi32, #tpu.memory_space<vmem>>, vector<16xi32>,
        %and3A_2191 = arith.constant 15 : i32
        %and3A_2192 = arith.andi %add3A_2162, %and3A_2191 : i32
        %eq3A_2193 = vector.broadcast %and3A_2192 : i32 to vector<16xi32>
        %eq3A_2194 = arith.cmpi eq, %iota3A, %eq3A_2193 : vector<16xi32>
        %jit3A_2195 = arith.constant 0 : i32
        %broadcast_in_dim3A_2196 = vector.broadcast %jit3A_2195 : i32 to vector<16xi32>
        %select_n3A_2197 = arith.select %eq3A_2194, %get3A_2190, %broadcast_in_dim3A_2196 : vector<16xi1>, vector<16xi32>
        %reduce_sum3A_2198 = arith.constant true
        %reduce_sum3A_2199 = vector.broadcast %reduce_sum3A_2198 : i1 to vector<16xi1>
        %reduce_sum3A_2200 = tpu.scan <sum>, %select_n3A_2197 masked %reduce_sum3A_2199 : vector<16xi32>, vector<16xi1> -> vector<16xi32>
        %reduce_sum3A_2201 = vector.extract %reduce_sum3A_2200[15] : i32 from vector<16xi32>
        %shift_right_arithmetic3A_2202 = arith.constant 7 : i32
        %shift_right_arithmetic3A_2203 = arith.shrsi %reduce_sum3A_2201, %shift_right_arithmetic3A_2202 : i32
        %mul3A_2204 = arith.constant 128 : i32
        %mul3A_2205 = arith.muli %shift_right_arithmetic3A_2203, %mul3A_2204 : i32
        %multiple_of3A_2206 = tpu.assume_multiple %mul3A_2205, 128 : i32
        %dma_start3A_2207 = arith.constant 0 : i32
        %dma_start3A_2208 = arith.constant 2 : i32
        %dma_start3A_2209 = arith.constant 0 : i32
        %dma_start3A_2210 = arith.constant 0 : i32
        %dma_start3A_2211 = tpu.memref_slice %arg9[%dma_start3A_2207, %dma_start3A_2208, %dma_start3A_2209, %dma_start3A_2210] : memref<2x4x32x128xf32, #tpu.memory_space<vmem>> -> memref<1x1x32x128xf32, #tpu.memory_space<vmem>>
        %dma_start3A_2212 = tpu.memref_squeeze %dma_start3A_2211 : memref<1x1x32x128xf32, #tpu.memory_space<vmem>> -> memref<32x128xf32, #tpu.memory_space<vmem>>
        %dma_start3A_2213 = arith.constant 0 : i32
        %dma_start3A_2214 = tpu.memref_slice %arg4[%dma_start3A_2213, %multiple_of3A_2206] : memref<32x1000000xf32, #tpu.memory_space<hbm>> -> memref<32x128xf32, #tpu.memory_space<hbm>>
        %dma_start3A_2215 = arith.constant 0 : i32
        %dma_start3A_2216 = arith.constant 0 : i32
        %dma_start3A_2217 = tpu.memref_slice %arg9[%dma_start3A_2207, %dma_start3A_2208, %dma_start3A_2215, %dma_start3A_2216] : memref<2x4x32x128xf32, #tpu.memory_space<vmem>> -> memref<1x1x32x128xf32, #tpu.memory_space<vmem>>
        %dma_start3A_2218 = tpu.memref_squeeze %dma_start3A_2217 : memref<1x1x32x128xf32, #tpu.memory_space<vmem>> -> memref<32x128xf32, #tpu.memory_space<vmem>>
        %dma_start3A_2219 = arith.constant 0 : i32
        %dma_start3A_2220 = tpu.memref_slice %arg4[%dma_start3A_2219, %multiple_of3A_2206] : memref<32x1000000xf32, #tpu.memory_space<hbm>> -> memref<32x128xf32, #tpu.memory_space<hbm>>
        tpu.enqueue_dma source(%dma_start3A_2220 : memref<32x128xf32, #tpu.memory_space<hbm>>) target(%dma_start3A_2218 : memref<32x128xf32, #tpu.memory_space<vmem>>) target_semaphore(%arg12 : memref<!tpu.dma_semaphore, #tpu.memory_space<semaphore_mem>>)
        %jit3A_2221 = arith.constant 16 : i32
        %div3A_2222 = arith.divsi %add3A_2162, %jit3A_2221 : i32
        %sign3A_2223 = arith.constant 0 : i32
        %sign3A_2224 = arith.cmpi sgt, %add3A_2162, %sign3A_2223 : i32
        %sign3A_2225 = arith.extui %sign3A_2224 : i1 to i32
        %sign3A_2226 = arith.constant 0 : i32
        %sign3A_2227 = arith.cmpi slt, %add3A_2162, %sign3A_2226 : i32
        %sign3A_2228 = arith.extui %sign3A_2227 : i1 to i32
        %sign3A_2229 = arith.subi %sign3A_2225, %sign3A_2228 : i32
        %sign3A_2230 = arith.constant 0 : i32
        %sign3A_2231 = arith.cmpi sgt, %jit3A_2221, %sign3A_2230 : i32
        %sign3A_2232 = arith.extui %sign3A_2231 : i1 to i32
        %sign3A_2233 = arith.constant 0 : i32
        %sign3A_2234 = arith.cmpi slt, %jit3A_2221, %sign3A_2233 : i32
        %sign3A_2235 = arith.extui %sign3A_2234 : i1 to i32
        %sign3A_2236 = arith.subi %sign3A_2232, %sign3A_2235 : i32
        %ne3A_2237 = arith.cmpi ne, %sign3A_2229, %sign3A_2236 : i32
        %rem3A_2238 = arith.remsi %add3A_2162, %jit3A_2221 : i32
        %ne3A_2239 = arith.constant 0 : i32
        %ne3A_2240 = arith.cmpi ne, %rem3A_2238, %ne3A_2239 : i32
        %and3A_2241 = arith.andi %ne3A_2237, %ne3A_2240 : i1
        %sub3A_2242 = arith.constant 1 : i32
        %sub3A_2243 = arith.subi %div3A_2222, %sub3A_2242 : i32
        %select_n3A_2244 = arith.select %and3A_2241, %sub3A_2243, %div3A_2222 : i32
        %mul3A_2245 = arith.constant 16 : i32
        %mul3A_2246 = arith.muli %select_n3A_2244, %mul3A_2245 : i32
        %get3A_2247 = arith.index_cast %mul3A_2246 : i32 to index
        %get3A_2248 = tpu.vector_load %arg8[%get3A_2247] {strides = array<i32>} : memref<512xi32, #tpu.memory_space<vmem>>, vector<16xi32>,
        %and3A_2249 = arith.constant 15 : i32
        %and3A_2250 = arith.andi %add3A_2162, %and3A_2249 : i32
        %eq3A_2251 = vector.broadcast %and3A_2250 : i32 to vector<16xi32>
        %eq3A_2252 = arith.cmpi eq, %iota3A, %eq3A_2251 : vector<16xi32>
        %jit3A_2253 = arith.constant 0 : i32
        %broadcast_in_dim3A_2254 = vector.broadcast %jit3A_2253 : i32 to vector<16xi32>
        %select_n3A_2255 = arith.select %eq3A_2252, %get3A_2248, %broadcast_in_dim3A_2254 : vector<16xi1>, vector<16xi32>
        %reduce_sum3A_2256 = arith.constant true
        %reduce_sum3A_2257 = vector.broadcast %reduce_sum3A_2256 : i1 to vector<16xi1>
        %reduce_sum3A_2258 = tpu.scan <sum>, %select_n3A_2255 masked %reduce_sum3A_2257 : vector<16xi32>, vector<16xi1> -> vector<16xi32>
        %reduce_sum3A_2259 = vector.extract %reduce_sum3A_2258[15] : i32 from vector<16xi32>
        %shift_right_arithmetic3A_2260 = arith.constant 7 : i32
        %shift_right_arithmetic3A_2261 = arith.shrsi %reduce_sum3A_2259, %shift_right_arithmetic3A_2260 : i32
        %mul3A_2262 = arith.constant 128 : i32
        %mul3A_2263 = arith.muli %shift_right_arithmetic3A_2261, %mul3A_2262 : i32
        %multiple_of3A_2264 = tpu.assume_multiple %mul3A_2263, 128 : i32
        %dma_start3A_2265 = arith.constant 0 : i32
        %dma_start3A_2266 = arith.constant 2 : i32
        %dma_start3A_2267 = arith.constant 0 : i32
        %dma_start3A_2268 = arith.constant 0 : i32
        %dma_start3A_2269 = tpu.memref_slice %arg10[%dma_start3A_2265, %dma_start3A_2266, %dma_start3A_2267, %dma_start3A_2268] : memref<2x4x32x128xf32, #tpu.memory_space<vmem>> -> memref<1x1x32x128xf32, #tpu.memory_space<vmem>>
        %dma_start3A_2270 = tpu.memref_squeeze %dma_start3A_2269 : memref<1x1x32x128xf32, #tpu.memory_space<vmem>> -> memref<32x128xf32, #tpu.memory_space<vmem>>
        %dma_start3A_2271 = arith.constant 0 : i32
        %dma_start3A_2272 = tpu.memref_slice %arg5[%dma_start3A_2271, %multiple_of3A_2264] : memref<32x1000000xf32, #tpu.memory_space<hbm>> -> memref<32x128xf32, #tpu.memory_space<hbm>>
        %dma_start3A_2273 = arith.constant 0 : i32
        %dma_start3A_2274 = arith.constant 0 : i32
        %dma_start3A_2275 = tpu.memref_slice %arg10[%dma_start3A_2265, %dma_start3A_2266, %dma_start3A_2273, %dma_start3A_2274] : memref<2x4x32x128xf32, #tpu.memory_space<vmem>> -> memref<1x1x32x128xf32, #tpu.memory_space<vmem>>
        %dma_start3A_2276 = tpu.memref_squeeze %dma_start3A_2275 : memref<1x1x32x128xf32, #tpu.memory_space<vmem>> -> memref<32x128xf32, #tpu.memory_space<vmem>>
        %dma_start3A_2277 = arith.constant 0 : i32
        %dma_start3A_2278 = tpu.memref_slice %arg5[%dma_start3A_2277, %multiple_of3A_2264] : memref<32x1000000xf32, #tpu.memory_space<hbm>> -> memref<32x128xf32, #tpu.memory_space<hbm>>
        tpu.enqueue_dma source(%dma_start3A_2278 : memref<32x128xf32, #tpu.memory_space<hbm>>) target(%dma_start3A_2276 : memref<32x128xf32, #tpu.memory_space<vmem>>) target_semaphore(%arg12 : memref<!tpu.dma_semaphore, #tpu.memory_space<semaphore_mem>>)
        %mul3A_2279 = arith.constant 4 : i32
        %mul3A_2280 = arith.muli %add3A_1918, %mul3A_2279 : i32
        %add3A_2281 = arith.constant 3 : i32
        %add3A_2282 = arith.addi %mul3A_2280, %add3A_2281 : i32
        %jit3A_2283 = arith.constant 16 : i32
        %div3A_2284 = arith.divsi %add3A_2282, %jit3A_2283 : i32
        %sign3A_2285 = arith.constant 0 : i32
        %sign3A_2286 = arith.cmpi sgt, %add3A_2282, %sign3A_2285 : i32
        %sign3A_2287 = arith.extui %sign3A_2286 : i1 to i32
        %sign3A_2288 = arith.constant 0 : i32
        %sign3A_2289 = arith.cmpi slt, %add3A_2282, %sign3A_2288 : i32
        %sign3A_2290 = arith.extui %sign3A_2289 : i1 to i32
        %sign3A_2291 = arith.subi %sign3A_2287, %sign3A_2290 : i32
        %sign3A_2292 = arith.constant 0 : i32
        %sign3A_2293 = arith.cmpi sgt, %jit3A_2283, %sign3A_2292 : i32
        %sign3A_2294 = arith.extui %sign3A_2293 : i1 to i32
        %sign3A_2295 = arith.constant 0 : i32
        %sign3A_2296 = arith.cmpi slt, %jit3A_2283, %sign3A_2295 : i32
        %sign3A_2297 = arith.extui %sign3A_2296 : i1 to i32
        %sign3A_2298 = arith.subi %sign3A_2294, %sign3A_2297 : i32
        %ne3A_2299 = arith.cmpi ne, %sign3A_2291, %sign3A_2298 : i32
        %rem3A_2300 = arith.remsi %add3A_2282, %jit3A_2283 : i32
        %ne3A_2301 = arith.constant 0 : i32
        %ne3A_2302 = arith.cmpi ne, %rem3A_2300, %ne3A_2301 : i32
        %and3A_2303 = arith.andi %ne3A_2299, %ne3A_2302 : i1
        %sub3A_2304 = arith.constant 1 : i32
        %sub3A_2305 = arith.subi %div3A_2284, %sub3A_2304 : i32
        %select_n3A_2306 = arith.select %and3A_2303, %sub3A_2305, %div3A_2284 : i32
        %mul3A_2307 = arith.constant 16 : i32
        %mul3A_2308 = arith.muli %select_n3A_2306, %mul3A_2307 : i32
        %get3A_2309 = arith.index_cast %mul3A_2308 : i32 to index
        %get3A_2310 = tpu.vector_load %arg7[%get3A_2309] {strides = array<i32>} : memref<512xi32, #tpu.memory_space<vmem>>, vector<16xi32>,
        %and3A_2311 = arith.constant 15 : i32
        %and3A_2312 = arith.andi %add3A_2282, %and3A_2311 : i32
        %eq3A_2313 = vector.broadcast %and3A_2312 : i32 to vector<16xi32>
        %eq3A_2314 = arith.cmpi eq, %iota3A, %eq3A_2313 : vector<16xi32>
        %jit3A_2315 = arith.constant 0 : i32
        %broadcast_in_dim3A_2316 = vector.broadcast %jit3A_2315 : i32 to vector<16xi32>
        %select_n3A_2317 = arith.select %eq3A_2314, %get3A_2310, %broadcast_in_dim3A_2316 : vector<16xi1>, vector<16xi32>
        %reduce_sum3A_2318 = arith.constant true
        %reduce_sum3A_2319 = vector.broadcast %reduce_sum3A_2318 : i1 to vector<16xi1>
        %reduce_sum3A_2320 = tpu.scan <sum>, %select_n3A_2317 masked %reduce_sum3A_2319 : vector<16xi32>, vector<16xi1> -> vector<16xi32>
        %reduce_sum3A_2321 = vector.extract %reduce_sum3A_2320[15] : i32 from vector<16xi32>
        %shift_right_arithmetic3A_2322 = arith.constant 7 : i32
        %shift_right_arithmetic3A_2323 = arith.shrsi %reduce_sum3A_2321, %shift_right_arithmetic3A_2322 : i32
        %mul3A_2324 = arith.constant 128 : i32
        %mul3A_2325 = arith.muli %shift_right_arithmetic3A_2323, %mul3A_2324 : i32
        %multiple_of3A_2326 = tpu.assume_multiple %mul3A_2325, 128 : i32
        %dma_start3A_2327 = arith.constant 0 : i32
        %dma_start3A_2328 = arith.constant 3 : i32
        %dma_start3A_2329 = arith.constant 0 : i32
        %dma_start3A_2330 = arith.constant 0 : i32
        %dma_start3A_2331 = tpu.memref_slice %arg9[%dma_start3A_2327, %dma_start3A_2328, %dma_start3A_2329, %dma_start3A_2330] : memref<2x4x32x128xf32, #tpu.memory_space<vmem>> -> memref<1x1x32x128xf32, #tpu.memory_space<vmem>>
        %dma_start3A_2332 = tpu.memref_squeeze %dma_start3A_2331 : memref<1x1x32x128xf32, #tpu.memory_space<vmem>> -> memref<32x128xf32, #tpu.memory_space<vmem>>
        %dma_start3A_2333 = arith.constant 0 : i32
        %dma_start3A_2334 = tpu.memref_slice %arg4[%dma_start3A_2333, %multiple_of3A_2326] : memref<32x1000000xf32, #tpu.memory_space<hbm>> -> memref<32x128xf32, #tpu.memory_space<hbm>>
        %dma_start3A_2335 = arith.constant 0 : i32
        %dma_start3A_2336 = arith.constant 0 : i32
        %dma_start3A_2337 = tpu.memref_slice %arg9[%dma_start3A_2327, %dma_start3A_2328, %dma_start3A_2335, %dma_start3A_2336] : memref<2x4x32x128xf32, #tpu.memory_space<vmem>> -> memref<1x1x32x128xf32, #tpu.memory_space<vmem>>
        %dma_start3A_2338 = tpu.memref_squeeze %dma_start3A_2337 : memref<1x1x32x128xf32, #tpu.memory_space<vmem>> -> memref<32x128xf32, #tpu.memory_space<vmem>>
        %dma_start3A_2339 = arith.constant 0 : i32
        %dma_start3A_2340 = tpu.memref_slice %arg4[%dma_start3A_2339, %multiple_of3A_2326] : memref<32x1000000xf32, #tpu.memory_space<hbm>> -> memref<32x128xf32, #tpu.memory_space<hbm>>
        tpu.enqueue_dma source(%dma_start3A_2340 : memref<32x128xf32, #tpu.memory_space<hbm>>) target(%dma_start3A_2338 : memref<32x128xf32, #tpu.memory_space<vmem>>) target_semaphore(%arg12 : memref<!tpu.dma_semaphore, #tpu.memory_space<semaphore_mem>>)
        %jit3A_2341 = arith.constant 16 : i32
        %div3A_2342 = arith.divsi %add3A_2282, %jit3A_2341 : i32
        %sign3A_2343 = arith.constant 0 : i32
        %sign3A_2344 = arith.cmpi sgt, %add3A_2282, %sign3A_2343 : i32
        %sign3A_2345 = arith.extui %sign3A_2344 : i1 to i32
        %sign3A_2346 = arith.constant 0 : i32
        %sign3A_2347 = arith.cmpi slt, %add3A_2282, %sign3A_2346 : i32
        %sign3A_2348 = arith.extui %sign3A_2347 : i1 to i32
        %sign3A_2349 = arith.subi %sign3A_2345, %sign3A_2348 : i32
        %sign3A_2350 = arith.constant 0 : i32
        %sign3A_2351 = arith.cmpi sgt, %jit3A_2341, %sign3A_2350 : i32
        %sign3A_2352 = arith.extui %sign3A_2351 : i1 to i32
        %sign3A_2353 = arith.constant 0 : i32
        %sign3A_2354 = arith.cmpi slt, %jit3A_2341, %sign3A_2353 : i32
        %sign3A_2355 = arith.extui %sign3A_2354 : i1 to i32
        %sign3A_2356 = arith.subi %sign3A_2352, %sign3A_2355 : i32
        %ne3A_2357 = arith.cmpi ne, %sign3A_2349, %sign3A_2356 : i32
        %rem3A_2358 = arith.remsi %add3A_2282, %jit3A_2341 : i32
        %ne3A_2359 = arith.constant 0 : i32
        %ne3A_2360 = arith.cmpi ne, %rem3A_2358, %ne3A_2359 : i32
        %and3A_2361 = arith.andi %ne3A_2357, %ne3A_2360 : i1
        %sub3A_2362 = arith.constant 1 : i32
        %sub3A_2363 = arith.subi %div3A_2342, %sub3A_2362 : i32
        %select_n3A_2364 = arith.select %and3A_2361, %sub3A_2363, %div3A_2342 : i32
        %mul3A_2365 = arith.constant 16 : i32
        %mul3A_2366 = arith.muli %select_n3A_2364, %mul3A_2365 : i32
        %get3A_2367 = arith.index_cast %mul3A_2366 : i32 to index
        %get3A_2368 = tpu.vector_load %arg8[%get3A_2367] {strides = array<i32>} : memref<512xi32, #tpu.memory_space<vmem>>, vector<16xi32>,
        %and3A_2369 = arith.constant 15 : i32
        %and3A_2370 = arith.andi %add3A_2282, %and3A_2369 : i32
        %eq3A_2371 = vector.broadcast %and3A_2370 : i32 to vector<16xi32>
        %eq3A_2372 = arith.cmpi eq, %iota3A, %eq3A_2371 : vector<16xi32>
        %jit3A_2373 = arith.constant 0 : i32
        %broadcast_in_dim3A_2374 = vector.broadcast %jit3A_2373 : i32 to vector<16xi32>
        %select_n3A_2375 = arith.select %eq3A_2372, %get3A_2368, %broadcast_in_dim3A_2374 : vector<16xi1>, vector<16xi32>
        %reduce_sum3A_2376 = arith.constant true
        %reduce_sum3A_2377 = vector.broadcast %reduce_sum3A_2376 : i1 to vector<16xi1>
        %reduce_sum3A_2378 = tpu.scan <sum>, %select_n3A_2375 masked %reduce_sum3A_2377 : vector<16xi32>, vector<16xi1> -> vector<16xi32>
        %reduce_sum3A_2379 = vector.extract %reduce_sum3A_2378[15] : i32 from vector<16xi32>
        %shift_right_arithmetic3A_2380 = arith.constant 7 : i32
        %shift_right_arithmetic3A_2381 = arith.shrsi %reduce_sum3A_2379, %shift_right_arithmetic3A_2380 : i32
        %mul3A_2382 = arith.constant 128 : i32
        %mul3A_2383 = arith.muli %shift_right_arithmetic3A_2381, %mul3A_2382 : i32
        %multiple_of3A_2384 = tpu.assume_multiple %mul3A_2383, 128 : i32
        %dma_start3A_2385 = arith.constant 0 : i32
        %dma_start3A_2386 = arith.constant 3 : i32
        %dma_start3A_2387 = arith.constant 0 : i32
        %dma_start3A_2388 = arith.constant 0 : i32
        %dma_start3A_2389 = tpu.memref_slice %arg10[%dma_start3A_2385, %dma_start3A_2386, %dma_start3A_2387, %dma_start3A_2388] : memref<2x4x32x128xf32, #tpu.memory_space<vmem>> -> memref<1x1x32x128xf32, #tpu.memory_space<vmem>>
        %dma_start3A_2390 = tpu.memref_squeeze %dma_start3A_2389 : memref<1x1x32x128xf32, #tpu.memory_space<vmem>> -> memref<32x128xf32, #tpu.memory_space<vmem>>
        %dma_start3A_2391 = arith.constant 0 : i32
        %dma_start3A_2392 = tpu.memref_slice %arg5[%dma_start3A_2391, %multiple_of3A_2384] : memref<32x1000000xf32, #tpu.memory_space<hbm>> -> memref<32x128xf32, #tpu.memory_space<hbm>>
        %dma_start3A_2393 = arith.constant 0 : i32
        %dma_start3A_2394 = arith.constant 0 : i32
        %dma_start3A_2395 = tpu.memref_slice %arg10[%dma_start3A_2385, %dma_start3A_2386, %dma_start3A_2393, %dma_start3A_2394] : memref<2x4x32x128xf32, #tpu.memory_space<vmem>> -> memref<1x1x32x128xf32, #tpu.memory_space<vmem>>
        %dma_start3A_2396 = tpu.memref_squeeze %dma_start3A_2395 : memref<1x1x32x128xf32, #tpu.memory_space<vmem>> -> memref<32x128xf32, #tpu.memory_space<vmem>>
        %dma_start3A_2397 = arith.constant 0 : i32
        %dma_start3A_2398 = tpu.memref_slice %arg5[%dma_start3A_2397, %multiple_of3A_2384] : memref<32x1000000xf32, #tpu.memory_space<hbm>> -> memref<32x128xf32, #tpu.memory_space<hbm>>
        tpu.enqueue_dma source(%dma_start3A_2398 : memref<32x128xf32, #tpu.memory_space<hbm>>) target(%dma_start3A_2396 : memref<32x128xf32, #tpu.memory_space<vmem>>) target_semaphore(%arg12 : memref<!tpu.dma_semaphore, #tpu.memory_space<semaphore_mem>>)
      } else {
      }
      %dma_wait3A_1312 = arith.constant 1 : i32
      %dma_wait3A_1313 = arith.constant 0 : i32
      %dma_wait3A_1314 = arith.constant 0 : i32
      %dma_wait3A_1315 = arith.constant 0 : i32
      %dma_wait3A_1316 = tpu.memref_slice %arg9[%dma_wait3A_1312, %dma_wait3A_1313, %dma_wait3A_1314, %dma_wait3A_1315] : memref<2x4x32x128xf32, #tpu.memory_space<vmem>> -> memref<1x1x32x128xf32, #tpu.memory_space<vmem>>
      %dma_wait3A_1317 = tpu.memref_squeeze %dma_wait3A_1316 : memref<1x1x32x128xf32, #tpu.memory_space<vmem>> -> memref<32x128xf32, #tpu.memory_space<vmem>>
      %dma_wait3A_1318 = arith.constant 0 : i32
      %dma_wait3A_1319 = arith.constant 0 : i32
      %dma_wait3A_1320 = tpu.memref_slice %arg4[%dma_wait3A_1318, %dma_wait3A_1319] : memref<32x1000000xf32, #tpu.memory_space<hbm>> -> memref<32x128xf32, #tpu.memory_space<hbm>>
      %dma_wait3A_1321 = arith.constant 0 : i32
      %dma_wait3A_1322 = arith.constant 0 : i32
      %dma_wait3A_1323 = tpu.memref_slice %arg9[%dma_wait3A_1312, %dma_wait3A_1313, %dma_wait3A_1321, %dma_wait3A_1322] : memref<2x4x32x128xf32, #tpu.memory_space<vmem>> -> memref<1x1x32x128xf32, #tpu.memory_space<vmem>>
      %dma_wait3A_1324 = tpu.memref_squeeze %dma_wait3A_1323 : memref<1x1x32x128xf32, #tpu.memory_space<vmem>> -> memref<32x128xf32, #tpu.memory_space<vmem>>
      %dma_wait3A_1325 = arith.constant 0 : i32
      %dma_wait3A_1326 = arith.constant 0 : i32
      %dma_wait3A_1327 = tpu.memref_slice %arg4[%dma_wait3A_1325, %dma_wait3A_1326] : memref<32x1000000xf32, #tpu.memory_space<hbm>> -> memref<32x128xf32, #tpu.memory_space<hbm>>
      tpu.wait_dma2 semaphore(%arg13 : memref<!tpu.dma_semaphore, #tpu.memory_space<semaphore_mem>>) src(%dma_wait3A_1327 : memref<32x128xf32, #tpu.memory_space<hbm>>) dst(%dma_wait3A_1324 : memref<32x128xf32, #tpu.memory_space<vmem>>)
      %dma_wait3A_1328 = arith.constant 1 : i32
      %dma_wait3A_1329 = arith.constant 0 : i32
      %dma_wait3A_1330 = arith.constant 0 : i32
      %dma_wait3A_1331 = arith.constant 0 : i32
      %dma_wait3A_1332 = tpu.memref_slice %arg10[%dma_wait3A_1328, %dma_wait3A_1329, %dma_wait3A_1330, %dma_wait3A_1331] : memref<2x4x32x128xf32, #tpu.memory_space<vmem>> -> memref<1x1x32x128xf32, #tpu.memory_space<vmem>>
      %dma_wait3A_1333 = tpu.memref_squeeze %dma_wait3A_1332 : memref<1x1x32x128xf32, #tpu.memory_space<vmem>> -> memref<32x128xf32, #tpu.memory_space<vmem>>
      %dma_wait3A_1334 = arith.constant 0 : i32
      %dma_wait3A_1335 = arith.constant 0 : i32
      %dma_wait3A_1336 = tpu.memref_slice %arg5[%dma_wait3A_1334, %dma_wait3A_1335] : memref<32x1000000xf32, #tpu.memory_space<hbm>> -> memref<32x128xf32, #tpu.memory_space<hbm>>
      %dma_wait3A_1337 = arith.constant 0 : i32
      %dma_wait3A_1338 = arith.constant 0 : i32
      %dma_wait3A_1339 = tpu.memref_slice %arg10[%dma_wait3A_1328, %dma_wait3A_1329, %dma_wait3A_1337, %dma_wait3A_1338] : memref<2x4x32x128xf32, #tpu.memory_space<vmem>> -> memref<1x1x32x128xf32, #tpu.memory_space<vmem>>
      %dma_wait3A_1340 = tpu.memref_squeeze %dma_wait3A_1339 : memref<1x1x32x128xf32, #tpu.memory_space<vmem>> -> memref<32x128xf32, #tpu.memory_space<vmem>>
      %dma_wait3A_1341 = arith.constant 0 : i32
      %dma_wait3A_1342 = arith.constant 0 : i32
      %dma_wait3A_1343 = tpu.memref_slice %arg5[%dma_wait3A_1341, %dma_wait3A_1342] : memref<32x1000000xf32, #tpu.memory_space<hbm>> -> memref<32x128xf32, #tpu.memory_space<hbm>>
      tpu.wait_dma2 semaphore(%arg13 : memref<!tpu.dma_semaphore, #tpu.memory_space<semaphore_mem>>) src(%dma_wait3A_1343 : memref<32x128xf32, #tpu.memory_space<hbm>>) dst(%dma_wait3A_1340 : memref<32x128xf32, #tpu.memory_space<vmem>>)
      %dma_wait3A_1344 = arith.constant 1 : i32
      %dma_wait3A_1345 = arith.constant 1 : i32
      %dma_wait3A_1346 = arith.constant 0 : i32
      %dma_wait3A_1347 = arith.constant 0 : i32
      %dma_wait3A_1348 = tpu.memref_slice %arg9[%dma_wait3A_1344, %dma_wait3A_1345, %dma_wait3A_1346, %dma_wait3A_1347] : memref<2x4x32x128xf32, #tpu.memory_space<vmem>> -> memref<1x1x32x128xf32, #tpu.memory_space<vmem>>
      %dma_wait3A_1349 = tpu.memref_squeeze %dma_wait3A_1348 : memref<1x1x32x128xf32, #tpu.memory_space<vmem>> -> memref<32x128xf32, #tpu.memory_space<vmem>>
      %dma_wait3A_1350 = arith.constant 0 : i32
      %dma_wait3A_1351 = arith.constant 0 : i32
      %dma_wait3A_1352 = tpu.memref_slice %arg4[%dma_wait3A_1350, %dma_wait3A_1351] : memref<32x1000000xf32, #tpu.memory_space<hbm>> -> memref<32x128xf32, #tpu.memory_space<hbm>>
      %dma_wait3A_1353 = arith.constant 0 : i32
      %dma_wait3A_1354 = arith.constant 0 : i32
      %dma_wait3A_1355 = tpu.memref_slice %arg9[%dma_wait3A_1344, %dma_wait3A_1345, %dma_wait3A_1353, %dma_wait3A_1354] : memref<2x4x32x128xf32, #tpu.memory_space<vmem>> -> memref<1x1x32x128xf32, #tpu.memory_space<vmem>>
      %dma_wait3A_1356 = tpu.memref_squeeze %dma_wait3A_1355 : memref<1x1x32x128xf32, #tpu.memory_space<vmem>> -> memref<32x128xf32, #tpu.memory_space<vmem>>
      %dma_wait3A_1357 = arith.constant 0 : i32
      %dma_wait3A_1358 = arith.constant 0 : i32
      %dma_wait3A_1359 = tpu.memref_slice %arg4[%dma_wait3A_1357, %dma_wait3A_1358] : memref<32x1000000xf32, #tpu.memory_space<hbm>> -> memref<32x128xf32, #tpu.memory_space<hbm>>
      tpu.wait_dma2 semaphore(%arg13 : memref<!tpu.dma_semaphore, #tpu.memory_space<semaphore_mem>>) src(%dma_wait3A_1359 : memref<32x128xf32, #tpu.memory_space<hbm>>) dst(%dma_wait3A_1356 : memref<32x128xf32, #tpu.memory_space<vmem>>)
      %dma_wait3A_1360 = arith.constant 1 : i32
      %dma_wait3A_1361 = arith.constant 1 : i32
      %dma_wait3A_1362 = arith.constant 0 : i32
      %dma_wait3A_1363 = arith.constant 0 : i32
      %dma_wait3A_1364 = tpu.memref_slice %arg10[%dma_wait3A_1360, %dma_wait3A_1361, %dma_wait3A_1362, %dma_wait3A_1363] : memref<2x4x32x128xf32, #tpu.memory_space<vmem>> -> memref<1x1x32x128xf32, #tpu.memory_space<vmem>>
      %dma_wait3A_1365 = tpu.memref_squeeze %dma_wait3A_1364 : memref<1x1x32x128xf32, #tpu.memory_space<vmem>> -> memref<32x128xf32, #tpu.memory_space<vmem>>
      %dma_wait3A_1366 = arith.constant 0 : i32
      %dma_wait3A_1367 = arith.constant 0 : i32
      %dma_wait3A_1368 = tpu.memref_slice %arg5[%dma_wait3A_1366, %dma_wait3A_1367] : memref<32x1000000xf32, #tpu.memory_space<hbm>> -> memref<32x128xf32, #tpu.memory_space<hbm>>
      %dma_wait3A_1369 = arith.constant 0 : i32
      %dma_wait3A_1370 = arith.constant 0 : i32
      %dma_wait3A_1371 = tpu.memref_slice %arg10[%dma_wait3A_1360, %dma_wait3A_1361, %dma_wait3A_1369, %dma_wait3A_1370] : memref<2x4x32x128xf32, #tpu.memory_space<vmem>> -> memref<1x1x32x128xf32, #tpu.memory_space<vmem>>
      %dma_wait3A_1372 = tpu.memref_squeeze %dma_wait3A_1371 : memref<1x1x32x128xf32, #tpu.memory_space<vmem>> -> memref<32x128xf32, #tpu.memory_space<vmem>>
      %dma_wait3A_1373 = arith.constant 0 : i32
      %dma_wait3A_1374 = arith.constant 0 : i32
      %dma_wait3A_1375 = tpu.memref_slice %arg5[%dma_wait3A_1373, %dma_wait3A_1374] : memref<32x1000000xf32, #tpu.memory_space<hbm>> -> memref<32x128xf32, #tpu.memory_space<hbm>>
      tpu.wait_dma2 semaphore(%arg13 : memref<!tpu.dma_semaphore, #tpu.memory_space<semaphore_mem>>) src(%dma_wait3A_1375 : memref<32x128xf32, #tpu.memory_space<hbm>>) dst(%dma_wait3A_1372 : memref<32x128xf32, #tpu.memory_space<vmem>>)
      %dma_wait3A_1376 = arith.constant 1 : i32
      %dma_wait3A_1377 = arith.constant 2 : i32
      %dma_wait3A_1378 = arith.constant 0 : i32
      %dma_wait3A_1379 = arith.constant 0 : i32
      %dma_wait3A_1380 = tpu.memref_slice %arg9[%dma_wait3A_1376, %dma_wait3A_1377, %dma_wait3A_1378, %dma_wait3A_1379] : memref<2x4x32x128xf32, #tpu.memory_space<vmem>> -> memref<1x1x32x128xf32, #tpu.memory_space<vmem>>
      %dma_wait3A_1381 = tpu.memref_squeeze %dma_wait3A_1380 : memref<1x1x32x128xf32, #tpu.memory_space<vmem>> -> memref<32x128xf32, #tpu.memory_space<vmem>>
      %dma_wait3A_1382 = arith.constant 0 : i32
      %dma_wait3A_1383 = arith.constant 0 : i32
      %dma_wait3A_1384 = tpu.memref_slice %arg4[%dma_wait3A_1382, %dma_wait3A_1383] : memref<32x1000000xf32, #tpu.memory_space<hbm>> -> memref<32x128xf32, #tpu.memory_space<hbm>>
      %dma_wait3A_1385 = arith.constant 0 : i32
      %dma_wait3A_1386 = arith.constant 0 : i32
      %dma_wait3A_1387 = tpu.memref_slice %arg9[%dma_wait3A_1376, %dma_wait3A_1377, %dma_wait3A_1385, %dma_wait3A_1386] : memref<2x4x32x128xf32, #tpu.memory_space<vmem>> -> memref<1x1x32x128xf32, #tpu.memory_space<vmem>>
      %dma_wait3A_1388 = tpu.memref_squeeze %dma_wait3A_1387 : memref<1x1x32x128xf32, #tpu.memory_space<vmem>> -> memref<32x128xf32, #tpu.memory_space<vmem>>
      %dma_wait3A_1389 = arith.constant 0 : i32
      %dma_wait3A_1390 = arith.constant 0 : i32
      %dma_wait3A_1391 = tpu.memref_slice %arg4[%dma_wait3A_1389, %dma_wait3A_1390] : memref<32x1000000xf32, #tpu.memory_space<hbm>> -> memref<32x128xf32, #tpu.memory_space<hbm>>
      tpu.wait_dma2 semaphore(%arg13 : memref<!tpu.dma_semaphore, #tpu.memory_space<semaphore_mem>>) src(%dma_wait3A_1391 : memref<32x128xf32, #tpu.memory_space<hbm>>) dst(%dma_wait3A_1388 : memref<32x128xf32, #tpu.memory_space<vmem>>)
      %dma_wait3A_1392 = arith.constant 1 : i32
      %dma_wait3A_1393 = arith.constant 2 : i32
      %dma_wait3A_1394 = arith.constant 0 : i32
      %dma_wait3A_1395 = arith.constant 0 : i32
      %dma_wait3A_1396 = tpu.memref_slice %arg10[%dma_wait3A_1392, %dma_wait3A_1393, %dma_wait3A_1394, %dma_wait3A_1395] : memref<2x4x32x128xf32, #tpu.memory_space<vmem>> -> memref<1x1x32x128xf32, #tpu.memory_space<vmem>>
      %dma_wait3A_1397 = tpu.memref_squeeze %dma_wait3A_1396 : memref<1x1x32x128xf32, #tpu.memory_space<vmem>> -> memref<32x128xf32, #tpu.memory_space<vmem>>
      %dma_wait3A_1398 = arith.constant 0 : i32
      %dma_wait3A_1399 = arith.constant 0 : i32
      %dma_wait3A_1400 = tpu.memref_slice %arg5[%dma_wait3A_1398, %dma_wait3A_1399] : memref<32x1000000xf32, #tpu.memory_space<hbm>> -> memref<32x128xf32, #tpu.memory_space<hbm>>
      %dma_wait3A_1401 = arith.constant 0 : i32
      %dma_wait3A_1402 = arith.constant 0 : i32
      %dma_wait3A_1403 = tpu.memref_slice %arg10[%dma_wait3A_1392, %dma_wait3A_1393, %dma_wait3A_1401, %dma_wait3A_1402] : memref<2x4x32x128xf32, #tpu.memory_space<vmem>> -> memref<1x1x32x128xf32, #tpu.memory_space<vmem>>
      %dma_wait3A_1404 = tpu.memref_squeeze %dma_wait3A_1403 : memref<1x1x32x128xf32, #tpu.memory_space<vmem>> -> memref<32x128xf32, #tpu.memory_space<vmem>>
      %dma_wait3A_1405 = arith.constant 0 : i32
      %dma_wait3A_1406 = arith.constant 0 : i32
      %dma_wait3A_1407 = tpu.memref_slice %arg5[%dma_wait3A_1405, %dma_wait3A_1406] : memref<32x1000000xf32, #tpu.memory_space<hbm>> -> memref<32x128xf32, #tpu.memory_space<hbm>>
      tpu.wait_dma2 semaphore(%arg13 : memref<!tpu.dma_semaphore, #tpu.memory_space<semaphore_mem>>) src(%dma_wait3A_1407 : memref<32x128xf32, #tpu.memory_space<hbm>>) dst(%dma_wait3A_1404 : memref<32x128xf32, #tpu.memory_space<vmem>>)
      %dma_wait3A_1408 = arith.constant 1 : i32
      %dma_wait3A_1409 = arith.constant 3 : i32
      %dma_wait3A_1410 = arith.constant 0 : i32
      %dma_wait3A_1411 = arith.constant 0 : i32
      %dma_wait3A_1412 = tpu.memref_slice %arg9[%dma_wait3A_1408, %dma_wait3A_1409, %dma_wait3A_1410, %dma_wait3A_1411] : memref<2x4x32x128xf32, #tpu.memory_space<vmem>> -> memref<1x1x32x128xf32, #tpu.memory_space<vmem>>
      %dma_wait3A_1413 = tpu.memref_squeeze %dma_wait3A_1412 : memref<1x1x32x128xf32, #tpu.memory_space<vmem>> -> memref<32x128xf32, #tpu.memory_space<vmem>>
      %dma_wait3A_1414 = arith.constant 0 : i32
      %dma_wait3A_1415 = arith.constant 0 : i32
      %dma_wait3A_1416 = tpu.memref_slice %arg4[%dma_wait3A_1414, %dma_wait3A_1415] : memref<32x1000000xf32, #tpu.memory_space<hbm>> -> memref<32x128xf32, #tpu.memory_space<hbm>>
      %dma_wait3A_1417 = arith.constant 0 : i32
      %dma_wait3A_1418 = arith.constant 0 : i32
      %dma_wait3A_1419 = tpu.memref_slice %arg9[%dma_wait3A_1408, %dma_wait3A_1409, %dma_wait3A_1417, %dma_wait3A_1418] : memref<2x4x32x128xf32, #tpu.memory_space<vmem>> -> memref<1x1x32x128xf32, #tpu.memory_space<vmem>>
      %dma_wait3A_1420 = tpu.memref_squeeze %dma_wait3A_1419 : memref<1x1x32x128xf32, #tpu.memory_space<vmem>> -> memref<32x128xf32, #tpu.memory_space<vmem>>
      %dma_wait3A_1421 = arith.constant 0 : i32
      %dma_wait3A_1422 = arith.constant 0 : i32
      %dma_wait3A_1423 = tpu.memref_slice %arg4[%dma_wait3A_1421, %dma_wait3A_1422] : memref<32x1000000xf32, #tpu.memory_space<hbm>> -> memref<32x128xf32, #tpu.memory_space<hbm>>
      tpu.wait_dma2 semaphore(%arg13 : memref<!tpu.dma_semaphore, #tpu.memory_space<semaphore_mem>>) src(%dma_wait3A_1423 : memref<32x128xf32, #tpu.memory_space<hbm>>) dst(%dma_wait3A_1420 : memref<32x128xf32, #tpu.memory_space<vmem>>)
      %dma_wait3A_1424 = arith.constant 1 : i32
      %dma_wait3A_1425 = arith.constant 3 : i32
      %dma_wait3A_1426 = arith.constant 0 : i32
      %dma_wait3A_1427 = arith.constant 0 : i32
      %dma_wait3A_1428 = tpu.memref_slice %arg10[%dma_wait3A_1424, %dma_wait3A_1425, %dma_wait3A_1426, %dma_wait3A_1427] : memref<2x4x32x128xf32, #tpu.memory_space<vmem>> -> memref<1x1x32x128xf32, #tpu.memory_space<vmem>>
      %dma_wait3A_1429 = tpu.memref_squeeze %dma_wait3A_1428 : memref<1x1x32x128xf32, #tpu.memory_space<vmem>> -> memref<32x128xf32, #tpu.memory_space<vmem>>
      %dma_wait3A_1430 = arith.constant 0 : i32
      %dma_wait3A_1431 = arith.constant 0 : i32
      %dma_wait3A_1432 = tpu.memref_slice %arg5[%dma_wait3A_1430, %dma_wait3A_1431] : memref<32x1000000xf32, #tpu.memory_space<hbm>> -> memref<32x128xf32, #tpu.memory_space<hbm>>
      %dma_wait3A_1433 = arith.constant 0 : i32
      %dma_wait3A_1434 = arith.constant 0 : i32
      %dma_wait3A_1435 = tpu.memref_slice %arg10[%dma_wait3A_1424, %dma_wait3A_1425, %dma_wait3A_1433, %dma_wait3A_1434] : memref<2x4x32x128xf32, #tpu.memory_space<vmem>> -> memref<1x1x32x128xf32, #tpu.memory_space<vmem>>
      %dma_wait3A_1436 = tpu.memref_squeeze %dma_wait3A_1435 : memref<1x1x32x128xf32, #tpu.memory_space<vmem>> -> memref<32x128xf32, #tpu.memory_space<vmem>>
      %dma_wait3A_1437 = arith.constant 0 : i32
      %dma_wait3A_1438 = arith.constant 0 : i32
      %dma_wait3A_1439 = tpu.memref_slice %arg5[%dma_wait3A_1437, %dma_wait3A_1438] : memref<32x1000000xf32, #tpu.memory_space<hbm>> -> memref<32x128xf32, #tpu.memory_space<hbm>>
      tpu.wait_dma2 semaphore(%arg13 : memref<!tpu.dma_semaphore, #tpu.memory_space<semaphore_mem>>) src(%dma_wait3A_1439 : memref<32x128xf32, #tpu.memory_space<hbm>>) dst(%dma_wait3A_1436 : memref<32x128xf32, #tpu.memory_space<vmem>>)
      %add3A_1440 = arith.constant 1 : i32
      %add3A_1441 = arith.addi %mul3A_251, %add3A_1440 : i32
      %broadcast_in_dim3A_1442 = arith.constant 1 : i32
      %broadcast_in_dim3A_1443 = vector.broadcast %broadcast_in_dim3A_1442 : i32 to vector<16xi32>
      %mul3A_1444 = arith.constant 4 : i32
      %mul3A_1445 = arith.muli %add3A_1441, %mul3A_1444 : i32
      %add3A_1446 = arith.constant 0 : i32
      %add3A_1447 = arith.addi %mul3A_1445, %add3A_1446 : i32
      %broadcast_in_dim3A_1448 = arith.constant 0 : i32
      %broadcast_in_dim3A_1449 = vector.broadcast %broadcast_in_dim3A_1448 : i32 to vector<16xi32>
      %jit3A_1450 = arith.constant 16 : i32
      %div3A_1451 = arith.divsi %add3A_1447, %jit3A_1450 : i32
      %sign3A_1452 = arith.constant 0 : i32
      %sign3A_1453 = arith.cmpi sgt, %add3A_1447, %sign3A_1452 : i32
      %sign3A_1454 = arith.extui %sign3A_1453 : i1 to i32
      %sign3A_1455 = arith.constant 0 : i32
      %sign3A_1456 = arith.cmpi slt, %add3A_1447, %sign3A_1455 : i32
      %sign3A_1457 = arith.extui %sign3A_1456 : i1 to i32
      %sign3A_1458 = arith.subi %sign3A_1454, %sign3A_1457 : i32
      %sign3A_1459 = arith.constant 0 : i32
      %sign3A_1460 = arith.cmpi sgt, %jit3A_1450, %sign3A_1459 : i32
      %sign3A_1461 = arith.extui %sign3A_1460 : i1 to i32
      %sign3A_1462 = arith.constant 0 : i32
      %sign3A_1463 = arith.cmpi slt, %jit3A_1450, %sign3A_1462 : i32
      %sign3A_1464 = arith.extui %sign3A_1463 : i1 to i32
      %sign3A_1465 = arith.subi %sign3A_1461, %sign3A_1464 : i32
      %ne3A_1466 = arith.cmpi ne, %sign3A_1458, %sign3A_1465 : i32
      %rem3A_1467 = arith.remsi %add3A_1447, %jit3A_1450 : i32
      %ne3A_1468 = arith.constant 0 : i32
      %ne3A_1469 = arith.cmpi ne, %rem3A_1467, %ne3A_1468 : i32
      %and3A_1470 = arith.andi %ne3A_1466, %ne3A_1469 : i1
      %sub3A_1471 = arith.constant 1 : i32
      %sub3A_1472 = arith.subi %div3A_1451, %sub3A_1471 : i32
      %select_n3A_1473 = arith.select %and3A_1470, %sub3A_1472, %div3A_1451 : i32
      %mul3A_1474 = arith.constant 16 : i32
      %mul3A_1475 = arith.muli %select_n3A_1473, %mul3A_1474 : i32
      %get3A_1476 = arith.index_cast %mul3A_1475 : i32 to index
      %get3A_1477 = tpu.vector_load %arg7[%get3A_1476] {strides = array<i32>} : memref<512xi32, #tpu.memory_space<vmem>>, vector<16xi32>,
      %and3A_1478 = arith.constant 15 : i32
      %and3A_1479 = arith.andi %add3A_1447, %and3A_1478 : i32
      %eq3A_1480 = vector.broadcast %and3A_1479 : i32 to vector<16xi32>
      %eq3A_1481 = arith.cmpi eq, %iota3A, %eq3A_1480 : vector<16xi32>
      %jit3A_1482 = arith.constant 0 : i32
      %broadcast_in_dim3A_1483 = vector.broadcast %jit3A_1482 : i32 to vector<16xi32>
      %select_n3A_1484 = arith.select %eq3A_1481, %get3A_1477, %broadcast_in_dim3A_1483 : vector<16xi1>, vector<16xi32>
      %reduce_sum3A_1485 = arith.constant true
      %reduce_sum3A_1486 = vector.broadcast %reduce_sum3A_1485 : i1 to vector<16xi1>
      %reduce_sum3A_1487 = tpu.scan <sum>, %select_n3A_1484 masked %reduce_sum3A_1486 : vector<16xi32>, vector<16xi1> -> vector<16xi32>
      %reduce_sum3A_1488 = vector.extract %reduce_sum3A_1487[15] : i32 from vector<16xi32>
      %and3A_1489 = arith.constant 127 : i32
      %and3A_1490 = arith.andi %reduce_sum3A_1488, %and3A_1489 : i32
      %broadcast_in_dim3A_1491 = vector.broadcast %and3A_1490 : i32 to vector<16xi32>
      %jit3A_1492 = arith.constant 16 : i32
      %div3A_1493 = arith.divsi %add3A_1447, %jit3A_1492 : i32
      %sign3A_1494 = arith.constant 0 : i32
      %sign3A_1495 = arith.cmpi sgt, %add3A_1447, %sign3A_1494 : i32
      %sign3A_1496 = arith.extui %sign3A_1495 : i1 to i32
      %sign3A_1497 = arith.constant 0 : i32
      %sign3A_1498 = arith.cmpi slt, %add3A_1447, %sign3A_1497 : i32
      %sign3A_1499 = arith.extui %sign3A_1498 : i1 to i32
      %sign3A_1500 = arith.subi %sign3A_1496, %sign3A_1499 : i32
      %sign3A_1501 = arith.constant 0 : i32
      %sign3A_1502 = arith.cmpi sgt, %jit3A_1492, %sign3A_1501 : i32
      %sign3A_1503 = arith.extui %sign3A_1502 : i1 to i32
      %sign3A_1504 = arith.constant 0 : i32
      %sign3A_1505 = arith.cmpi slt, %jit3A_1492, %sign3A_1504 : i32
      %sign3A_1506 = arith.extui %sign3A_1505 : i1 to i32
      %sign3A_1507 = arith.subi %sign3A_1503, %sign3A_1506 : i32
      %ne3A_1508 = arith.cmpi ne, %sign3A_1500, %sign3A_1507 : i32
      %rem3A_1509 = arith.remsi %add3A_1447, %jit3A_1492 : i32
      %ne3A_1510 = arith.constant 0 : i32
      %ne3A_1511 = arith.cmpi ne, %rem3A_1509, %ne3A_1510 : i32
      %and3A_1512 = arith.andi %ne3A_1508, %ne3A_1511 : i1
      %sub3A_1513 = arith.constant 1 : i32
      %sub3A_1514 = arith.subi %div3A_1493, %sub3A_1513 : i32
      %select_n3A_1515 = arith.select %and3A_1512, %sub3A_1514, %div3A_1493 : i32
      %mul3A_1516 = arith.constant 16 : i32
      %mul3A_1517 = arith.muli %select_n3A_1515, %mul3A_1516 : i32
      %get3A_1518 = arith.index_cast %mul3A_1517 : i32 to index
      %get3A_1519 = tpu.vector_load %arg8[%get3A_1518] {strides = array<i32>} : memref<512xi32, #tpu.memory_space<vmem>>, vector<16xi32>,
      %and3A_1520 = arith.constant 15 : i32
      %and3A_1521 = arith.andi %add3A_1447, %and3A_1520 : i32
      %eq3A_1522 = vector.broadcast %and3A_1521 : i32 to vector<16xi32>
      %eq3A_1523 = arith.cmpi eq, %iota3A, %eq3A_1522 : vector<16xi32>
      %jit3A_1524 = arith.constant 0 : i32
      %broadcast_in_dim3A_1525 = vector.broadcast %jit3A_1524 : i32 to vector<16xi32>
      %select_n3A_1526 = arith.select %eq3A_1523, %get3A_1519, %broadcast_in_dim3A_1525 : vector<16xi1>, vector<16xi32>
      %reduce_sum3A_1527 = arith.constant true
      %reduce_sum3A_1528 = vector.broadcast %reduce_sum3A_1527 : i1 to vector<16xi1>
      %reduce_sum3A_1529 = tpu.scan <sum>, %select_n3A_1526 masked %reduce_sum3A_1528 : vector<16xi32>, vector<16xi1> -> vector<16xi32>
      %reduce_sum3A_1530 = vector.extract %reduce_sum3A_1529[15] : i32 from vector<16xi32>
      %and3A_1531 = arith.constant 127 : i32
      %and3A_1532 = arith.andi %reduce_sum3A_1530, %and3A_1531 : i32
      %broadcast_in_dim3A_1533 = vector.broadcast %and3A_1532 : i32 to vector<16xi32>
      %gather3A_1534 = tpu.vector_load_idx %arg9[%broadcast_in_dim3A_1443, %broadcast_in_dim3A_1449, %iota3A_1, %broadcast_in_dim3A_1491] : memref<2x4x32x128xf32, #tpu.memory_space<vmem>>[vector<16xi32>, vector<16xi32>, vector<16xi32>, vector<16xi32>], vector<16xf32>,
      %add3A_1535 = arith.constant 16 : i32
      %add3A_1536 = vector.broadcast %add3A_1535 : i32 to vector<16xi32>
      %add3A_1537 = arith.addi %iota3A_1, %add3A_1536 : vector<16xi32>
      %gather3A_1538 = tpu.vector_load_idx %arg9[%broadcast_in_dim3A_1443, %broadcast_in_dim3A_1449, %add3A_1537, %broadcast_in_dim3A_1491] : memref<2x4x32x128xf32, #tpu.memory_space<vmem>>[vector<16xi32>, vector<16xi32>, vector<16xi32>, vector<16xi32>], vector<16xf32>,
      %gather3A_1539 = tpu.vector_load_idx %arg10[%broadcast_in_dim3A_1443, %broadcast_in_dim3A_1449, %iota3A_1, %broadcast_in_dim3A_1533] : memref<2x4x32x128xf32, #tpu.memory_space<vmem>>[vector<16xi32>, vector<16xi32>, vector<16xi32>, vector<16xi32>], vector<16xf32>,
      %add3A_1540 = arith.constant 16 : i32
      %add3A_1541 = vector.broadcast %add3A_1540 : i32 to vector<16xi32>
      %add3A_1542 = arith.addi %iota3A_1, %add3A_1541 : vector<16xi32>
      %gather3A_1543 = tpu.vector_load_idx %arg10[%broadcast_in_dim3A_1443, %broadcast_in_dim3A_1449, %add3A_1542, %broadcast_in_dim3A_1533] : memref<2x4x32x128xf32, #tpu.memory_space<vmem>>[vector<16xi32>, vector<16xi32>, vector<16xi32>, vector<16xi32>], vector<16xf32>,
      %mul3A_1544 = arith.mulf %gather3A_1534, %gather3A_1539 : vector<16xf32>
      %mul3A_1545 = arith.mulf %gather3A_1538, %gather3A_1543 : vector<16xf32>
      %add3A_1546 = arith.addf %mul3A_1544, %mul3A_1545 : vector<16xf32>
      %reduce_sum3A_1547 = arith.constant true
      %reduce_sum3A_1548 = vector.broadcast %reduce_sum3A_1547 : i1 to vector<16xi1>
      %reduce_sum3A_1549 = tpu.scan <sum>, %add3A_1546 masked %reduce_sum3A_1548 : vector<16xf32>, vector<16xi1> -> vector<16xf32>
      %reduce_sum3A_1550 = vector.extract %reduce_sum3A_1549[15] : f32 from vector<16xf32>
      %and3A_1551 = arith.constant 15 : i32
      %and3A_1552 = arith.andi %add3A_1447, %and3A_1551 : i32
      %eq3A_1553 = vector.broadcast %and3A_1552 : i32 to vector<16xi32>
      %eq3A_1554 = arith.cmpi eq, %iota3A_1, %eq3A_1553 : vector<16xi32>
      %broadcast_in_dim3A_1555 = vector.broadcast %reduce_sum3A_1550 : f32 to vector<16xf32>
      %select_n3A_1556 = arith.select %eq3A_1554, %broadcast_in_dim3A_1555, %select_n3A_1307 : vector<16xi1>, vector<16xf32>
      %mul3A_1557 = arith.constant 4 : i32
      %mul3A_1558 = arith.muli %add3A_1441, %mul3A_1557 : i32
      %add3A_1559 = arith.constant 1 : i32
      %add3A_1560 = arith.addi %mul3A_1558, %add3A_1559 : i32
      %broadcast_in_dim3A_1561 = arith.constant 1 : i32
      %broadcast_in_dim3A_1562 = vector.broadcast %broadcast_in_dim3A_1561 : i32 to vector<16xi32>
      %jit3A_1563 = arith.constant 16 : i32
      %div3A_1564 = arith.divsi %add3A_1560, %jit3A_1563 : i32
      %sign3A_1565 = arith.constant 0 : i32
      %sign3A_1566 = arith.cmpi sgt, %add3A_1560, %sign3A_1565 : i32
      %sign3A_1567 = arith.extui %sign3A_1566 : i1 to i32
      %sign3A_1568 = arith.constant 0 : i32
      %sign3A_1569 = arith.cmpi slt, %add3A_1560, %sign3A_1568 : i32
      %sign3A_1570 = arith.extui %sign3A_1569 : i1 to i32
      %sign3A_1571 = arith.subi %sign3A_1567, %sign3A_1570 : i32
      %sign3A_1572 = arith.constant 0 : i32
      %sign3A_1573 = arith.cmpi sgt, %jit3A_1563, %sign3A_1572 : i32
      %sign3A_1574 = arith.extui %sign3A_1573 : i1 to i32
      %sign3A_1575 = arith.constant 0 : i32
      %sign3A_1576 = arith.cmpi slt, %jit3A_1563, %sign3A_1575 : i32
      %sign3A_1577 = arith.extui %sign3A_1576 : i1 to i32
      %sign3A_1578 = arith.subi %sign3A_1574, %sign3A_1577 : i32
      %ne3A_1579 = arith.cmpi ne, %sign3A_1571, %sign3A_1578 : i32
      %rem3A_1580 = arith.remsi %add3A_1560, %jit3A_1563 : i32
      %ne3A_1581 = arith.constant 0 : i32
      %ne3A_1582 = arith.cmpi ne, %rem3A_1580, %ne3A_1581 : i32
      %and3A_1583 = arith.andi %ne3A_1579, %ne3A_1582 : i1
      %sub3A_1584 = arith.constant 1 : i32
      %sub3A_1585 = arith.subi %div3A_1564, %sub3A_1584 : i32
      %select_n3A_1586 = arith.select %and3A_1583, %sub3A_1585, %div3A_1564 : i32
      %mul3A_1587 = arith.constant 16 : i32
      %mul3A_1588 = arith.muli %select_n3A_1586, %mul3A_1587 : i32
      %get3A_1589 = arith.index_cast %mul3A_1588 : i32 to index
      %get3A_1590 = tpu.vector_load %arg7[%get3A_1589] {strides = array<i32>} : memref<512xi32, #tpu.memory_space<vmem>>, vector<16xi32>,
      %and3A_1591 = arith.constant 15 : i32
      %and3A_1592 = arith.andi %add3A_1560, %and3A_1591 : i32
      %eq3A_1593 = vector.broadcast %and3A_1592 : i32 to vector<16xi32>
      %eq3A_1594 = arith.cmpi eq, %iota3A, %eq3A_1593 : vector<16xi32>
      %jit3A_1595 = arith.constant 0 : i32
      %broadcast_in_dim3A_1596 = vector.broadcast %jit3A_1595 : i32 to vector<16xi32>
      %select_n3A_1597 = arith.select %eq3A_1594, %get3A_1590, %broadcast_in_dim3A_1596 : vector<16xi1>, vector<16xi32>
      %reduce_sum3A_1598 = arith.constant true
      %reduce_sum3A_1599 = vector.broadcast %reduce_sum3A_1598 : i1 to vector<16xi1>
      %reduce_sum3A_1600 = tpu.scan <sum>, %select_n3A_1597 masked %reduce_sum3A_1599 : vector<16xi32>, vector<16xi1> -> vector<16xi32>
      %reduce_sum3A_1601 = vector.extract %reduce_sum3A_1600[15] : i32 from vector<16xi32>
      %and3A_1602 = arith.constant 127 : i32
      %and3A_1603 = arith.andi %reduce_sum3A_1601, %and3A_1602 : i32
      %broadcast_in_dim3A_1604 = vector.broadcast %and3A_1603 : i32 to vector<16xi32>
      %jit3A_1605 = arith.constant 16 : i32
      %div3A_1606 = arith.divsi %add3A_1560, %jit3A_1605 : i32
      %sign3A_1607 = arith.constant 0 : i32
      %sign3A_1608 = arith.cmpi sgt, %add3A_1560, %sign3A_1607 : i32
      %sign3A_1609 = arith.extui %sign3A_1608 : i1 to i32
      %sign3A_1610 = arith.constant 0 : i32
      %sign3A_1611 = arith.cmpi slt, %add3A_1560, %sign3A_1610 : i32
      %sign3A_1612 = arith.extui %sign3A_1611 : i1 to i32
      %sign3A_1613 = arith.subi %sign3A_1609, %sign3A_1612 : i32
      %sign3A_1614 = arith.constant 0 : i32
      %sign3A_1615 = arith.cmpi sgt, %jit3A_1605, %sign3A_1614 : i32
      %sign3A_1616 = arith.extui %sign3A_1615 : i1 to i32
      %sign3A_1617 = arith.constant 0 : i32
      %sign3A_1618 = arith.cmpi slt, %jit3A_1605, %sign3A_1617 : i32
      %sign3A_1619 = arith.extui %sign3A_1618 : i1 to i32
      %sign3A_1620 = arith.subi %sign3A_1616, %sign3A_1619 : i32
      %ne3A_1621 = arith.cmpi ne, %sign3A_1613, %sign3A_1620 : i32
      %rem3A_1622 = arith.remsi %add3A_1560, %jit3A_1605 : i32
      %ne3A_1623 = arith.constant 0 : i32
      %ne3A_1624 = arith.cmpi ne, %rem3A_1622, %ne3A_1623 : i32
      %and3A_1625 = arith.andi %ne3A_1621, %ne3A_1624 : i1
      %sub3A_1626 = arith.constant 1 : i32
      %sub3A_1627 = arith.subi %div3A_1606, %sub3A_1626 : i32
      %select_n3A_1628 = arith.select %and3A_1625, %sub3A_1627, %div3A_1606 : i32
      %mul3A_1629 = arith.constant 16 : i32
      %mul3A_1630 = arith.muli %select_n3A_1628, %mul3A_1629 : i32
      %get3A_1631 = arith.index_cast %mul3A_1630 : i32 to index
      %get3A_1632 = tpu.vector_load %arg8[%get3A_1631] {strides = array<i32>} : memref<512xi32, #tpu.memory_space<vmem>>, vector<16xi32>,
      %and3A_1633 = arith.constant 15 : i32
      %and3A_1634 = arith.andi %add3A_1560, %and3A_1633 : i32
      %eq3A_1635 = vector.broadcast %and3A_1634 : i32 to vector<16xi32>
      %eq3A_1636 = arith.cmpi eq, %iota3A, %eq3A_1635 : vector<16xi32>
      %jit3A_1637 = arith.constant 0 : i32
      %broadcast_in_dim3A_1638 = vector.broadcast %jit3A_1637 : i32 to vector<16xi32>
      %select_n3A_1639 = arith.select %eq3A_1636, %get3A_1632, %broadcast_in_dim3A_1638 : vector<16xi1>, vector<16xi32>
      %reduce_sum3A_1640 = arith.constant true
      %reduce_sum3A_1641 = vector.broadcast %reduce_sum3A_1640 : i1 to vector<16xi1>
      %reduce_sum3A_1642 = tpu.scan <sum>, %select_n3A_1639 masked %reduce_sum3A_1641 : vector<16xi32>, vector<16xi1> -> vector<16xi32>
      %reduce_sum3A_1643 = vector.extract %reduce_sum3A_1642[15] : i32 from vector<16xi32>
      %and3A_1644 = arith.constant 127 : i32
      %and3A_1645 = arith.andi %reduce_sum3A_1643, %and3A_1644 : i32
      %broadcast_in_dim3A_1646 = vector.broadcast %and3A_1645 : i32 to vector<16xi32>
      %gather3A_1647 = tpu.vector_load_idx %arg9[%broadcast_in_dim3A_1443, %broadcast_in_dim3A_1562, %iota3A_1, %broadcast_in_dim3A_1604] : memref<2x4x32x128xf32, #tpu.memory_space<vmem>>[vector<16xi32>, vector<16xi32>, vector<16xi32>, vector<16xi32>], vector<16xf32>,
      %add3A_1648 = arith.constant 16 : i32
      %add3A_1649 = vector.broadcast %add3A_1648 : i32 to vector<16xi32>
      %add3A_1650 = arith.addi %iota3A_1, %add3A_1649 : vector<16xi32>
      %gather3A_1651 = tpu.vector_load_idx %arg9[%broadcast_in_dim3A_1443, %broadcast_in_dim3A_1562, %add3A_1650, %broadcast_in_dim3A_1604] : memref<2x4x32x128xf32, #tpu.memory_space<vmem>>[vector<16xi32>, vector<16xi32>, vector<16xi32>, vector<16xi32>], vector<16xf32>,
      %gather3A_1652 = tpu.vector_load_idx %arg10[%broadcast_in_dim3A_1443, %broadcast_in_dim3A_1562, %iota3A_1, %broadcast_in_dim3A_1646] : memref<2x4x32x128xf32, #tpu.memory_space<vmem>>[vector<16xi32>, vector<16xi32>, vector<16xi32>, vector<16xi32>], vector<16xf32>,
      %add3A_1653 = arith.constant 16 : i32
      %add3A_1654 = vector.broadcast %add3A_1653 : i32 to vector<16xi32>
      %add3A_1655 = arith.addi %iota3A_1, %add3A_1654 : vector<16xi32>
      %gather3A_1656 = tpu.vector_load_idx %arg10[%broadcast_in_dim3A_1443, %broadcast_in_dim3A_1562, %add3A_1655, %broadcast_in_dim3A_1646] : memref<2x4x32x128xf32, #tpu.memory_space<vmem>>[vector<16xi32>, vector<16xi32>, vector<16xi32>, vector<16xi32>], vector<16xf32>,
      %mul3A_1657 = arith.mulf %gather3A_1647, %gather3A_1652 : vector<16xf32>
      %mul3A_1658 = arith.mulf %gather3A_1651, %gather3A_1656 : vector<16xf32>
      %add3A_1659 = arith.addf %mul3A_1657, %mul3A_1658 : vector<16xf32>
      %reduce_sum3A_1660 = arith.constant true
      %reduce_sum3A_1661 = vector.broadcast %reduce_sum3A_1660 : i1 to vector<16xi1>
      %reduce_sum3A_1662 = tpu.scan <sum>, %add3A_1659 masked %reduce_sum3A_1661 : vector<16xf32>, vector<16xi1> -> vector<16xf32>
      %reduce_sum3A_1663 = vector.extract %reduce_sum3A_1662[15] : f32 from vector<16xf32>
      %and3A_1664 = arith.constant 15 : i32
      %and3A_1665 = arith.andi %add3A_1560, %and3A_1664 : i32
      %eq3A_1666 = vector.broadcast %and3A_1665 : i32 to vector<16xi32>
      %eq3A_1667 = arith.cmpi eq, %iota3A_1, %eq3A_1666 : vector<16xi32>
      %broadcast_in_dim3A_1668 = vector.broadcast %reduce_sum3A_1663 : f32 to vector<16xf32>
      %select_n3A_1669 = arith.select %eq3A_1667, %broadcast_in_dim3A_1668, %select_n3A_1556 : vector<16xi1>, vector<16xf32>
      %mul3A_1670 = arith.constant 4 : i32
      %mul3A_1671 = arith.muli %add3A_1441, %mul3A_1670 : i32
      %add3A_1672 = arith.constant 2 : i32
      %add3A_1673 = arith.addi %mul3A_1671, %add3A_1672 : i32
      %broadcast_in_dim3A_1674 = arith.constant 2 : i32
      %broadcast_in_dim3A_1675 = vector.broadcast %broadcast_in_dim3A_1674 : i32 to vector<16xi32>
      %jit3A_1676 = arith.constant 16 : i32
      %div3A_1677 = arith.divsi %add3A_1673, %jit3A_1676 : i32
      %sign3A_1678 = arith.constant 0 : i32
      %sign3A_1679 = arith.cmpi sgt, %add3A_1673, %sign3A_1678 : i32
      %sign3A_1680 = arith.extui %sign3A_1679 : i1 to i32
      %sign3A_1681 = arith.constant 0 : i32
      %sign3A_1682 = arith.cmpi slt, %add3A_1673, %sign3A_1681 : i32
      %sign3A_1683 = arith.extui %sign3A_1682 : i1 to i32
      %sign3A_1684 = arith.subi %sign3A_1680, %sign3A_1683 : i32
      %sign3A_1685 = arith.constant 0 : i32
      %sign3A_1686 = arith.cmpi sgt, %jit3A_1676, %sign3A_1685 : i32
      %sign3A_1687 = arith.extui %sign3A_1686 : i1 to i32
      %sign3A_1688 = arith.constant 0 : i32
      %sign3A_1689 = arith.cmpi slt, %jit3A_1676, %sign3A_1688 : i32
      %sign3A_1690 = arith.extui %sign3A_1689 : i1 to i32
      %sign3A_1691 = arith.subi %sign3A_1687, %sign3A_1690 : i32
      %ne3A_1692 = arith.cmpi ne, %sign3A_1684, %sign3A_1691 : i32
      %rem3A_1693 = arith.remsi %add3A_1673, %jit3A_1676 : i32
      %ne3A_1694 = arith.constant 0 : i32
      %ne3A_1695 = arith.cmpi ne, %rem3A_1693, %ne3A_1694 : i32
      %and3A_1696 = arith.andi %ne3A_1692, %ne3A_1695 : i1
      %sub3A_1697 = arith.constant 1 : i32
      %sub3A_1698 = arith.subi %div3A_1677, %sub3A_1697 : i32
      %select_n3A_1699 = arith.select %and3A_1696, %sub3A_1698, %div3A_1677 : i32
      %mul3A_1700 = arith.constant 16 : i32
      %mul3A_1701 = arith.muli %select_n3A_1699, %mul3A_1700 : i32
      %get3A_1702 = arith.index_cast %mul3A_1701 : i32 to index
      %get3A_1703 = tpu.vector_load %arg7[%get3A_1702] {strides = array<i32>} : memref<512xi32, #tpu.memory_space<vmem>>, vector<16xi32>,
      %and3A_1704 = arith.constant 15 : i32
      %and3A_1705 = arith.andi %add3A_1673, %and3A_1704 : i32
      %eq3A_1706 = vector.broadcast %and3A_1705 : i32 to vector<16xi32>
      %eq3A_1707 = arith.cmpi eq, %iota3A, %eq3A_1706 : vector<16xi32>
      %jit3A_1708 = arith.constant 0 : i32
      %broadcast_in_dim3A_1709 = vector.broadcast %jit3A_1708 : i32 to vector<16xi32>
      %select_n3A_1710 = arith.select %eq3A_1707, %get3A_1703, %broadcast_in_dim3A_1709 : vector<16xi1>, vector<16xi32>
      %reduce_sum3A_1711 = arith.constant true
      %reduce_sum3A_1712 = vector.broadcast %reduce_sum3A_1711 : i1 to vector<16xi1>
      %reduce_sum3A_1713 = tpu.scan <sum>, %select_n3A_1710 masked %reduce_sum3A_1712 : vector<16xi32>, vector<16xi1> -> vector<16xi32>
      %reduce_sum3A_1714 = vector.extract %reduce_sum3A_1713[15] : i32 from vector<16xi32>
      %and3A_1715 = arith.constant 127 : i32
      %and3A_1716 = arith.andi %reduce_sum3A_1714, %and3A_1715 : i32
      %broadcast_in_dim3A_1717 = vector.broadcast %and3A_1716 : i32 to vector<16xi32>
      %jit3A_1718 = arith.constant 16 : i32
      %div3A_1719 = arith.divsi %add3A_1673, %jit3A_1718 : i32
      %sign3A_1720 = arith.constant 0 : i32
      %sign3A_1721 = arith.cmpi sgt, %add3A_1673, %sign3A_1720 : i32
      %sign3A_1722 = arith.extui %sign3A_1721 : i1 to i32
      %sign3A_1723 = arith.constant 0 : i32
      %sign3A_1724 = arith.cmpi slt, %add3A_1673, %sign3A_1723 : i32
      %sign3A_1725 = arith.extui %sign3A_1724 : i1 to i32
      %sign3A_1726 = arith.subi %sign3A_1722, %sign3A_1725 : i32
      %sign3A_1727 = arith.constant 0 : i32
      %sign3A_1728 = arith.cmpi sgt, %jit3A_1718, %sign3A_1727 : i32
      %sign3A_1729 = arith.extui %sign3A_1728 : i1 to i32
      %sign3A_1730 = arith.constant 0 : i32
      %sign3A_1731 = arith.cmpi slt, %jit3A_1718, %sign3A_1730 : i32
      %sign3A_1732 = arith.extui %sign3A_1731 : i1 to i32
      %sign3A_1733 = arith.subi %sign3A_1729, %sign3A_1732 : i32
      %ne3A_1734 = arith.cmpi ne, %sign3A_1726, %sign3A_1733 : i32
      %rem3A_1735 = arith.remsi %add3A_1673, %jit3A_1718 : i32
      %ne3A_1736 = arith.constant 0 : i32
      %ne3A_1737 = arith.cmpi ne, %rem3A_1735, %ne3A_1736 : i32
      %and3A_1738 = arith.andi %ne3A_1734, %ne3A_1737 : i1
      %sub3A_1739 = arith.constant 1 : i32
      %sub3A_1740 = arith.subi %div3A_1719, %sub3A_1739 : i32
      %select_n3A_1741 = arith.select %and3A_1738, %sub3A_1740, %div3A_1719 : i32
      %mul3A_1742 = arith.constant 16 : i32
      %mul3A_1743 = arith.muli %select_n3A_1741, %mul3A_1742 : i32
      %get3A_1744 = arith.index_cast %mul3A_1743 : i32 to index
      %get3A_1745 = tpu.vector_load %arg8[%get3A_1744] {strides = array<i32>} : memref<512xi32, #tpu.memory_space<vmem>>, vector<16xi32>,
      %and3A_1746 = arith.constant 15 : i32
      %and3A_1747 = arith.andi %add3A_1673, %and3A_1746 : i32
      %eq3A_1748 = vector.broadcast %and3A_1747 : i32 to vector<16xi32>
      %eq3A_1749 = arith.cmpi eq, %iota3A, %eq3A_1748 : vector<16xi32>
      %jit3A_1750 = arith.constant 0 : i32
      %broadcast_in_dim3A_1751 = vector.broadcast %jit3A_1750 : i32 to vector<16xi32>
      %select_n3A_1752 = arith.select %eq3A_1749, %get3A_1745, %broadcast_in_dim3A_1751 : vector<16xi1>, vector<16xi32>
      %reduce_sum3A_1753 = arith.constant true
      %reduce_sum3A_1754 = vector.broadcast %reduce_sum3A_1753 : i1 to vector<16xi1>
      %reduce_sum3A_1755 = tpu.scan <sum>, %select_n3A_1752 masked %reduce_sum3A_1754 : vector<16xi32>, vector<16xi1> -> vector<16xi32>
      %reduce_sum3A_1756 = vector.extract %reduce_sum3A_1755[15] : i32 from vector<16xi32>
      %and3A_1757 = arith.constant 127 : i32
      %and3A_1758 = arith.andi %reduce_sum3A_1756, %and3A_1757 : i32
      %broadcast_in_dim3A_1759 = vector.broadcast %and3A_1758 : i32 to vector<16xi32>
      %gather3A_1760 = tpu.vector_load_idx %arg9[%broadcast_in_dim3A_1443, %broadcast_in_dim3A_1675, %iota3A_1, %broadcast_in_dim3A_1717] : memref<2x4x32x128xf32, #tpu.memory_space<vmem>>[vector<16xi32>, vector<16xi32>, vector<16xi32>, vector<16xi32>], vector<16xf32>,
      %add3A_1761 = arith.constant 16 : i32
      %add3A_1762 = vector.broadcast %add3A_1761 : i32 to vector<16xi32>
      %add3A_1763 = arith.addi %iota3A_1, %add3A_1762 : vector<16xi32>
      %gather3A_1764 = tpu.vector_load_idx %arg9[%broadcast_in_dim3A_1443, %broadcast_in_dim3A_1675, %add3A_1763, %broadcast_in_dim3A_1717] : memref<2x4x32x128xf32, #tpu.memory_space<vmem>>[vector<16xi32>, vector<16xi32>, vector<16xi32>, vector<16xi32>], vector<16xf32>,
      %gather3A_1765 = tpu.vector_load_idx %arg10[%broadcast_in_dim3A_1443, %broadcast_in_dim3A_1675, %iota3A_1, %broadcast_in_dim3A_1759] : memref<2x4x32x128xf32, #tpu.memory_space<vmem>>[vector<16xi32>, vector<16xi32>, vector<16xi32>, vector<16xi32>], vector<16xf32>,
      %add3A_1766 = arith.constant 16 : i32
      %add3A_1767 = vector.broadcast %add3A_1766 : i32 to vector<16xi32>
      %add3A_1768 = arith.addi %iota3A_1, %add3A_1767 : vector<16xi32>
      %gather3A_1769 = tpu.vector_load_idx %arg10[%broadcast_in_dim3A_1443, %broadcast_in_dim3A_1675, %add3A_1768, %broadcast_in_dim3A_1759] : memref<2x4x32x128xf32, #tpu.memory_space<vmem>>[vector<16xi32>, vector<16xi32>, vector<16xi32>, vector<16xi32>], vector<16xf32>,
      %mul3A_1770 = arith.mulf %gather3A_1760, %gather3A_1765 : vector<16xf32>
      %mul3A_1771 = arith.mulf %gather3A_1764, %gather3A_1769 : vector<16xf32>
      %add3A_1772 = arith.addf %mul3A_1770, %mul3A_1771 : vector<16xf32>
      %reduce_sum3A_1773 = arith.constant true
      %reduce_sum3A_1774 = vector.broadcast %reduce_sum3A_1773 : i1 to vector<16xi1>
      %reduce_sum3A_1775 = tpu.scan <sum>, %add3A_1772 masked %reduce_sum3A_1774 : vector<16xf32>, vector<16xi1> -> vector<16xf32>
      %reduce_sum3A_1776 = vector.extract %reduce_sum3A_1775[15] : f32 from vector<16xf32>
      %and3A_1777 = arith.constant 15 : i32
      %and3A_1778 = arith.andi %add3A_1673, %and3A_1777 : i32
      %eq3A_1779 = vector.broadcast %and3A_1778 : i32 to vector<16xi32>
      %eq3A_1780 = arith.cmpi eq, %iota3A_1, %eq3A_1779 : vector<16xi32>
      %broadcast_in_dim3A_1781 = vector.broadcast %reduce_sum3A_1776 : f32 to vector<16xf32>
      %select_n3A_1782 = arith.select %eq3A_1780, %broadcast_in_dim3A_1781, %select_n3A_1669 : vector<16xi1>, vector<16xf32>
      %mul3A_1783 = arith.constant 4 : i32
      %mul3A_1784 = arith.muli %add3A_1441, %mul3A_1783 : i32
      %add3A_1785 = arith.constant 3 : i32
      %add3A_1786 = arith.addi %mul3A_1784, %add3A_1785 : i32
      %broadcast_in_dim3A_1787 = arith.constant 3 : i32
      %broadcast_in_dim3A_1788 = vector.broadcast %broadcast_in_dim3A_1787 : i32 to vector<16xi32>
      %jit3A_1789 = arith.constant 16 : i32
      %div3A_1790 = arith.divsi %add3A_1786, %jit3A_1789 : i32
      %sign3A_1791 = arith.constant 0 : i32
      %sign3A_1792 = arith.cmpi sgt, %add3A_1786, %sign3A_1791 : i32
      %sign3A_1793 = arith.extui %sign3A_1792 : i1 to i32
      %sign3A_1794 = arith.constant 0 : i32
      %sign3A_1795 = arith.cmpi slt, %add3A_1786, %sign3A_1794 : i32
      %sign3A_1796 = arith.extui %sign3A_1795 : i1 to i32
      %sign3A_1797 = arith.subi %sign3A_1793, %sign3A_1796 : i32
      %sign3A_1798 = arith.constant 0 : i32
      %sign3A_1799 = arith.cmpi sgt, %jit3A_1789, %sign3A_1798 : i32
      %sign3A_1800 = arith.extui %sign3A_1799 : i1 to i32
      %sign3A_1801 = arith.constant 0 : i32
      %sign3A_1802 = arith.cmpi slt, %jit3A_1789, %sign3A_1801 : i32
      %sign3A_1803 = arith.extui %sign3A_1802 : i1 to i32
      %sign3A_1804 = arith.subi %sign3A_1800, %sign3A_1803 : i32
      %ne3A_1805 = arith.cmpi ne, %sign3A_1797, %sign3A_1804 : i32
      %rem3A_1806 = arith.remsi %add3A_1786, %jit3A_1789 : i32
      %ne3A_1807 = arith.constant 0 : i32
      %ne3A_1808 = arith.cmpi ne, %rem3A_1806, %ne3A_1807 : i32
      %and3A_1809 = arith.andi %ne3A_1805, %ne3A_1808 : i1
      %sub3A_1810 = arith.constant 1 : i32
      %sub3A_1811 = arith.subi %div3A_1790, %sub3A_1810 : i32
      %select_n3A_1812 = arith.select %and3A_1809, %sub3A_1811, %div3A_1790 : i32
      %mul3A_1813 = arith.constant 16 : i32
      %mul3A_1814 = arith.muli %select_n3A_1812, %mul3A_1813 : i32
      %get3A_1815 = arith.index_cast %mul3A_1814 : i32 to index
      %get3A_1816 = tpu.vector_load %arg7[%get3A_1815] {strides = array<i32>} : memref<512xi32, #tpu.memory_space<vmem>>, vector<16xi32>,
      %and3A_1817 = arith.constant 15 : i32
      %and3A_1818 = arith.andi %add3A_1786, %and3A_1817 : i32
      %eq3A_1819 = vector.broadcast %and3A_1818 : i32 to vector<16xi32>
      %eq3A_1820 = arith.cmpi eq, %iota3A, %eq3A_1819 : vector<16xi32>
      %jit3A_1821 = arith.constant 0 : i32
      %broadcast_in_dim3A_1822 = vector.broadcast %jit3A_1821 : i32 to vector<16xi32>
      %select_n3A_1823 = arith.select %eq3A_1820, %get3A_1816, %broadcast_in_dim3A_1822 : vector<16xi1>, vector<16xi32>
      %reduce_sum3A_1824 = arith.constant true
      %reduce_sum3A_1825 = vector.broadcast %reduce_sum3A_1824 : i1 to vector<16xi1>
      %reduce_sum3A_1826 = tpu.scan <sum>, %select_n3A_1823 masked %reduce_sum3A_1825 : vector<16xi32>, vector<16xi1> -> vector<16xi32>
      %reduce_sum3A_1827 = vector.extract %reduce_sum3A_1826[15] : i32 from vector<16xi32>
      %and3A_1828 = arith.constant 127 : i32
      %and3A_1829 = arith.andi %reduce_sum3A_1827, %and3A_1828 : i32
      %broadcast_in_dim3A_1830 = vector.broadcast %and3A_1829 : i32 to vector<16xi32>
      %jit3A_1831 = arith.constant 16 : i32
      %div3A_1832 = arith.divsi %add3A_1786, %jit3A_1831 : i32
      %sign3A_1833 = arith.constant 0 : i32
      %sign3A_1834 = arith.cmpi sgt, %add3A_1786, %sign3A_1833 : i32
      %sign3A_1835 = arith.extui %sign3A_1834 : i1 to i32
      %sign3A_1836 = arith.constant 0 : i32
      %sign3A_1837 = arith.cmpi slt, %add3A_1786, %sign3A_1836 : i32
      %sign3A_1838 = arith.extui %sign3A_1837 : i1 to i32
      %sign3A_1839 = arith.subi %sign3A_1835, %sign3A_1838 : i32
      %sign3A_1840 = arith.constant 0 : i32
      %sign3A_1841 = arith.cmpi sgt, %jit3A_1831, %sign3A_1840 : i32
      %sign3A_1842 = arith.extui %sign3A_1841 : i1 to i32
      %sign3A_1843 = arith.constant 0 : i32
      %sign3A_1844 = arith.cmpi slt, %jit3A_1831, %sign3A_1843 : i32
      %sign3A_1845 = arith.extui %sign3A_1844 : i1 to i32
      %sign3A_1846 = arith.subi %sign3A_1842, %sign3A_1845 : i32
      %ne3A_1847 = arith.cmpi ne, %sign3A_1839, %sign3A_1846 : i32
      %rem3A_1848 = arith.remsi %add3A_1786, %jit3A_1831 : i32
      %ne3A_1849 = arith.constant 0 : i32
      %ne3A_1850 = arith.cmpi ne, %rem3A_1848, %ne3A_1849 : i32
      %and3A_1851 = arith.andi %ne3A_1847, %ne3A_1850 : i1
      %sub3A_1852 = arith.constant 1 : i32
      %sub3A_1853 = arith.subi %div3A_1832, %sub3A_1852 : i32
      %select_n3A_1854 = arith.select %and3A_1851, %sub3A_1853, %div3A_1832 : i32
      %mul3A_1855 = arith.constant 16 : i32
      %mul3A_1856 = arith.muli %select_n3A_1854, %mul3A_1855 : i32
      %get3A_1857 = arith.index_cast %mul3A_1856 : i32 to index
      %get3A_1858 = tpu.vector_load %arg8[%get3A_1857] {strides = array<i32>} : memref<512xi32, #tpu.memory_space<vmem>>, vector<16xi32>,
      %and3A_1859 = arith.constant 15 : i32
      %and3A_1860 = arith.andi %add3A_1786, %and3A_1859 : i32
      %eq3A_1861 = vector.broadcast %and3A_1860 : i32 to vector<16xi32>
      %eq3A_1862 = arith.cmpi eq, %iota3A, %eq3A_1861 : vector<16xi32>
      %jit3A_1863 = arith.constant 0 : i32
      %broadcast_in_dim3A_1864 = vector.broadcast %jit3A_1863 : i32 to vector<16xi32>
      %select_n3A_1865 = arith.select %eq3A_1862, %get3A_1858, %broadcast_in_dim3A_1864 : vector<16xi1>, vector<16xi32>
      %reduce_sum3A_1866 = arith.constant true
      %reduce_sum3A_1867 = vector.broadcast %reduce_sum3A_1866 : i1 to vector<16xi1>
      %reduce_sum3A_1868 = tpu.scan <sum>, %select_n3A_1865 masked %reduce_sum3A_1867 : vector<16xi32>, vector<16xi1> -> vector<16xi32>
      %reduce_sum3A_1869 = vector.extract %reduce_sum3A_1868[15] : i32 from vector<16xi32>
      %and3A_1870 = arith.constant 127 : i32
      %and3A_1871 = arith.andi %reduce_sum3A_1869, %and3A_1870 : i32
      %broadcast_in_dim3A_1872 = vector.broadcast %and3A_1871 : i32 to vector<16xi32>
      %gather3A_1873 = tpu.vector_load_idx %arg9[%broadcast_in_dim3A_1443, %broadcast_in_dim3A_1788, %iota3A_1, %broadcast_in_dim3A_1830] : memref<2x4x32x128xf32, #tpu.memory_space<vmem>>[vector<16xi32>, vector<16xi32>, vector<16xi32>, vector<16xi32>], vector<16xf32>,
      %add3A_1874 = arith.constant 16 : i32
      %add3A_1875 = vector.broadcast %add3A_1874 : i32 to vector<16xi32>
      %add3A_1876 = arith.addi %iota3A_1, %add3A_1875 : vector<16xi32>
      %gather3A_1877 = tpu.vector_load_idx %arg9[%broadcast_in_dim3A_1443, %broadcast_in_dim3A_1788, %add3A_1876, %broadcast_in_dim3A_1830] : memref<2x4x32x128xf32, #tpu.memory_space<vmem>>[vector<16xi32>, vector<16xi32>, vector<16xi32>, vector<16xi32>], vector<16xf32>,
      %gather3A_1878 = tpu.vector_load_idx %arg10[%broadcast_in_dim3A_1443, %broadcast_in_dim3A_1788, %iota3A_1, %broadcast_in_dim3A_1872] : memref<2x4x32x128xf32, #tpu.memory_space<vmem>>[vector<16xi32>, vector<16xi32>, vector<16xi32>, vector<16xi32>], vector<16xf32>,
      %add3A_1879 = arith.constant 16 : i32
      %add3A_1880 = vector.broadcast %add3A_1879 : i32 to vector<16xi32>
      %add3A_1881 = arith.addi %iota3A_1, %add3A_1880 : vector<16xi32>
      %gather3A_1882 = tpu.vector_load_idx %arg10[%broadcast_in_dim3A_1443, %broadcast_in_dim3A_1788, %add3A_1881, %broadcast_in_dim3A_1872] : memref<2x4x32x128xf32, #tpu.memory_space<vmem>>[vector<16xi32>, vector<16xi32>, vector<16xi32>, vector<16xi32>], vector<16xf32>,
      %mul3A_1883 = arith.mulf %gather3A_1873, %gather3A_1878 : vector<16xf32>
      %mul3A_1884 = arith.mulf %gather3A_1877, %gather3A_1882 : vector<16xf32>
      %add3A_1885 = arith.addf %mul3A_1883, %mul3A_1884 : vector<16xf32>
      %reduce_sum3A_1886 = arith.constant true
      %reduce_sum3A_1887 = vector.broadcast %reduce_sum3A_1886 : i1 to vector<16xi1>
      %reduce_sum3A_1888 = tpu.scan <sum>, %add3A_1885 masked %reduce_sum3A_1887 : vector<16xf32>, vector<16xi1> -> vector<16xf32>
      %reduce_sum3A_1889 = vector.extract %reduce_sum3A_1888[15] : f32 from vector<16xf32>
      %and3A_1890 = arith.constant 15 : i32
      %and3A_1891 = arith.andi %add3A_1786, %and3A_1890 : i32
      %eq3A_1892 = vector.broadcast %and3A_1891 : i32 to vector<16xi32>
      %eq3A_1893 = arith.cmpi eq, %iota3A_1, %eq3A_1892 : vector<16xi32>
      %broadcast_in_dim3A_1894 = vector.broadcast %reduce_sum3A_1889 : f32 to vector<16xf32>
      %select_n3A_1895 = arith.select %eq3A_1893, %broadcast_in_dim3A_1894, %select_n3A_1782 : vector<16xi1>, vector<16xf32>
      %jit3A_1896 = arith.constant 2 : i32
      %eq3A_1897 = arith.constant 0 : i32
      %eq3A_1898 = arith.cmpi eq, %jit3A_1896, %eq3A_1897 : i32
      %jit3A_1899 = arith.constant 1 : i32
      %select_n3A_1900 = arith.select %eq3A_1898, %jit3A_1899, %jit3A_1896 : i32
      %rem3A_1901 = arith.remsi %scan3A_248, %select_n3A_1900 : i32
      %ne3A_1902 = arith.constant 0 : i32
      %ne3A_1903 = arith.cmpi ne, %rem3A_1901, %ne3A_1902 : i32
      %lt3A_1904 = arith.constant 0 : i32
      %lt3A_1905 = arith.cmpi slt, %rem3A_1901, %lt3A_1904 : i32
      %lt3A_1906 = arith.constant 0 : i32
      %lt3A_1907 = arith.cmpi slt, %select_n3A_1900, %lt3A_1906 : i32
      %ne3A_1908 = arith.xori %lt3A_1905, %lt3A_1907 : i1
      %and3A_1909 = arith.andi %ne3A_1908, %ne3A_1903 : i1
      %add3A_1910 = arith.addi %rem3A_1901, %select_n3A_1900 : i32
      %select_n3A_1911 = arith.select %and3A_1909, %add3A_1910, %rem3A_1901 : i32
      %eq3A_1912 = arith.constant 1 : i32
      %eq3A_1913 = arith.cmpi eq, %select_n3A_1911, %eq3A_1912 : i32
      %convert_element_type3A_1914 = arith.extui %eq3A_1913 : i1 to i32
      %cond3A_1915 = arith.constant 0 : i32
      %cond3A_1916 = arith.cmpi ne, %convert_element_type3A_1914, %cond3A_1915 : i32
      scf.if %cond3A_1916 {
        %jit3A_1917 = arith.constant 2 : i32
        %div3A_1918 = arith.divsi %scan3A_248, %jit3A_1917 : i32
        %sign3A_1919 = arith.constant 0 : i32
        %sign3A_1920 = arith.cmpi sgt, %scan3A_248, %sign3A_1919 : i32
        %sign3A_1921 = arith.extui %sign3A_1920 : i1 to i32
        %sign3A_1922 = arith.constant 0 : i32
        %sign3A_1923 = arith.cmpi slt, %scan3A_248, %sign3A_1922 : i32
        %sign3A_1924 = arith.extui %sign3A_1923 : i1 to i32
        %sign3A_1925 = arith.subi %sign3A_1921, %sign3A_1924 : i32
        %sign3A_1926 = arith.constant 0 : i32
        %sign3A_1927 = arith.cmpi sgt, %jit3A_1917, %sign3A_1926 : i32
        %sign3A_1928 = arith.extui %sign3A_1927 : i1 to i32
        %sign3A_1929 = arith.constant 0 : i32
        %sign3A_1930 = arith.cmpi slt, %jit3A_1917, %sign3A_1929 : i32
        %sign3A_1931 = arith.extui %sign3A_1930 : i1 to i32
        %sign3A_1932 = arith.subi %sign3A_1928, %sign3A_1931 : i32
        %ne3A_1933 = arith.cmpi ne, %sign3A_1925, %sign3A_1932 : i32
        %rem3A_1934 = arith.remsi %scan3A_248, %jit3A_1917 : i32
        %ne3A_1935 = arith.constant 0 : i32
        %ne3A_1936 = arith.cmpi ne, %rem3A_1934, %ne3A_1935 : i32
        %and3A_1937 = arith.andi %ne3A_1933, %ne3A_1936 : i1
        %sub3A_1938 = arith.constant 1 : i32
        %sub3A_1939 = arith.subi %div3A_1918, %sub3A_1938 : i32
        %select_n3A_1940 = arith.select %and3A_1937, %sub3A_1939, %div3A_1918 : i32
        %mul3A_1941 = arith.constant 16 : i32
        %mul3A_1942 = arith.muli %select_n3A_1940, %mul3A_1941 : i32
        %swap3A = arith.index_cast %mul3A_1942 : i32 to index
        %swap3A_1943 = tpu.vector_load %arg11[%swap3A] {strides = array<i32>} : memref<512xf32, #tpu.memory_space<vmem>>, vector<16xf32>,
        tpu.vector_store %arg11[%swap3A], %select_n3A_1895 {strides = array<i32>} : memref<512xf32, #tpu.memory_space<vmem>>, vector<16xf32>,
      } else {
      }
      scf.yield %select_n3A_1895 : vector<16xf32>
    }
    %scan3A_247 = arith.constant 64 : i32
    "tpu.region"() ({
      %run_scoped3A = tpu.sem_alloc : memref<!tpu.dma_semaphore, #tpu.memory_space<semaphore_mem>>
      %dma_start3A_248 = arith.constant 0 : i32
      %dma_start3A_249 = tpu.memref_slice %arg6[%add3A, %dma_start3A_248] : memref<32x512xf32, #tpu.memory_space<hbm>> -> memref<1x512xf32, #tpu.memory_space<hbm>>
      %dma_start3A_250 = tpu.memref_squeeze %dma_start3A_249 : memref<1x512xf32, #tpu.memory_space<hbm>> -> memref<512xf32, #tpu.memory_space<hbm>>
      %dma_start3A_251 = arith.constant 0 : i32
      %dma_start3A_252 = tpu.memref_slice %arg6[%add3A, %dma_start3A_251] : memref<32x512xf32, #tpu.memory_space<hbm>> -> memref<1x512xf32, #tpu.memory_space<hbm>>
      %dma_start3A_253 = tpu.memref_squeeze %dma_start3A_252 : memref<1x512xf32, #tpu.memory_space<hbm>> -> memref<512xf32, #tpu.memory_space<hbm>>
      tpu.enqueue_dma source(%arg11 : memref<512xf32, #tpu.memory_space<vmem>>) target(%dma_start3A_253 : memref<512xf32, #tpu.memory_space<hbm>>) target_semaphore(%run_scoped3A : memref<!tpu.dma_semaphore, #tpu.memory_space<semaphore_mem>>)
      %dma_wait3A = arith.constant 0 : i32
      %dma_wait3A_254 = tpu.memref_slice %arg6[%add3A, %dma_wait3A] : memref<32x512xf32, #tpu.memory_space<hbm>> -> memref<1x512xf32, #tpu.memory_space<hbm>>
      %dma_wait3A_255 = tpu.memref_squeeze %dma_wait3A_254 : memref<1x512xf32, #tpu.memory_space<hbm>> -> memref<512xf32, #tpu.memory_space<hbm>>
      %dma_wait3A_256 = arith.constant 0 : i32
      %dma_wait3A_257 = tpu.memref_slice %arg6[%add3A, %dma_wait3A_256] : memref<32x512xf32, #tpu.memory_space<hbm>> -> memref<1x512xf32, #tpu.memory_space<hbm>>
      %dma_wait3A_258 = tpu.memref_squeeze %dma_wait3A_257 : memref<1x512xf32, #tpu.memory_space<hbm>> -> memref<512xf32, #tpu.memory_space<hbm>>
      tpu.wait_dma2 semaphore(%run_scoped3A : memref<!tpu.dma_semaphore, #tpu.memory_space<semaphore_mem>>) src(%arg11 : memref<512xf32, #tpu.memory_space<vmem>>) dst(%dma_wait3A_258 : memref<512xf32, #tpu.memory_space<hbm>>)
      tpu.yield
    }) : () -> ()
    return
  }
}

</mosaic_0001>

<sc_bundles>
// kernel: _sc_call.3.cloned.1.call-start
scs
__scs_entry_jumppad:
0x0: {  	(pc) =	sbr.rel $0x88, $3  }
0x1: {  	(tag) =	ssettag $0x0;
	lr =	simm.s32 $0x1  }
0x2: {  	[smem:$0x3F9D] =	sst lr;
	_ =	strace $0xD0000000  }
0x3: {  	_ = 	snop  }
0x4: {  	_ = 	snop  }
0x5: {  	_ = 	snop  }
0x6: {  	_ = 	snop  }
0x7: {  	_ = 	snop  }
__scs_overlays_trampoline_lowered:
0x8: {  	[smem:$0x3FAC] =	sst s0  }
0x9: {  	[smem:$0x3FAD] =	sst s1  }
0xa: {  	[smem:$0x3FAE] =	sst s2  }
0xb: {  	[smem:$0x3FAF] =	sst s3  }
0xc: {  	[smem:$0x3FB0] =	sst s4  }
0xd: {  	[smem:$0x3FB1] =	sst s5  }
0xe: {  	[smem:$0x3FB2] =	sst s6  }
0xf: {  	[smem:$0x3FB3] =	sst s7  }
0x10: {  	[smem:$0x3FB4] =	sst s8  }
0x11: {  	[smem:$0x3FB5] =	sst s9;
	s0 =	simm.s32 @!p0 $0x0  }
0x12: {  	s1 =	sld [smem:$0x3F9B];
	s0 =	simm.s32 @p0 $0x1  }
0x13: {  	[smem:$0x3FB6] =	sst s0;
	s0 =	simm.s32 @!p1 $0x0  }
0x14: {  	s2 =	sld [smem:$0x3F9A];
	s0 =	simm.s32 @p1 $0x1  }
0x15: {  	[smem:$0x3FB7] =	sst s0;
	s0 =	simm.s32 @!p2 $0x0  }
0x16: {  	s3 =	sld [smem:$0x3FDB];
	s0 =	simm.s32 @p2 $0x1  }
0x17: {  	s4 =	simm.s32 $0x1BF5;
	[smem:$0x3FB9] =	sst s0  }
0x18: {  	s0 =	sld [smem:$0x3F9C];
	_ =	swait.ge [sflag:s4], $0x0  }
0x19: {  	s7 =	sld [smem:$0x3F9D]  }
0x1a: {  	s8 =	sadd.s32 $0xFFFFE003, lr  }
0x1b: {  	s9 =	sadd.s32 $0xFFFFFEF7, lr;
	s5 =	simm.s32 $0xFFFFFFFF;
	p2 =	slt.u32 s8, $0xFFFFF086  }
0x1c: {  	p1 =	slt.u32 s9, $0xF7A;
	s5 =	simm.s32 @!p2 $0x0  }
0x1d: {  	s5 =	simm.s32 @p1 $0x1;
	p0 =	seq.s32 s7, s2  }
0x1e: {  	s7 =	smul.u32 @!p0 $0xF7A, s2;
	p2 =	seq.s32 @!p0 s5, $0x0  }
0x1f: {  	s9 =	smul.u32 $0xF7A, s1;
	s8 =	simm.s32 @!p0 $0x1BF5;
	p2 =	por !p2, p0  }
0x20: {  	[sflag:s8] =	ssyncset.s32 @!p0 $0xFFFFF086;
	s6 =	sadd.s32 @!p0 s3, s7;
	s7 =	simm.s32 @!p0 $0x108  }
0x21: {  	s3 =	sadd.s32 s3, s9;
	s6 =	sadd.s32 @!p0 $0x88, s6;
	s7 =	simm.s32 @p2 $0x1082  }
0x22: {  	[simem:s7], [sflag:s8] =	dma.local @!p0 [hbm:s6], $0xF7A  }
0x23: {  	s9 =	sor.u32 $0xD0000000, s2;
	s6 =	simm.s32 $0x108;
	_ =	swait.ge @!p0 [sflag:s8], $0x0  }
0x24: {  	s3 =	sadd.s32 $0x88, s3;
	s6 =	simm.s32 @!p1 $0x1082;
	[sflag:s4] =	ssyncset.s32 $0xFFFFF086  }
0x25: {  	[simem:s6], [sflag:s4] =	dma.local [hbm:s3], $0xF7A  }
0x26: {  	[smem:$0x3F9D] =	sst s1;
	(tag) =	ssettag s2;
	_ =	strace s9  }
0x27: {  	s1 =	sld [smem:$0x3FAD]  }
0x28: {  	s2 =	sld [smem:$0x3FAE]  }
0x29: {  	s4 =	sld [smem:$0x3FB0]  }
0x2a: {  	p0 =	seq.s32 s5, $0x0;
	s5 =	sld [smem:$0x3FB1]  }
0x2b: {  	s6 =	sld [smem:$0x3FB2]  }
0x2c: {  	s7 =	sld [smem:$0x3FB3]  }
0x2d: {  	s3 =	simm.s32 $0x108;
	s8 =	sld [smem:$0x3FB4]  }
0x2e: {  	s3 =	simm.s32 @!p0 $0x1082;
	s9 =	sld [smem:$0x3FB5]  }
0x2f: {  	lr =	sadd.s32 s0, s3;
	s0 =	sld [smem:$0x3FAC]  }
0x30: {  	s3 =	sld [smem:$0x3FAF]  }
0x31: {  	[smem:$0x3FB8] =	sst s10  }
0x32: {  	s10 =	sld [smem:$0x3FB6];
	_ =	sdelay $0x3  }
0x33: {  	p0 =	seq.s32 s10, $0x1;
	s10 =	sld [smem:$0x3FB8];
	_ =	sdelay $0x3  }
0x34: {  	[smem:$0x3FB8] =	sst s10  }
0x35: {  	s10 =	sld [smem:$0x3FB7];
	_ =	sdelay $0x3  }
0x36: {  	p1 =	seq.s32 s10, $0x1;
	s10 =	sld [smem:$0x3FB8];
	_ =	sdelay $0x3  }
0x37: {  	[smem:$0x3FB8] =	sst s10  }
0x38: {  	s10 =	sld [smem:$0x3FB9]  }
0x39: {  	_ = 	snop;
	(pc) =	sbr.ind lr, $3  }
0x3a: {  	_ = 	snop  }
0x3b: {  	_ = 	snop  }
0x3c: {  	p2 =	seq.s32 s10, $0x1;
	s10 =	sld [smem:$0x3FB8]  }
0x3d: {  	_ =	shalt  }
0x3e: {  	_ =	shalt  }
0x3f: {  	_ =	shalt  }
0x40: {  	_ =	shalt  }
0x41: {  	_ =	shalt  }
0x42: {  	_ =	shalt  }
0x43: {  	_ =	shalt  }
0x44: {  	_ =	shalt  }
0x45: {  	_ =	shalt  }
0x46: {  	_ =	shalt  }
0x47: {  	_ =	shalt  }
0x48: {  	_ =	shalt  }
0x49: {  	_ =	shalt  }
0x4a: {  	_ =	shalt  }
0x4b: {  	_ =	shalt  }
0x4c: {  	_ =	shalt  }
0x4d: {  	_ =	shalt  }
0x4e: {  	_ =	shalt  }
0x4f: {  	_ =	shalt  }
0x50: {  	_ =	shalt  }
0x51: {  	_ =	shalt  }
0x52: {  	_ =	shalt  }
0x53: {  	_ =	shalt  }
0x54: {  	_ =	shalt  }
0x55: {  	_ =	shalt  }
0x56: {  	_ =	shalt  }
0x57: {  	_ =	shalt  }
0x58: {  	_ =	shalt  }
0x59: {  	_ =	shalt  }
0x5a: {  	_ =	shalt  }
0x5b: {  	_ =	shalt  }
0x5c: {  	_ =	shalt  }
0x5d: {  	_ =	shalt  }
0x5e: {  	_ =	shalt  }
0x5f: {  	_ =	shalt  }
0x60: {  	_ =	shalt  }
0x61: {  	_ =	shalt  }
0x62: {  	_ =	shalt  }
0x63: {  	_ =	shalt  }
0x64: {  	_ =	shalt  }
0x65: {  	_ =	shalt  }
0x66: {  	_ =	shalt  }
0x67: {  	_ =	shalt  }
0x68: {  	_ =	shalt  }
0x69: {  	_ =	shalt  }
0x6a: {  	_ =	shalt  }
0x6b: {  	_ =	shalt  }
0x6c: {  	_ =	shalt  }
0x6d: {  	_ =	shalt  }
0x6e: {  	_ =	shalt  }
0x6f: {  	_ =	shalt  }
0x70: {  	_ =	shalt  }
0x71: {  	_ =	shalt  }
0x72: {  	_ =	shalt  }
0x73: {  	_ =	shalt  }
0x74: {  	_ =	shalt  }
0x75: {  	_ =	shalt  }
0x76: {  	_ =	shalt  }
0x77: {  	_ =	shalt  }
0x78: {  	_ =	shalt  }
0x79: {  	_ =	shalt  }
0x7a: {  	_ =	shalt  }
0x7b: {  	_ =	shalt  }
0x7c: {  	_ =	shalt  }
0x7d: {  	_ =	shalt  }
0x7e: {  	_ =	shalt  }
0x7f: {  	_ =	shalt  }
0x80: {  	_ =	shalt  }
0x81: {  	_ =	shalt  }
0x82: {  	_ =	shalt  }
0x83: {  	_ =	shalt  }
0x84: {  	_ =	shalt  }
0x85: {  	_ =	shalt  }
0x86: {  	_ =	shalt  }
0x87: {  	_ =	shalt  }
.Lfunc_end0:
.L_simem_size_0:
called_computation_lowered:
.L_overlay_start_0:
0x88: {  	s2 =	sld [smem:$0x3FD9]  }
0x89: {  	s3 =	sld [smem:$0x3FFE];
	_ =	sdelay $0x1  }
0x8a: {  	s1 =	srdreg.scid  }
0x8b: {  	s0 =	sand.u32 $0x1, s1  }
0x8c: {  	s18 =	sshll.u32 s0, $0xA;
	s2 =	sadd.s32 s3, s2  }
0x8d: {  	s2 =	sadd.s32 s2, s18  }
0x8e: {  	[smem:$0x3FC4] =	sst s2  }
0x8f: {  	_ = 	snop  }
0x90: {  	s2 =	sld [smem:$0x3FC9]  }
0x91: {  	s19 =	sld [smem:$0x3FC8]  }
0x92: {  	s4 =	sld [smem:$0x3FC7]  }
0x93: {  	s5 =	sld [smem:$0x3FC6]  }
0x94: {  	s6 =	sld [smem:$0x3FD0];
	(tm) =	ssettm $0x1  }
0x95: {  	s7 =	sld [smem:$0x3FFB];
	_ =	sdelay $0x3  }
0x96: {  	_ =	strace s7  }
0x97: {  	s7 =	sld [smem:$0x3FFC];
	_ =	sdelay $0x3  }
0x98: {  	_ =	strace s7  }
0x99: {  	s7 =	sld [smem:$0x3FFD];
	_ =	sdelay $0x3  }
0x9a: {  	_ =	strace s7  }
0x9b: {  	_ =	strace $0x8FFFFFFF  }
0x9c: {  	s20 =	sld [smem:$0x3FDB];
	_ =	sdelay $0x1  }
0x9d: {  	s8 =	simm.s32 $_scs_section_size  }
0x9e: {  	s9 =	simm.s32 $_size__tile_overlayer_lowered;
	s10 =	simm.s32 $_tile_overlayer_lowered  }
0x9f: {  	s23 =	simm.s32 $0x1BFF;
	s22 =	sshll.u32 s10, $0x1;
	s7 =	sadd.s32 s8, s20  }
0xa0: {  	s11 =	simm.s32 $0x0;
	s21 =	sshll.u32 s9, $0x1;
	s9 =	sadd.s32 s22, s7  }
0xa1: {  	[timem:s11], [sflag:s23] =	dma.local [hbm:s9], s21  }
0xa2: {  	_ =	swait.ge [sflag:s23], s21  }
0xa3: {  	s8 =	ssub.s32 $0x0, s21;
	[sflag:s23] =	ssyncset.done $0x0  }
0xa4: {  	[sflag:s23] =	ssyncadd.s32 s8;
	_ =	sdelay $0x1  }
0xa5: {  	s24 =	simm.s32 $0x1B8B  }
0xa6: {  	_ =	swait.ge [sflag:s24], $0x1  }
0xa7: {  	[sflag:s24] =	ssyncset.done $0x0  }
0xa8: {  	s25 =	simm.s32 $0x1B8E;
	[sflag:s24] =	ssyncadd.s32 $0xFFFFFFFF  }
0xa9: {  	s26 =	simm.s32 $execute0_lowered;
	[smem:$0x3FD2] =	sst s25  }
0xaa: {  	s8 =	sshll.u32 s26, $0x1;
	_ =	strace $0x80000046;
	[dreg:$0x1] =	wrdreg $0xFFFFFFFF  }
0xab: {  	s28 =	simm.s32 $_size_execute0_lowered;
	s7 =	sadd.s32 s7, s8;
	[dreg:$0x0] =	wrdreg $0x0  }
0xac: {  	s8 =	sshll.u32 s28, $0x1;
	[dreg:$0x2] =	wrdreg s7  }
0xad: {  	[dreg:$0x3] =	wrdreg s8  }
0xae: {  	[dreg:$0x4] =	wrdreg $0xC0  }
0xaf: {  	_ =	task [dreg:s11], $0x5FFFF  }
0xb0: {  	[dreg:$0x1] =	wrdreg $0xFFFFFFFF  }
0xb1: {  	[dreg:$0x0] =	wrdreg $0x60  }
0xb2: {  	[dreg:$0x2] =	wrdreg s2  }
0xb3: {  	[dreg:$0x3] =	wrdreg s19  }
0xb4: {  	[dreg:$0x4] =	wrdreg s4  }
0xb5: {  	[dreg:$0x5] =	wrdreg s5  }
0xb6: {  	[dreg:$0x6] =	wrdreg s6  }
0xb7: {  	[dreg:$0x7] =	wrdreg $0x9  }
0xb8: {  	_ =	task.clear_ibuf [dreg:s11], $0x8FFFF;
	_ =	strace $0x90000046  }
0xb9: {  	s29 =	simm.s32 $0x9;
	_ =	strace $0x80000048  }
0xba: {  	_ =	swait.ge [sflag:s29], $0x1  }
0xbb: {  	[sflag:s29] =	ssyncadd.s32 $0xFFFFFFFF  }
0xbc: {  	_ =	strace $0x90000048  }
0xbd: {  	_ =	sfence  }
0xbe: {  	s30 =	sld [smem:$0x0];
	_ =	sdelay $0x2  }
0xbf: {  	s31 =	sshll.u32 s1, $0xD;
	s1 =	sshrl.u32 s1, $0x2  }
0xc0: {  	s3 =	sand.u32 $0x4000, s31;
	s1 =	sadd.s32 s1, s30  }
0xc1: {  	s0 =	sor.u32 s3, s0;
	s1 =	sshll.u32 s1, $0x11  }
0xc2: {  	s0 =	sor.u32 s1, s0  }
0xc3: {  	s0 =	sadd.s32 $0x8F2B, s0  }
0xc4: {  	[sflag:s0] =	ssyncadd.remote.s32 $0x1  }
0xc5: {  	_ =	sfence.sel $0xFFFF  }
0xc6: {  	[dreg:$0x0] =	wrdreg $0xFFFFFFFF;
	(pc) =	sbr.abs _section_cstart, $3  }
0xc7: {  	[dreg:$0x1] =	wrdreg $0xFFFFFFFF  }
0xc8: {  	_ =	task.clear_ibuf [dreg:s11], $0x2FFFF;
	_ =	strace $0x9FFFFFFF  }
0xc9: {  	(tm) =	ssettm $0x7FFFFFFF  }
tec
execute0_lowered:
.L_overlay_start_1:
0x0: {  	(tag) =	ssettag $0x1  }
0x1: {  	s0 =	rddreg [dreg:$0x0]  }
0x2: {  	s2 =	rddreg [dreg:$0x1]  }
0x3: {  	s1 =	rddreg [dreg:$0x2]  }
0x4: {  	s3 =	rddreg [dreg:$0x3]  }
0x5: {  	s4 =	rddreg [dreg:$0x4]  }
0x6: {  	s5 =	srdreg.scid;
	s7 =	stileid.u32  }
0x7: {  	s9 =	simm.s32 $0x0;
	s10 =	simm.s32 $0x400;
	s11 =	simm.s32 $0x3  }
0x8: {  	s13 =	simm.s32 $0x7A1400;
	s14 =	simm.s32 $0x8400;
	s15 =	simm.s32 $0x1400  }
0x9: {  	s16 =	simm.s32 $0x9400;
	s17 =	simm.s32 $0x2400;
	s18 =	simm.s32 $0xA400  }
0xa: {  	s19 =	simm.s32 $0x3400;
	s20 =	simm.s32 $0xB400;
	s21 =	simm.s32 $0x4400  }
0xb: {  	s22 =	simm.s32 $0xC400;
	s28 =	simm.s32 $0x7400;
	s29 =	simm.s32 $0xF400  }
0xc: {  	s30 =	simm.s32 $0x1;
	s5 =	sand.u32 $0x1, s5;
	s6 =	sshll.u32 s7, $0x5  }
0xd: {  	s7 =	sshll.u32 s7, $0x7;
	s8 =	sshll.u32 s5, $0x4;
	s6 =	sand.u32 $0x60, s6  }
0xe: {  	v0 =	vlaneseq.u32;
	s31 =	simm.s32 $0x2;
	s7 =	sand.u32 $0x600, s7;
	s6 =	sor.u32 s8, s6  }
0xf: {  	vm0 =	vmmov $0x1;
	[smem:$0x7FF] =	sst s9;
	v1 =	vmul.u32 $0x80, v0;
	s5 =	ssub.s32 $0x2, s5;
	s6 =	sor.u32 s7, s6  }
0x10: {  	vm1 =	vcmask $0x308;
	vm2 =	vcmask $0x70C;
	vm3 =	vcmask $0xB10;
	_ =	strace $0x80000047;
	s23 =	sshrl.u32 s5, $0x1;
	s0 =	sadd.s32 s0, s6  }
.Ltmp0:
0x11: {  	v2 =	vor.u32 $0x800, v1;
	v3 =	vor.u32 $0x1000, v1;
	v4 =	vor.u32 $0x1800, v1;
	s24 =	sadd.s32 s2, s6;
	[dreg:$0x6] =	wrdreg s0;
	(pc) =	sbr.rel .LBB2_1-.Ltmp0, $4  }
0x12: {  	v5 =	vor.u32 $0x2000, v1;
	v6 =	vor.u32 $0x2800, v1;
	v7 =	vor.u32 $0x3000, v1;
	s5 =	ssub.s32 s5, s23;
	s25 =	sadd.s32 s4, s6;
	[dreg:$0x7] =	wrdreg s24  }
0x13: {  	s9 =	simm.s32 $0x80;
	v8 =	vor.u32 $0x3800, v1;
	v9 =	vor.u32 $0x4000, v1;
	v10 =	vor.u32 $0x4800, v1;
	s26 =	smax.u32 s5, $0x1;
	[dreg:$0x8] =	wrdreg s25  }
0x14: {  	v11 =	vor.u32 $0x5000, v1;
	v12 =	vor.u32 $0x5800, v1;
	v13 =	vor.u32 $0x6000, v1;
	s23 =	simm.s32 $0x5400;
	s2 =	simm.s32 $0x0;
	[dreg:$0x9] =	wrdreg s26  }
0x15: {  	v14 =	vor.u32 $0x6800, v1;
	v15 =	vor.u32 $0x7000, v1;
	v16 =	vor.u32 $0x7800, v1;
	s24 =	simm.s32 $0xD400;
	s25 =	simm.s32 $0x6400;
	s26 =	simm.s32 $0xE400  }
.LBB2_5:
0x16: {  	s0 =	rddreg [dreg:$0x8];
	s4 =	simm.s32 $0x10400  }
0x17: {  	[hbm4b:s0+s9] =	stream.strided.scatter [tilespmem:s4], [sflag:$0x3], $0x200, s10, s9, $0x38;
	[tilespmem:$0x10600] =	vst v63  }
0x18: {  	_ =	swait.ge [sflag:s11], $0x200  }
0x19: {  	s2 =	sadd.s32 $0x1, s2;
	s12 =	rddreg [dreg:$0x9]  }
0x1a: {  	p0 =	sne.s32 s2, s12  }
.Ltmp1:
0x1b: {  	_ = 	snop;
	(pc) =	sbr.rel @!p0 .LBB2_6-.Ltmp1, $3  }
0x1c: {  	_ =	sdelay $0x1  }
0x1d: {  	[sflag:s11] =	ssyncset.done $0x0  }
0x1e: {  	[sflag:s11] =	ssyncadd.s32 $0xFFFFFE00  }
.LBB2_1:
0x1f: {  	s0 =	simm.s32 $0x0;
	s4 =	rddreg [dreg:$0x6]  }
0x20: {  	[tilespmem:s0], [sflag:$0x3] =	stream.strided.gather [hbm4b:s4+s9], $0x200, s10, s9, $0x38;
	[tilespmem:$0x10600] =	vst v63  }
0x21: {  	_ =	swait.ge [sflag:s11], $0x200  }
0x22: {  	[sflag:s11] =	ssyncset.done $0x0  }
0x23: {  	s7 =	simm.s32 $0x200;
	s6 =	rddreg [dreg:$0x7];
	[sflag:s11] =	ssyncadd.s32 $0xFFFFFE00  }
0x24: {  	[tilespmem:s7], [sflag:$0x3] =	stream.strided.gather [hbm4b:s6+s9], $0x200, s10, s9, $0x38;
	[tilespmem:$0x10600] =	vst v63  }
0x25: {  	_ =	swait.ge [sflag:s11], $0x200  }
0x26: {  	[sflag:s11] =	ssyncset.done $0x0  }
0x27: {  	[sflag:s11] =	ssyncadd.s32 $0xFFFFFE00  }
0x28: {  	v17 =	vld [tilespmem:$0x0];
	_ =	sdelay $0x4  }
0x29: {  	v17 =	vnsel vm0, $0x0, v17  }
0x2a: {  	(xrf0) =	vadd.scan.msk.s32 $0xffff, v17;
	_ =	sdelay $0x5  }
0x2b: {  	v17, _, _ =	vpop (xrf0)  }
0x2c: {  	(v2sf) =	vpush v17, $0xF;
	_ =	sdelay $0xe  }
0x2d: {  	s8 =	spop (v2sf)  }
0x2e: {  	s0 =	sand.u32 $0xFFFFF80, s8  }
0x2f: {  	s0 =	sadd.s32 s1, s0  }
0x30: {  	[tilespmem:s10], [sflag:$0x1] =	stream.strided.gather [hbm4b:s0+s10], $0x1000, s13, s10, $0x38;
	[tilespmem:$0x10600] =	vst v63  }
0x31: {  	v17 =	vld [tilespmem:$0x200];
	_ =	sdelay $0x4  }
0x32: {  	v17 =	vnsel vm0, $0x0, v17  }
0x33: {  	(xrf0) =	vadd.scan.msk.s32 $0xffff, v17;
	_ =	sdelay $0x5  }
0x34: {  	v17, _, _ =	vpop (xrf0)  }
0x35: {  	(v2sf) =	vpush v17, $0xF;
	_ =	sdelay $0xe  }
0x36: {  	s12 =	spop (v2sf)  }
0x37: {  	s0 =	sand.u32 $0xFFFFF80, s12  }
0x38: {  	s0 =	sadd.s32 s3, s0  }
0x39: {  	[tilespmem:s14], [sflag:$0x1] =	stream.strided.gather [hbm4b:s0+s10], $0x1000, s13, s10, $0x38;
	[tilespmem:$0x10600] =	vst v63  }
0x3a: {  	v17 =	vld [tilespmem:$0x0];
	_ =	sdelay $0x4  }
0x3b: {  	v17 =	vsel vm1, $0x0, v17  }
0x3c: {  	(xrf0) =	vadd.scan.msk.s32 $0xffff, v17;
	_ =	sdelay $0x5  }
0x3d: {  	v17, _, _ =	vpop (xrf0)  }
0x3e: {  	(v2sf) =	vpush v17, $0xF;
	_ =	sdelay $0xe  }
0x3f: {  	s4 =	spop (v2sf)  }
0x40: {  	s0 =	sand.u32 $0xFFFFF80, s4  }
0x41: {  	s0 =	sadd.s32 s1, s0  }
0x42: {  	[tilespmem:s15], [sflag:$0x1] =	stream.strided.gather [hbm4b:s0+s10], $0x1000, s13, s10, $0x38;
	[tilespmem:$0x10600] =	vst v63  }
0x43: {  	v17 =	vld [tilespmem:$0x200];
	_ =	sdelay $0x4  }
0x44: {  	v17 =	vsel vm1, $0x0, v17  }
0x45: {  	(xrf0) =	vadd.scan.msk.s32 $0xffff, v17;
	_ =	sdelay $0x5  }
0x46: {  	v17, _, _ =	vpop (xrf0)  }
0x47: {  	(v2sf) =	vpush v17, $0xF;
	_ =	sdelay $0xe  }
0x48: {  	s5 =	spop (v2sf)  }
0x49: {  	s0 =	sand.u32 $0xFFFFF80, s5  }
0x4a: {  	s0 =	sadd.s32 s3, s0  }
0x4b: {  	[tilespmem:s16], [sflag:$0x1] =	stream.strided.gather [hbm4b:s0+s10], $0x1000, s13, s10, $0x38;
	[tilespmem:$0x10600] =	vst v63  }
0x4c: {  	v17 =	vld [tilespmem:$0x0];
	_ =	sdelay $0x4  }
0x4d: {  	v17 =	vsel vm2, $0x0, v17  }
0x4e: {  	(xrf0) =	vadd.scan.msk.s32 $0xffff, v17;
	_ =	sdelay $0x5  }
0x4f: {  	v17, _, _ =	vpop (xrf0)  }
0x50: {  	(v2sf) =	vpush v17, $0xF;
	_ =	sdelay $0xe  }
0x51: {  	s6 =	spop (v2sf)  }
0x52: {  	s0 =	sand.u32 $0xFFFFF80, s6  }
0x53: {  	s0 =	sadd.s32 s1, s0  }
0x54: {  	[tilespmem:s17], [sflag:$0x1] =	stream.strided.gather [hbm4b:s0+s10], $0x1000, s13, s10, $0x38;
	[tilespmem:$0x10600] =	vst v63  }
0x55: {  	v17 =	vld [tilespmem:$0x200];
	_ =	sdelay $0x4  }
0x56: {  	v17 =	vsel vm2, $0x0, v17  }
0x57: {  	(xrf0) =	vadd.scan.msk.s32 $0xffff, v17;
	_ =	sdelay $0x5  }
0x58: {  	v17, _, _ =	vpop (xrf0)  }
0x59: {  	(v2sf) =	vpush v17, $0xF;
	_ =	sdelay $0xe  }
0x5a: {  	s7 =	spop (v2sf)  }
0x5b: {  	s0 =	sand.u32 $0xFFFFF80, s7  }
0x5c: {  	s0 =	sadd.s32 s3, s0  }
0x5d: {  	[tilespmem:s18], [sflag:$0x1] =	stream.strided.gather [hbm4b:s0+s10], $0x1000, s13, s10, $0x38;
	[tilespmem:$0x10600] =	vst v63  }
0x5e: {  	v17 =	vld [tilespmem:$0x0];
	_ =	sdelay $0x4  }
0x5f: {  	v17 =	vsel vm3, $0x0, v17  }
0x60: {  	(xrf0) =	vadd.scan.msk.s32 $0xffff, v17;
	_ =	sdelay $0x5  }
0x61: {  	v17, _, _ =	vpop (xrf0)  }
0x62: {  	(v2sf) =	vpush v17, $0xF;
	_ =	sdelay $0xe  }
0x63: {  	s8 =	spop (v2sf)  }
0x64: {  	s0 =	sand.u32 $0xFFFFF80, s8  }
0x65: {  	s0 =	sadd.s32 s1, s0  }
0x66: {  	[tilespmem:s19], [sflag:$0x1] =	stream.strided.gather [hbm4b:s0+s10], $0x1000, s13, s10, $0x38;
	[tilespmem:$0x10600] =	vst v63  }
0x67: {  	v17 =	vld [tilespmem:$0x200];
	_ =	sdelay $0x4  }
0x68: {  	v17 =	vsel vm3, $0x0, v17  }
0x69: {  	(xrf0) =	vadd.scan.msk.s32 $0xffff, v17;
	_ =	sdelay $0x5  }
0x6a: {  	v17, _, _ =	vpop (xrf0)  }
0x6b: {  	(v2sf) =	vpush v17, $0xF;
	_ =	sdelay $0xe  }
.Ltmp2:
0x6c: {  	s12 =	spop (v2sf);
	(pc) =	sbr.rel .LBB2_2-.Ltmp2, $4  }
0x6d: {  	s0 =	sand.u32 $0xFFFFF80, s12  }
0x6e: {  	s0 =	sadd.s32 s3, s0  }
0x6f: {  	[tilespmem:s20], [sflag:$0x1] =	stream.strided.gather [hbm4b:s0+s10], $0x1000, s13, s10, $0x38;
	[tilespmem:$0x10600] =	vst v63  }
0x70: {  	s4 =	simm.s32 $0x0;
	v17 =	vimm.f32 $0.0e+00;
	s12 =	simm.s32 $0x0;
	s0 =	simm.s32 $0x0  }
.LBB2_4:
0x71: {  	_ =	swait.ge [sflag:s31], $0x1000  }
0x72: {  	[sflag:s31] =	ssyncset.done $0x0  }
0x73: {  	[sflag:s31] =	ssyncadd.s32 $0xFFFFF000  }
0x74: {  	_ =	swait.ge [sflag:s31], $0x1000  }
0x75: {  	[sflag:s31] =	ssyncset.done $0x0  }
0x76: {  	[sflag:s31] =	ssyncadd.s32 $0xFFFFF000  }
0x77: {  	_ =	swait.ge [sflag:s31], $0x1000  }
0x78: {  	[sflag:s31] =	ssyncset.done $0x0  }
0x79: {  	[sflag:s31] =	ssyncadd.s32 $0xFFFFF000  }
0x7a: {  	_ =	swait.ge [sflag:s31], $0x1000  }
0x7b: {  	[sflag:s31] =	ssyncset.done $0x0  }
0x7c: {  	[sflag:s31] =	ssyncadd.s32 $0xFFFFF000  }
0x7d: {  	_ =	swait.ge [sflag:s31], $0x1000  }
0x7e: {  	[sflag:s31] =	ssyncset.done $0x0  }
0x7f: {  	[sflag:s31] =	ssyncadd.s32 $0xFFFFF000  }
0x80: {  	_ =	swait.ge [sflag:s31], $0x1000  }
0x81: {  	[sflag:s31] =	ssyncset.done $0x0  }
0x82: {  	[sflag:s31] =	ssyncadd.s32 $0xFFFFF000  }
0x83: {  	_ =	swait.ge [sflag:s31], $0x1000  }
0x84: {  	[sflag:s31] =	ssyncset.done $0x0  }
0x85: {  	[sflag:s31] =	ssyncadd.s32 $0xFFFFF000  }
0x86: {  	_ =	swait.ge [sflag:s31], $0x1000  }
0x87: {  	[sflag:s31] =	ssyncset.done $0x0  }
0x88: {  	[sflag:s31] =	ssyncadd.s32 $0xFFFFF000  }
0x89: {  	v22 =	vld [tilespmem:s5+$0x0];
	_ =	sdelay $0x1  }
0x8a: {  	v23 =	vld [tilespmem:s5+$0x200];
	_ =	sdelay $0x2  }
0x8b: {  	v24 =	vnsel vm4, $0x0, v22  }
0x8c: {  	(xrf0) =	vadd.scan.msk.s32 $0xffff, v24  }
0x8d: {  	v35 =	vnsel vm4, $0x0, v23  }
0x8e: {  	(xrf0) =	vadd.scan.msk.s32 $0xffff, v35  }
0x8f: {  	v36 =	vnsel vm5, $0x0, v22  }
0x90: {  	(xrf0) =	vadd.scan.msk.s32 $0xffff, v36  }
0x91: {  	v37 =	vnsel vm5, $0x0, v23  }
0x92: {  	v25, _, _ =	vpop (xrf0);
	(xrf0) =	vadd.scan.msk.s32 $0xffff, v37  }
0x93: {  	v38 =	vnsel vm6, $0x0, v22;
	(v2sf) =	vpush v25, $0xF  }
0x94: {  	v39, _, _ =	vpop (xrf0);
	(xrf0) =	vadd.scan.msk.s32 $0xffff, v38  }
0x95: {  	v40 =	vnsel vm6, $0x0, v23;
	(v2sf) =	vpush v39, $0xF  }
0x96: {  	v41, _, _ =	vpop (xrf0);
	(xrf0) =	vadd.scan.msk.s32 $0xffff, v40  }
0x97: {  	v22 =	vnsel vm7, $0x0, v22;
	(v2sf) =	vpush v41, $0xF  }
0x98: {  	v42, _, _ =	vpop (xrf0);
	(xrf0) =	vadd.scan.msk.s32 $0xffff, v22  }
0x99: {  	v43 =	vnsel vm7, $0x0, v23;
	(v2sf) =	vpush v42, $0xF  }
0x9a: {  	v44, _, _ =	vpop (xrf0);
	(xrf0) =	vadd.scan.msk.s32 $0xffff, v43  }
0x9b: {  	(v2sf) =	vpush v44, $0xF  }
0x9c: {  	v45, _, _ =	vpop (xrf0)  }
0x9d: {  	(v2sf) =	vpush v45, $0xF  }
0x9e: {  	v46, _, _ =	vpop (xrf0)  }
0x9f: {  	(v2sf) =	vpush v46, $0xF  }
0xa0: {  	v47, _, _ =	vpop (xrf0)  }
0xa1: {  	(v2sf) =	vpush v47, $0xF  }
0xa2: {  	s7 =	spop (v2sf)  }
0xa3: {  	s5 =	sand.u32 $0x7F, s7  }
0xa4: {  	s6 =	spop (v2sf);
	v48 =	vor.u32 s5, v9  }
0xa5: {  	s6 =	sand.u32 $0x7F, s6;
	v49 =	vor.u32 s5, v10  }
0xa6: {  	s8 =	spop (v2sf);
	v50 =	vor.u32 s6, v9  }
0xa7: {  	v51 =	vor.u32 s6, v10;
	s5 =	sand.u32 $0x7F, s8  }
0xa8: {  	v26 =	vor.u32 s5, v11;
	s7 =	spop (v2sf)  }
0xa9: {  	v27 =	vor.u32 s5, v12;
	v22 =	vld.idx.msk [tilespmem:v48+s10+$0x0], $0xffff;
	s6 =	sand.u32 $0x7F, s7  }
0xaa: {  	s8 =	spop (v2sf);
	v23 =	vld.idx.msk [tilespmem:v49+s10+$0x0], $0xffff;
	v28 =	vor.u32 s6, v11  }
0xab: {  	v24 =	vld.idx.msk [tilespmem:v50+s14+$0x0], $0xffff;
	v29 =	vor.u32 s6, v12;
	s5 =	sand.u32 $0x7F, s8  }
0xac: {  	s7 =	spop (v2sf);
	v25 =	vld.idx.msk [tilespmem:v51+s14+$0x0], $0xffff;
	v30 =	vor.u32 s5, v13  }
0xad: {  	v26 =	vld.idx.msk [tilespmem:v26+s10+$0x0], $0xffff;
	s6 =	sand.u32 $0x7F, s7;
	v31 =	vor.u32 s5, v14  }
0xae: {  	v27 =	vld.idx.msk [tilespmem:v27+s10+$0x0], $0xffff;
	v32 =	vor.u32 s6, v13;
	s8 =	spop (v2sf)  }
0xaf: {  	v33 =	vor.u32 s6, v14;
	v28 =	vld.idx.msk [tilespmem:v28+s14+$0x0], $0xffff;
	s5 =	sand.u32 $0x7F, s8  }
0xb0: {  	v29 =	vld.idx.msk [tilespmem:v29+s14+$0x0], $0xffff;
	s7 =	spop (v2sf);
	v34 =	vor.u32 s5, v15  }
0xb1: {  	v30 =	vld.idx.msk [tilespmem:v30+s10+$0x0], $0xffff;
	s6 =	sand.u32 $0x7F, s7;
	v35 =	vor.u32 s5, v16  }
0xb2: {  	v31 =	vld.idx.msk [tilespmem:v31+s10+$0x0], $0xffff;
	v36 =	vor.u32 s6, v15  }
0xb3: {  	v32 =	vld.idx.msk [tilespmem:v32+s14+$0x0], $0xffff;
	v37 =	vor.u32 s6, v16  }
0xb4: {  	v33 =	vld.idx.msk [tilespmem:v33+s14+$0x0], $0xffff  }
0xb5: {  	v34 =	vld.idx.msk [tilespmem:v34+s10+$0x0], $0xffff  }
0xb6: {  	v35 =	vld.idx.msk [tilespmem:v35+s10+$0x0], $0xffff  }
0xb7: {  	v36 =	vld.idx.msk [tilespmem:v36+s14+$0x0], $0xffff  }
0xb8: {  	v37 =	vld.idx.msk [tilespmem:v37+s14+$0x0], $0xffff;
	_ =	sdelay $0x1  }
0xb9: {  	v22 =	vmul.f32 v24, v22;
	v23 =	vmul.f32 v25, v23  }
0xba: {  	v52 =	vmul.f32 v28, v26;
	v53 =	vmul.f32 v29, v27  }
0xbb: {  	v22 =	vadd.f32 v23, v22;
	v54 =	vmul.f32 v32, v30;
	v55 =	vmul.f32 v33, v31  }
0xbc: {  	v24 =	vadd.f32 v53, v52;
	v56 =	vmul.f32 v36, v34;
	v57 =	vmul.f32 v37, v35  }
0xbd: {  	(xrf2) =	vadd.scan.msk.f32 $0xffff, v22;
	v58 =	vadd.f32 v55, v54  }
0xbe: {  	(xrf2) =	vadd.scan.msk.f32 $0xffff, v24;
	v59 =	vadd.f32 v57, v56  }
0xbf: {  	(xrf2) =	vadd.scan.msk.f32 $0xffff, v58  }
0xc0: {  	(xrf2) =	vadd.scan.msk.f32 $0xffff, v59;
	_ =	sdelay $0x3  }
0xc1: {  	v20 =	vbroadcast v20, $0xF  }
0xc2: {  	v21 =	vbroadcast v21, $0xF  }
0xc3: {  	v19 =	vbroadcast v19, $0xF;
	v17 =	vsel vm8, v20, v17  }
0xc4: {  	v18 =	vbroadcast v18, $0xF;
	v17 =	vsel vm9, v21, v17;
	v60, _, _ =	vpop (xrf2)  }
0xc5: {  	s12 =	sadd.s32 $0x8, s12;
	v17 =	vsel vm10, v19, v17;
	v19 =	vbroadcast v60, $0xF;
	v61, _, _ =	vpop (xrf2)  }
0xc6: {  	p1 =	sne.s32 s12, $0x200;
	v17 =	vsel vm11, v18, v17;
	v18 =	vbroadcast v61, $0xF;
	v62, _, _ =	vpop (xrf2)  }
.Ltmp3:
0xc7: {  	s8 =	sand.u32 $0x1, s0;
	v17 =	vsel vm4, v19, v17;
	v19 =	vbroadcast v62, $0xF;
	v63, _, _ =	vpop (xrf2);
	(pc) =	sbr.rel @!p1 .LBB2_5-.Ltmp3, $4  }
0xc8: {  	p0 =	seq.s32 s8, $0x0;
	v17 =	vsel vm5, v18, v17;
	v18 =	vbroadcast v63, $0xF  }
0xc9: {  	s5 =	sand.u32 @!p0 $0x7C0, s4;
	v17 =	vsel vm6, v19, v17  }
0xca: {  	s5 =	sshrl.u32 @!p0 s5, $0x2;
	v17 =	vsel vm7, v18, v17  }
0xcb: {  	s0 =	sadd.s32 $0x1, s0;
	s4 =	sadd.s32 $0x20, s4;
	[tilespmem:s5+$0x10400] =	vst @!p0 v17  }
.LBB2_2:
0xcc: {  	s5 =	sand.u32 $0x1F0, s12  }
0xcd: {  	v18 =	vld [tilespmem:s5+$0x0]  }
0xce: {  	s6 =	sand.u32 $0x8, s12  }
0xcf: {  	s7 =	sor.u32 $0x4, s6  }
0xd0: {  	v19 =	vmov s7  }
0xd1: {  	vm4 =	veq.s32 v19, v0  }
0xd2: {  	v18 =	vnsel vm4, $0x0, v18  }
0xd3: {  	(xrf0) =	vadd.scan.msk.s32 $0xffff, v18;
	_ =	sdelay $0x5  }
0xd4: {  	v18, _, _ =	vpop (xrf0)  }
0xd5: {  	(v2sf) =	vpush v18, $0xF;
	_ =	sdelay $0xe  }
0xd6: {  	s8 =	spop (v2sf)  }
0xd7: {  	s7 =	sand.u32 $0xFFFFF80, s8  }
0xd8: {  	s7 =	sadd.s32 s1, s7  }
0xd9: {  	[tilespmem:s21], [sflag:$0x2] =	stream.strided.gather [hbm4b:s7+s10], $0x1000, s13, s10, $0x38;
	[tilespmem:$0x10600] =	vst v63  }
0xda: {  	v18 =	vld [tilespmem:s5+$0x200];
	_ =	sdelay $0x4  }
0xdb: {  	v18 =	vnsel vm4, $0x0, v18  }
0xdc: {  	(xrf0) =	vadd.scan.msk.s32 $0xffff, v18;
	_ =	sdelay $0x5  }
0xdd: {  	v18, _, _ =	vpop (xrf0)  }
0xde: {  	(v2sf) =	vpush v18, $0xF;
	_ =	sdelay $0xe  }
0xdf: {  	s8 =	spop (v2sf)  }
0xe0: {  	s7 =	sand.u32 $0xFFFFF80, s8  }
0xe1: {  	s7 =	sadd.s32 s3, s7  }
0xe2: {  	[tilespmem:s22], [sflag:$0x2] =	stream.strided.gather [hbm4b:s7+s10], $0x1000, s13, s10, $0x38;
	[tilespmem:$0x10600] =	vst v63  }
0xe3: {  	v18 =	vld [tilespmem:s5+$0x0];
	_ =	sdelay $0x1  }
0xe4: {  	s8 =	sor.u32 $0x5, s6  }
0xe5: {  	v19 =	vmov s8  }
0xe6: {  	vm5 =	veq.s32 v19, v0  }
0xe7: {  	v18 =	vnsel vm5, $0x0, v18  }
0xe8: {  	(xrf0) =	vadd.scan.msk.s32 $0xffff, v18;
	_ =	sdelay $0x5  }
0xe9: {  	v18, _, _ =	vpop (xrf0)  }
0xea: {  	(v2sf) =	vpush v18, $0xF;
	_ =	sdelay $0xe  }
0xeb: {  	s8 =	spop (v2sf)  }
0xec: {  	s7 =	sand.u32 $0xFFFFF80, s8  }
0xed: {  	s7 =	sadd.s32 s1, s7  }
0xee: {  	[tilespmem:s23], [sflag:$0x2] =	stream.strided.gather [hbm4b:s7+s10], $0x1000, s13, s10, $0x38;
	[tilespmem:$0x10600] =	vst v63  }
0xef: {  	v18 =	vld [tilespmem:s5+$0x200];
	_ =	sdelay $0x4  }
0xf0: {  	v18 =	vnsel vm5, $0x0, v18  }
0xf1: {  	(xrf0) =	vadd.scan.msk.s32 $0xffff, v18;
	_ =	sdelay $0x5  }
0xf2: {  	v18, _, _ =	vpop (xrf0)  }
0xf3: {  	(v2sf) =	vpush v18, $0xF;
	_ =	sdelay $0xe  }
0xf4: {  	s8 =	spop (v2sf)  }
0xf5: {  	s7 =	sand.u32 $0xFFFFF80, s8  }
0xf6: {  	s7 =	sadd.s32 s3, s7  }
0xf7: {  	[tilespmem:s24], [sflag:$0x2] =	stream.strided.gather [hbm4b:s7+s10], $0x1000, s13, s10, $0x38;
	[tilespmem:$0x10600] =	vst v63  }
0xf8: {  	v18 =	vld [tilespmem:s5+$0x0];
	_ =	sdelay $0x1  }
0xf9: {  	s8 =	sor.u32 $0x6, s6  }
0xfa: {  	v19 =	vmov s8  }
0xfb: {  	vm6 =	veq.s32 v19, v0  }
0xfc: {  	v18 =	vnsel vm6, $0x0, v18  }
0xfd: {  	(xrf0) =	vadd.scan.msk.s32 $0xffff, v18;
	_ =	sdelay $0x5  }
0xfe: {  	v18, _, _ =	vpop (xrf0)  }
0xff: {  	(v2sf) =	vpush v18, $0xF;
	_ =	sdelay $0xe  }
0x100: {  	s8 =	spop (v2sf)  }
0x101: {  	s7 =	sand.u32 $0xFFFFF80, s8  }
0x102: {  	s7 =	sadd.s32 s1, s7  }
0x103: {  	[tilespmem:s25], [sflag:$0x2] =	stream.strided.gather [hbm4b:s7+s10], $0x1000, s13, s10, $0x38;
	[tilespmem:$0x10600] =	vst v63  }
0x104: {  	v18 =	vld [tilespmem:s5+$0x200];
	_ =	sdelay $0x4  }
0x105: {  	v18 =	vnsel vm6, $0x0, v18  }
0x106: {  	(xrf0) =	vadd.scan.msk.s32 $0xffff, v18;
	_ =	sdelay $0x5  }
0x107: {  	v18, _, _ =	vpop (xrf0)  }
0x108: {  	(v2sf) =	vpush v18, $0xF;
	_ =	sdelay $0xe  }
0x109: {  	s8 =	spop (v2sf)  }
0x10a: {  	s7 =	sand.u32 $0xFFFFF80, s8  }
0x10b: {  	s7 =	sadd.s32 s3, s7  }
0x10c: {  	[tilespmem:s26], [sflag:$0x2] =	stream.strided.gather [hbm4b:s7+s10], $0x1000, s13, s10, $0x38;
	[tilespmem:$0x10600] =	vst v63  }
0x10d: {  	v18 =	vld [tilespmem:s5+$0x0];
	_ =	sdelay $0x1  }
0x10e: {  	s8 =	sor.u32 $0x7, s6  }
0x10f: {  	v19 =	vmov s8  }
0x110: {  	vm7 =	veq.s32 v19, v0  }
0x111: {  	v18 =	vnsel vm7, $0x0, v18  }
0x112: {  	(xrf0) =	vadd.scan.msk.s32 $0xffff, v18;
	_ =	sdelay $0x5  }
0x113: {  	v18, _, _ =	vpop (xrf0)  }
0x114: {  	(v2sf) =	vpush v18, $0xF;
	_ =	sdelay $0xe  }
0x115: {  	s8 =	spop (v2sf)  }
0x116: {  	s7 =	sand.u32 $0xFFFFF80, s8  }
0x117: {  	s7 =	sadd.s32 s1, s7  }
0x118: {  	[tilespmem:s28], [sflag:$0x2] =	stream.strided.gather [hbm4b:s7+s10], $0x1000, s13, s10, $0x38;
	[tilespmem:$0x10600] =	vst v63  }
0x119: {  	v18 =	vld [tilespmem:s5+$0x200];
	_ =	sdelay $0x4  }
0x11a: {  	v18 =	vnsel vm7, $0x0, v18  }
0x11b: {  	(xrf0) =	vadd.scan.msk.s32 $0xffff, v18;
	_ =	sdelay $0x5  }
0x11c: {  	v18, _, _ =	vpop (xrf0)  }
0x11d: {  	(v2sf) =	vpush v18, $0xF;
	_ =	sdelay $0xe  }
0x11e: {  	s8 =	spop (v2sf)  }
0x11f: {  	s7 =	sand.u32 $0xFFFFF80, s8  }
0x120: {  	s7 =	sadd.s32 s3, s7  }
0x121: {  	[tilespmem:s29], [sflag:$0x2] =	stream.strided.gather [hbm4b:s7+s10], $0x1000, s13, s10, $0x38;
	[tilespmem:$0x10600] =	vst v63  }
0x122: {  	_ =	swait.ge [sflag:s30], $0x1000  }
0x123: {  	[sflag:s30] =	ssyncset.done $0x0  }
0x124: {  	[sflag:s30] =	ssyncadd.s32 $0xFFFFF000  }
0x125: {  	_ =	swait.ge [sflag:s30], $0x1000  }
0x126: {  	[sflag:s30] =	ssyncset.done $0x0  }
0x127: {  	[sflag:s30] =	ssyncadd.s32 $0xFFFFF000  }
0x128: {  	_ =	swait.ge [sflag:s30], $0x1000  }
0x129: {  	[sflag:s30] =	ssyncset.done $0x0  }
0x12a: {  	[sflag:s30] =	ssyncadd.s32 $0xFFFFF000  }
0x12b: {  	_ =	swait.ge [sflag:s30], $0x1000  }
0x12c: {  	[sflag:s30] =	ssyncset.done $0x0  }
0x12d: {  	[sflag:s30] =	ssyncadd.s32 $0xFFFFF000  }
0x12e: {  	_ =	swait.ge [sflag:s30], $0x1000  }
0x12f: {  	[sflag:s30] =	ssyncset.done $0x0  }
0x130: {  	[sflag:s30] =	ssyncadd.s32 $0xFFFFF000  }
0x131: {  	_ =	swait.ge [sflag:s30], $0x1000  }
0x132: {  	[sflag:s30] =	ssyncset.done $0x0  }
0x133: {  	[sflag:s30] =	ssyncadd.s32 $0xFFFFF000  }
0x134: {  	_ =	swait.ge [sflag:s30], $0x1000  }
0x135: {  	[sflag:s30] =	ssyncset.done $0x0  }
0x136: {  	[sflag:s30] =	ssyncadd.s32 $0xFFFFF000  }
0x137: {  	_ =	swait.ge [sflag:s30], $0x1000  }
0x138: {  	[sflag:s30] =	ssyncset.done $0x0  }
0x139: {  	[sflag:s30] =	ssyncadd.s32 $0xFFFFF000  }
0x13a: {  	v18 =	vld [tilespmem:s5+$0x0];
	_ =	sdelay $0x1  }
0x13b: {  	v19 =	vld [tilespmem:s5+$0x200]  }
0x13c: {  	v20 =	vmov s6  }
0x13d: {  	vm8 =	veq.s32 v20, v0  }
0x13e: {  	v20 =	vnsel vm8, $0x0, v18  }
0x13f: {  	s8 =	sor.u32 $0x1, s6;
	(xrf0) =	vadd.scan.msk.s32 $0xffff, v20  }
0x140: {  	v21 =	vmov s8;
	v20 =	vnsel vm8, $0x0, v19  }
0x141: {  	vm9 =	veq.s32 v21, v0;
	(xrf0) =	vadd.scan.msk.s32 $0xffff, v20  }
0x142: {  	v20 =	vnsel vm9, $0x0, v18  }
0x143: {  	s8 =	sor.u32 $0x2, s6;
	(xrf0) =	vadd.scan.msk.s32 $0xffff, v20  }
0x144: {  	v21 =	vmov s8;
	v20 =	vnsel vm9, $0x0, v19  }
0x145: {  	vm10 =	veq.s32 v21, v0;
	v22, _, _ =	vpop (xrf0);
	(xrf0) =	vadd.scan.msk.s32 $0xffff, v20  }
0x146: {  	v20 =	vnsel vm10, $0x0, v18;
	(v2sf) =	vpush v22, $0xF  }
0x147: {  	s6 =	sor.u32 $0x3, s6;
	v21, _, _ =	vpop (xrf0);
	(xrf0) =	vadd.scan.msk.s32 $0xffff, v20  }
0x148: {  	v20 =	vnsel vm10, $0x0, v19;
	(v2sf) =	vpush v21, $0xF;
	v21 =	vmov s6  }
0x149: {  	v22, _, _ =	vpop (xrf0);
	(xrf0) =	vadd.scan.msk.s32 $0xffff, v20;
	vm11 =	veq.s32 v21, v0  }
0x14a: {  	(v2sf) =	vpush v22, $0xF;
	v18 =	vnsel vm11, $0x0, v18  }
0x14b: {  	v20, _, _ =	vpop (xrf0);
	(xrf0) =	vadd.scan.msk.s32 $0xffff, v18  }
0x14c: {  	v18 =	vnsel vm11, $0x0, v19;
	(v2sf) =	vpush v20, $0xF  }
0x14d: {  	v19, _, _ =	vpop (xrf0);
	(xrf0) =	vadd.scan.msk.s32 $0xffff, v18  }
0x14e: {  	(v2sf) =	vpush v19, $0xF  }
0x14f: {  	v18, _, _ =	vpop (xrf0)  }
0x150: {  	(v2sf) =	vpush v18, $0xF  }
0x151: {  	v18, _, _ =	vpop (xrf0)  }
0x152: {  	(v2sf) =	vpush v18, $0xF  }
0x153: {  	v18, _, _ =	vpop (xrf0)  }
0x154: {  	(v2sf) =	vpush v18, $0xF  }
0x155: {  	s7 =	spop (v2sf)  }
0x156: {  	s6 =	sand.u32 $0x7F, s7  }
0x157: {  	s8 =	spop (v2sf);
	v18 =	vor.u32 s6, v1  }
0x158: {  	s7 =	sand.u32 $0x7F, s8;
	v19 =	vor.u32 s6, v2  }
0x159: {  	s8 =	spop (v2sf);
	v20 =	vor.u32 s7, v1  }
0x15a: {  	v21 =	vor.u32 s7, v2;
	s6 =	sand.u32 $0x7F, s8  }
0x15b: {  	v22 =	vor.u32 s6, v3;
	s8 =	spop (v2sf)  }
0x15c: {  	v23 =	vor.u32 s6, v4;
	v18 =	vld.idx.msk [tilespmem:v18+s10+$0x0], $0xffff;
	s7 =	sand.u32 $0x7F, s8  }
0x15d: {  	s8 =	spop (v2sf);
	v19 =	vld.idx.msk [tilespmem:v19+s10+$0x0], $0xffff;
	v24 =	vor.u32 s7, v3  }
0x15e: {  	v20 =	vld.idx.msk [tilespmem:v20+s14+$0x0], $0xffff;
	v25 =	vor.u32 s7, v4;
	s6 =	sand.u32 $0x7F, s8  }
0x15f: {  	v21 =	vld.idx.msk [tilespmem:v21+s14+$0x0], $0xffff;
	s8 =	spop (v2sf);
	v26 =	vor.u32 s6, v5  }
0x160: {  	v22 =	vld.idx.msk [tilespmem:v22+s10+$0x0], $0xffff;
	v27 =	vor.u32 s6, v6;
	s7 =	sand.u32 $0x7F, s8  }
0x161: {  	v23 =	vld.idx.msk [tilespmem:v23+s10+$0x0], $0xffff;
	v28 =	vor.u32 s7, v5;
	s8 =	spop (v2sf)  }
0x162: {  	v29 =	vor.u32 s7, v6;
	v24 =	vld.idx.msk [tilespmem:v24+s14+$0x0], $0xffff;
	s6 =	sand.u32 $0x7F, s8  }
0x163: {  	v25 =	vld.idx.msk [tilespmem:v25+s14+$0x0], $0xffff;
	s8 =	spop (v2sf);
	v30 =	vor.u32 s6, v7  }
0x164: {  	v26 =	vld.idx.msk [tilespmem:v26+s10+$0x0], $0xffff;
	s7 =	sand.u32 $0x7F, s8;
	v31 =	vor.u32 s6, v8  }
0x165: {  	v27 =	vld.idx.msk [tilespmem:v27+s10+$0x0], $0xffff;
	v32 =	vor.u32 s7, v7  }
0x166: {  	v33 =	vor.u32 s7, v8;
	v28 =	vld.idx.msk [tilespmem:v28+s14+$0x0], $0xffff  }
0x167: {  	v29 =	vld.idx.msk [tilespmem:v29+s14+$0x0], $0xffff  }
0x168: {  	v30 =	vld.idx.msk [tilespmem:v30+s10+$0x0], $0xffff  }
0x169: {  	v31 =	vld.idx.msk [tilespmem:v31+s10+$0x0], $0xffff  }
0x16a: {  	v32 =	vld.idx.msk [tilespmem:v32+s14+$0x0], $0xffff  }
0x16b: {  	v33 =	vld.idx.msk [tilespmem:v33+s14+$0x0], $0xffff;
	_ =	sdelay $0x1  }
0x16c: {  	v18 =	vmul.f32 v20, v18;
	v19 =	vmul.f32 v21, v19  }
0x16d: {  	v20 =	vmul.f32 v24, v22;
	v21 =	vmul.f32 v25, v23  }
0x16e: {  	v18 =	vadd.f32 v19, v18;
	v19 =	vmul.f32 v28, v26;
	v22 =	vmul.f32 v29, v27  }
0x16f: {  	v20 =	vadd.f32 v21, v20;
	v21 =	vmul.f32 v32, v30;
	v23 =	vmul.f32 v33, v31  }
0x170: {  	(xrf2) =	vadd.scan.msk.f32 $0xffff, v18;
	v18 =	vadd.f32 v22, v19  }
0x171: {  	(xrf2) =	vadd.scan.msk.f32 $0xffff, v20;
	v19 =	vadd.f32 v23, v21  }
0x172: {  	(xrf2) =	vadd.scan.msk.f32 $0xffff, v18  }
0x173: {  	(xrf2) =	vadd.scan.msk.f32 $0xffff, v19;
	_ =	sdelay $0x4  }
0x174: {  	p0 =	seq.s32 s12, $0x1F8  }
.Ltmp4:
0x175: {  	_ = 	snop;
	(pc) =	sbr.rel @p0 .LBB2_4-.Ltmp4, $4  }
0x176: {  	v20, _, _ =	vpop (xrf2)  }
0x177: {  	v21, _, _ =	vpop (xrf2)  }
0x178: {  	v19, _, _ =	vpop (xrf2)  }
0x179: {  	v18, _, _ =	vpop (xrf2)  }
0x17a: {  	s7 =	sadd.s32 $0x8, s12  }
0x17b: {  	s6 =	sand.u32 $0x3F0, s7  }
0x17c: {  	v22 =	vld [tilespmem:s6+$0x0];
	_ =	sdelay $0x1  }
0x17d: {  	s7 =	sand.u32 $0x8, s7  }
0x17e: {  	v23 =	vmov s7  }
0x17f: {  	vm12 =	veq.s32 v23, v0  }
0x180: {  	v22 =	vnsel vm12, $0x0, v22  }
0x181: {  	(xrf0) =	vadd.scan.msk.s32 $0xffff, v22;
	_ =	sdelay $0x5  }
0x182: {  	v22, _, _ =	vpop (xrf0)  }
0x183: {  	(v2sf) =	vpush v22, $0xF;
	_ =	sdelay $0xe  }
0x184: {  	s8 =	spop (v2sf)  }
0x185: {  	s8 =	sand.u32 $0xFFFFF80, s8  }
0x186: {  	s8 =	sadd.s32 s1, s8  }
0x187: {  	[tilespmem:s10], [sflag:$0x1] =	stream.strided.gather [hbm4b:s8+s10], $0x1000, s13, s10, $0x38;
	[tilespmem:$0x10600] =	vst v63  }
0x188: {  	v22 =	vld [tilespmem:s6+$0x200];
	_ =	sdelay $0x4  }
0x189: {  	v22 =	vnsel vm12, $0x0, v22  }
0x18a: {  	(xrf0) =	vadd.scan.msk.s32 $0xffff, v22;
	_ =	sdelay $0x5  }
0x18b: {  	v22, _, _ =	vpop (xrf0)  }
0x18c: {  	(v2sf) =	vpush v22, $0xF;
	_ =	sdelay $0xe  }
0x18d: {  	s8 =	spop (v2sf)  }
0x18e: {  	s8 =	sand.u32 $0xFFFFF80, s8  }
0x18f: {  	s8 =	sadd.s32 s3, s8  }
0x190: {  	[tilespmem:s14], [sflag:$0x1] =	stream.strided.gather [hbm4b:s8+s10], $0x1000, s13, s10, $0x38;
	[tilespmem:$0x10600] =	vst v63  }
0x191: {  	v22 =	vld [tilespmem:s6+$0x0];
	_ =	sdelay $0x1  }
0x192: {  	s8 =	sor.u32 $0x1, s7  }
0x193: {  	v23 =	vmov s8  }
0x194: {  	vm12 =	veq.s32 v23, v0  }
0x195: {  	v22 =	vnsel vm12, $0x0, v22  }
0x196: {  	(xrf0) =	vadd.scan.msk.s32 $0xffff, v22;
	_ =	sdelay $0x5  }
0x197: {  	v22, _, _ =	vpop (xrf0)  }
0x198: {  	(v2sf) =	vpush v22, $0xF;
	_ =	sdelay $0xe  }
0x199: {  	s8 =	spop (v2sf)  }
0x19a: {  	s8 =	sand.u32 $0xFFFFF80, s8  }
0x19b: {  	s8 =	sadd.s32 s1, s8  }
0x19c: {  	[tilespmem:s15], [sflag:$0x1] =	stream.strided.gather [hbm4b:s8+s10], $0x1000, s13, s10, $0x38;
	[tilespmem:$0x10600] =	vst v63  }
0x19d: {  	v22 =	vld [tilespmem:s6+$0x200];
	_ =	sdelay $0x4  }
0x19e: {  	v22 =	vnsel vm12, $0x0, v22  }
0x19f: {  	(xrf0) =	vadd.scan.msk.s32 $0xffff, v22;
	_ =	sdelay $0x5  }
0x1a0: {  	v22, _, _ =	vpop (xrf0)  }
0x1a1: {  	(v2sf) =	vpush v22, $0xF;
	_ =	sdelay $0xe  }
0x1a2: {  	s8 =	spop (v2sf)  }
0x1a3: {  	s8 =	sand.u32 $0xFFFFF80, s8  }
0x1a4: {  	s8 =	sadd.s32 s3, s8  }
0x1a5: {  	[tilespmem:s16], [sflag:$0x1] =	stream.strided.gather [hbm4b:s8+s10], $0x1000, s13, s10, $0x38;
	[tilespmem:$0x10600] =	vst v63  }
0x1a6: {  	v22 =	vld [tilespmem:s6+$0x0];
	_ =	sdelay $0x1  }
0x1a7: {  	s8 =	sor.u32 $0x2, s7  }
0x1a8: {  	v23 =	vmov s8  }
0x1a9: {  	vm12 =	veq.s32 v23, v0  }
0x1aa: {  	v22 =	vnsel vm12, $0x0, v22  }
0x1ab: {  	(xrf0) =	vadd.scan.msk.s32 $0xffff, v22;
	_ =	sdelay $0x5  }
0x1ac: {  	v22, _, _ =	vpop (xrf0)  }
0x1ad: {  	(v2sf) =	vpush v22, $0xF;
	_ =	sdelay $0xe  }
0x1ae: {  	s8 =	spop (v2sf)  }
0x1af: {  	s8 =	sand.u32 $0xFFFFF80, s8  }
0x1b0: {  	s8 =	sadd.s32 s1, s8  }
0x1b1: {  	[tilespmem:s17], [sflag:$0x1] =	stream.strided.gather [hbm4b:s8+s10], $0x1000, s13, s10, $0x38;
	[tilespmem:$0x10600] =	vst v63  }
0x1b2: {  	v22 =	vld [tilespmem:s6+$0x200];
	_ =	sdelay $0x4  }
0x1b3: {  	v22 =	vnsel vm12, $0x0, v22  }
0x1b4: {  	(xrf0) =	vadd.scan.msk.s32 $0xffff, v22;
	_ =	sdelay $0x5  }
0x1b5: {  	v22, _, _ =	vpop (xrf0)  }
0x1b6: {  	(v2sf) =	vpush v22, $0xF;
	_ =	sdelay $0xe  }
0x1b7: {  	s8 =	spop (v2sf)  }
0x1b8: {  	s8 =	sand.u32 $0xFFFFF80, s8  }
0x1b9: {  	s8 =	sadd.s32 s3, s8  }
0x1ba: {  	[tilespmem:s18], [sflag:$0x1] =	stream.strided.gather [hbm4b:s8+s10], $0x1000, s13, s10, $0x38;
	[tilespmem:$0x10600] =	vst v63  }
0x1bb: {  	v22 =	vld [tilespmem:s6+$0x0];
	_ =	sdelay $0x1  }
0x1bc: {  	s7 =	sor.u32 $0x3, s7  }
0x1bd: {  	v23 =	vmov s7  }
0x1be: {  	vm12 =	veq.s32 v23, v0  }
0x1bf: {  	v22 =	vnsel vm12, $0x0, v22  }
0x1c0: {  	(xrf0) =	vadd.scan.msk.s32 $0xffff, v22;
	_ =	sdelay $0x5  }
0x1c1: {  	v22, _, _ =	vpop (xrf0)  }
0x1c2: {  	(v2sf) =	vpush v22, $0xF;
	_ =	sdelay $0xe  }
0x1c3: {  	s8 =	spop (v2sf)  }
0x1c4: {  	s7 =	sand.u32 $0xFFFFF80, s8  }
0x1c5: {  	s7 =	sadd.s32 s1, s7  }
0x1c6: {  	[tilespmem:s19], [sflag:$0x1] =	stream.strided.gather [hbm4b:s7+s10], $0x1000, s13, s10, $0x38;
	[tilespmem:$0x10600] =	vst v63  }
0x1c7: {  	v22 =	vld [tilespmem:s6+$0x200];
	_ =	sdelay $0x4  }
0x1c8: {  	v22 =	vnsel vm12, $0x0, v22  }
0x1c9: {  	(xrf0) =	vadd.scan.msk.s32 $0xffff, v22;
	_ =	sdelay $0x5  }
0x1ca: {  	v22, _, _ =	vpop (xrf0)  }
0x1cb: {  	(v2sf) =	vpush v22, $0xF;
	_ =	sdelay $0xd  }
.Ltmp5:
0x1cc: {  	_ = 	snop;
	(pc) =	sbr.rel .LBB2_4-.Ltmp5, $4  }
0x1cd: {  	s8 =	spop (v2sf)  }
0x1ce: {  	s6 =	sand.u32 $0xFFFFF80, s8  }
0x1cf: {  	s6 =	sadd.s32 s3, s6  }
0x1d0: {  	[tilespmem:s20], [sflag:$0x1] =	stream.strided.gather [hbm4b:s6+s10], $0x1000, s13, s10, $0x38;
	[tilespmem:$0x10600] =	vst v63  }
.LBB2_6:
0x1d1: {  	_ =	sfence.sel $0x180000  }
0x1d2: {  	[bflag:$0x0] =	sbarrier.arrive $0xFFFF  }
0x1d3: {  	_ =	strace $0x90000047  }
0x1d4: {  	s0 =	stileid.u32;
	[bflag:$0x2] =	sbarrier.arrive $0xFFFF  }
0x1d5: {  	p0 =	sne.s32 s0, $0x0;
	s0 =	rddreg [dreg:$0x5]  }
0x1d6: {  	s0 =	sadd.s32 @!p0 $0x100000, s0  }
0x1d7: {  	[sflag:s0] =	ssyncadd.tile.s32 @!p0 $0x1;
	_ =	shalt  }
.Lfunc_end2:
_tile_overlayer_lowered:
.L_overlay_start_2:
0x1d8: {  	(tag) =	ssettag $0x2  }
0x1d9: {  	s0 =	rddreg [dreg:$0x0];
	s2 =	stileid.u32  }
0x1da: {  	s1 =	rddreg [dreg:$0x1];
	p0 =	sne.s32 s2, $0x0  }
0x1db: {  	s3 =	rddreg [dreg:$0x2];
	[bflag:$0x3] =	sbarrier.arrive $0xFFFF;
	s2 =	simm.s32 @!p0 $0x1C03  }
0x1dc: {  	[timem:s3], [sflag:s2] =	dma.local @!p0 [hbm:s0], s1  }
0x1dd: {  	s0 =	simm.s32 @!p0 $0x3  }
0x1de: {  	_ =	swait.ge @!p0 [sflag:s0], s1  }
0x1df: {  	s1 =	ssub.s32 @!p0 $0x0, s1;
	[sflag:s0] =	ssyncset.done @!p0 $0x0  }
0x1e0: {  	[sflag:s0] =	ssyncadd.s32 @!p0 s1  }
0x1e1: {  	[bflag:$0x3] =	sbarrier.arrive $0xFFFF  }
0x1e2: {  	_ =	shalt  }

</sc_bundles>
